<compile_context>
chip_gen: v7x
topology: tpu7x:2x2x1
jax: 0.10.2.dev20260603
libtpu: 0.0.44.dev20260713+nightly
codegen_flags: <defaults>
</compile_context>

<pallas_src>
import functools

import jax
import jax.numpy as jnp
from jax import lax
from jax.experimental import pallas as pl
from jax.experimental.pallas import tpu as pltpu
from jax.experimental.pallas import tpu_sc as plsc

N_NODES = 10000
E_EDGES = 320000
D = 128
NC, NS = 2, 16
NW = NC * NS
K = 128
N_PAD = 10240
E_PAD = 327680
CHUNKS = E_PAD // (NW * K)
HALF = CHUNKS // 2
ROWS_PT = N_PAD // NS
ZCH = 32

_MESH = dict(core_axis_name="c", subcore_axis_name="s")


def _sc_degree(dst_idx, ones_k, zeros_deg):

    @functools.partial(
        pl.kernel,
        out_type=jax.ShapeDtypeStruct((NC, N_PAD), jnp.float32),
        mesh=plsc.VectorSubcoreMesh(**_MESH),
        scratch_types=[
            pltpu.VMEM((CHUNKS, K), jnp.int32),
            pltpu.VMEM((K,), jnp.float32),
            pltpu.VMEM_SHARED((N_PAD,), jnp.float32),
            pltpu.SemaphoreType.DMA,
        ],
    )
    def deg_kernel(dst_hbm, ones_hbm, zdeg_hbm, out_hbm, idx_v, ones_v, deg_sh,
                   sem):
        c = lax.axis_index("c")
        s = lax.axis_index("s")
        wid = c * NS + s
        pltpu.sync_copy(zdeg_hbm, deg_sh.at[pl.ds(s * ROWS_PT, ROWS_PT)])
        pltpu.sync_copy(ones_hbm, ones_v)
        pltpu.sync_copy(dst_hbm.at[wid], idx_v)
        plsc.subcore_barrier()

        def body(j, carry):
            pltpu.async_copy(ones_v, deg_sh.at[idx_v.at[j]], add=True, sem=sem)
            return carry

        lax.fori_loop(0, CHUNKS, body, 0)

        def drain(j, carry):
            pltpu.make_async_copy(ones_v, deg_sh.at[idx_v.at[0]], sem).wait()
            return carry

        lax.fori_loop(0, CHUNKS, drain, 0)
        plsc.subcore_barrier()
        pltpu.sync_copy(
            deg_sh.at[pl.ds(s * ROWS_PT, ROWS_PT)],
            out_hbm.at[c, pl.ds(s * ROWS_PT, ROWS_PT)],
        )

    return deg_kernel(dst_idx, ones_k, zeros_deg)


def _sc_hop(g, src_idx, dst_idx, zeros_rows):

    @functools.partial(
        pl.kernel,
        out_type=jax.ShapeDtypeStruct((NC, N_PAD, D), jnp.float32),
        mesh=plsc.VectorSubcoreMesh(**_MESH),
        scratch_types=[
            pltpu.VMEM((HALF, K), jnp.int32),
            pltpu.VMEM((HALF, K), jnp.int32),
            pltpu.VMEM((K, D), jnp.float32),
            pltpu.VMEM((K, D), jnp.float32),
            pltpu.VMEM_SHARED((N_PAD, D), jnp.float32),
            pltpu.SemaphoreType.DMA,
            pltpu.SemaphoreType.DMA,
            pltpu.SemaphoreType.DMA,
        ],
    )
    def hop_kernel(g_hbm, src_hbm, dst_hbm, zrows_hbm, out_hbm,
                   si_v, di_v, buf0, buf1, agg_sh, sem0, sem1, zsem):
        c = lax.axis_index("c")
        s = lax.axis_index("s")
        wid = c * NS + s

        def zcp(i, carry):
            pltpu.async_copy(
                zrows_hbm, agg_sh.at[pl.ds(s * ROWS_PT + i * ZCH, ZCH)], zsem)
            return carry

        lax.fori_loop(0, ROWS_PT // ZCH, zcp, 0)

        for h in range(2):
            pltpu.sync_copy(src_hbm.at[wid, pl.ds(h * HALF, HALF)], si_v)
            pltpu.sync_copy(dst_hbm.at[wid, pl.ds(h * HALF, HALF)], di_v)
            pltpu.async_copy(g_hbm.at[si_v.at[0]], buf0, sem0)
            pltpu.async_copy(g_hbm.at[si_v.at[1]], buf1, sem1)

            if h == 0:
                def zdr(i, carry):
                    pltpu.make_async_copy(
                        zrows_hbm, agg_sh.at[pl.ds(s * ROWS_PT, ZCH)],
                        zsem).wait()
                    return carry

                lax.fori_loop(0, ROWS_PT // ZCH, zdr, 0)
                plsc.subcore_barrier()

            def pair(i, carry):
                j = 2 * i
                pltpu.make_async_copy(g_hbm.at[si_v.at[j]], buf0, sem0).wait()
                pltpu.sync_copy(buf0, agg_sh.at[di_v.at[j]], add=True)
                pltpu.async_copy(g_hbm.at[si_v.at[j + 2]], buf0, sem0)
                pltpu.make_async_copy(g_hbm.at[si_v.at[j + 1]], buf1, sem1).wait()
                pltpu.sync_copy(buf1, agg_sh.at[di_v.at[j + 1]], add=True)
                pltpu.async_copy(g_hbm.at[si_v.at[j + 3]], buf1, sem1)
                return carry

            lax.fori_loop(0, (HALF - 2) // 2, pair, 0)
            pltpu.make_async_copy(g_hbm.at[si_v.at[HALF - 2]], buf0, sem0).wait()
            pltpu.sync_copy(buf0, agg_sh.at[di_v.at[HALF - 2]], add=True)
            pltpu.make_async_copy(g_hbm.at[si_v.at[HALF - 1]], buf1, sem1).wait()
            pltpu.sync_copy(buf1, agg_sh.at[di_v.at[HALF - 1]], add=True)
        plsc.subcore_barrier()
        pltpu.sync_copy(
            agg_sh.at[pl.ds(s * ROWS_PT, ROWS_PT)],
            out_hbm.at[c, pl.ds(s * ROWS_PT, ROWS_PT)],
        )

    return hop_kernel(g, src_idx, dst_idx, zeros_rows)


_R = 2048


def _tc_prep(deg_a, deg_b, feat):
    def body(da, db, f, norm_o, g0_o):
        deg = jnp.maximum(da[...] + db[...], 1.0)
        nrm = lax.rsqrt(deg)
        norm_o[...] = nrm
        g0_o[...] = f[...] * nrm

    return pl.pallas_call(
        body,
        grid=(N_PAD // _R,),
        in_specs=[
            pl.BlockSpec((_R, 1), lambda i: (i, 0)),
            pl.BlockSpec((_R, 1), lambda i: (i, 0)),
            pl.BlockSpec((_R, D), lambda i: (i, 0)),
        ],
        out_specs=[
            pl.BlockSpec((_R, 1), lambda i: (i, 0)),
            pl.BlockSpec((_R, D), lambda i: (i, 0)),
        ],
        out_shape=[
            jax.ShapeDtypeStruct((N_PAD, 1), jnp.float32),
            jax.ShapeDtypeStruct((N_PAD, D), jnp.float32),
        ],
    )(deg_a, deg_b, feat)


def _tc_mid(partials, norm):
    def body(p, nrm, h_o, g_o):
        h = (p[0] + p[1]) * nrm[...]
        h_o[...] = h
        g_o[...] = h * nrm[...]

    return pl.pallas_call(
        body,
        grid=(N_PAD // _R,),
        in_specs=[
            pl.BlockSpec((NC, _R, D), lambda i: (0, i, 0)),
            pl.BlockSpec((_R, 1), lambda i: (i, 0)),
        ],
        out_specs=[
            pl.BlockSpec((_R, D), lambda i: (i, 0)),
            pl.BlockSpec((_R, D), lambda i: (i, 0)),
        ],
        out_shape=[
            jax.ShapeDtypeStruct((N_PAD, D), jnp.float32),
            jax.ShapeDtypeStruct((N_PAD, D), jnp.float32),
        ],
    )(partials, norm)


def _tc_base(feat, h1, w01, b2):

    def body(f, h, wr, br, o):
        wf = wr[...]
        acc = jnp.dot(f[...], wf[0:D], preferred_element_type=jnp.float32)
        acc = acc + jnp.dot(h[...], wf[D:2 * D], preferred_element_type=jnp.float32)
        o[...] = acc + br[...]

    return pl.pallas_call(
        body,
        grid=(N_PAD // _R,),
        in_specs=[
            pl.BlockSpec((_R, D), lambda i: (i, 0)),
            pl.BlockSpec((_R, D), lambda i: (i, 0)),
            pl.BlockSpec((2 * D, D), lambda i: (0, 0)),
            pl.BlockSpec((1, D), lambda i: (0, 0)),
        ],
        out_specs=pl.BlockSpec((_R, D), lambda i: (i, 0)),
        out_shape=jax.ShapeDtypeStruct((N_PAD, D), jnp.float32),
    )(feat, h1, w01, b2)


def _tc_final(partials, norm, base, w2):
    def body(q, nrm, bs, wr, o):
        h2 = (q[0] + q[1]) * nrm[...]
        o[...] = bs[...] + jnp.dot(h2, wr[...], preferred_element_type=jnp.float32)

    return pl.pallas_call(
        body,
        grid=(N_PAD // _R,),
        in_specs=[
            pl.BlockSpec((NC, _R, D), lambda i: (0, i, 0)),
            pl.BlockSpec((_R, 1), lambda i: (i, 0)),
            pl.BlockSpec((_R, D), lambda i: (i, 0)),
            pl.BlockSpec((D, D), lambda i: (0, 0)),
        ],
        out_specs=pl.BlockSpec((_R, D), lambda i: (i, 0)),
        out_shape=jax.ShapeDtypeStruct((N_PAD, D), jnp.float32),
    )(partials, norm, base, w2)


def kernel(feat, edge_index, W, b):
    pad_ids = N_NODES + jnp.arange(E_PAD - E_EDGES, dtype=jnp.int32) % (
        N_PAD - N_NODES)
    pad_e = jnp.stack([pad_ids, pad_ids])
    ei = jnp.concatenate([edge_index, pad_e], axis=1)
    src = ei[0].reshape(NW, CHUNKS, K)
    dst = ei[1].reshape(NW, CHUNKS, K)
    ones_k = jnp.ones((K,), jnp.float32)
    zeros_deg = jnp.zeros((ROWS_PT,), jnp.float32)
    zeros_rows = jnp.zeros((ZCH, D), jnp.float32)
    feat_p = jnp.pad(feat, ((0, N_PAD - N_NODES), (0, 0)))

    deg_p = _sc_degree(dst, ones_k, zeros_deg)
    deg_a = deg_p[0].reshape(N_PAD, 1)
    deg_b = deg_p[1].reshape(N_PAD, 1)
    norm, g0 = _tc_prep(deg_a, deg_b, feat_p)
    p1 = _sc_hop(g0, src, dst, zeros_rows)
    h1, g1 = _tc_mid(p1, norm)
    base = _tc_base(feat_p, h1, W[:2 * D], b.reshape(1, D))
    p2 = _sc_hop(g1, src, dst, zeros_rows)
    out = _tc_final(p2, norm, base, W[2 * D:])
    return out[:N_NODES]

# --- scband reference (transcript-rebuilt; emitter-appended) ---
"""Pipeline reference for scband-diffusion-graph-conv-87565793230931 (READ-ONLY COPY).

The authoritative reference and input builder live on the scoring server;
editing this copy changes nothing except your own understanding.
"""

import jax, jax.numpy as jnp
import numpy as np

N = 10000
E = 320000
D = 128
HOPS = 2
OUT = 128

def setup_inputs(seed: int = 0) -> dict:
    key = jax.random.key(seed)
    k1, k2, k3 = jax.random.split(key, 3)
    feat = jax.random.normal(k1, (N, D), dtype=jnp.float32)
    edge_index = jax.random.randint(k2, (2, E), 0, N, dtype=jnp.int32)
    W = jax.random.normal(k3, (D * (HOPS + 1), OUT), dtype=jnp.float32) * 0.02
    b = jnp.zeros((OUT,), dtype=jnp.float32)
    return {"feat": feat, "edge_index": edge_index, "W": W, "b": b}

def reference(feat, edge_index, W, b):
    src = edge_index[0]
    dst = edge_index[1]
    # in_degrees, clamped to min 1
    deg = jnp.zeros((N,), dtype=jnp.float32).at[dst].add(1.0)
    deg = jnp.maximum(deg, 1.0)
    norm = jnp.power(deg, -0.5)
    feat_list = [feat]
    h = feat
    for _ in range(HOPS):
        # message = h_src * norm_src, aggregated by sum at dst (symmetric normalization)
        m = h[src] * norm[src][:, None]
        agg = jnp.zeros((N, h.shape[1]), dtype=h.dtype).at[dst].add(m)
        h = agg * norm[:, None]
        feat_list.append(h)
    feat_concat = jnp.concatenate(feat_list, axis=-1)
    return feat_concat @ W + b

if __name__ == "__main__":
    import jax
    _d = setup_inputs()
    print(jax.jit(kernel)(*tuple(_d.values())))

</pallas_src>

<mosaic_0001>
#map = affine_map<(d0, d1) -> (0, 0)>
#map1 = affine_map<(d0, d1) -> (0, 0, 0)>
module attributes {stable_mosaic.version = 14 : i64} {
  func.func @hop_kernel(%arg0: i32, %arg1: i32, %arg2: memref<10240x128xf32, #tpu.memory_space<hbm>>, %arg3: memref<32x80x128xi32, #tpu.memory_space<hbm>>, %arg4: memref<32x80x128xi32, #tpu.memory_space<hbm>>, %arg5: memref<32x128xf32, #tpu.memory_space<hbm>>, %arg6: memref<2x10240x128xf32, #tpu.memory_space<hbm>>, %arg7: memref<40x128xi32, #tpu.memory_space<vmem>>, %arg8: memref<40x128xi32, #tpu.memory_space<vmem>>, %arg9: memref<128x128xf32, #tpu.memory_space<vmem>>, %arg10: memref<128x128xf32, #tpu.memory_space<vmem>>, %arg11: memref<10240x128xf32, #tpu.memory_space<vmem_shared>>, %arg12: memref<!tpu.dma_semaphore, #tpu.memory_space<semaphore_mem>>, %arg13: memref<!tpu.dma_semaphore, #tpu.memory_space<semaphore_mem>>, %arg14: memref<!tpu.dma_semaphore, #tpu.memory_space<semaphore_mem>>) attributes {dimension_semantics = [#tpu.dimension_semantics<core_parallel>, #tpu.dimension_semantics<subcore_parallel>], iteration_bounds = array<i64: 2, 16>, scalar_prefetch = 0 : i64, scratch_operands = 8 : i64, tpu.core_type = #tpu.core_type<sc_vector_subcore>, window_params = [{transform_indices = #map}, {transform_indices = #map1}, {transform_indices = #map1}, {transform_indices = #map}, {transform_indices = #map1}]} {
    %mul3A = arith.constant 16 : i32
    %mul3A_0 = arith.muli %arg0, %mul3A : i32
    %add3A = arith.addi %mul3A_0, %arg1 : i32
    %scan3A = arith.constant 0 : i32
    %scan3A_1 = arith.constant 0 : i32
    %scan3A_2 = arith.constant 20 : i32
    %scan3A_3 = arith.addi %scan3A_1, %scan3A_2 : i32
    %scan3A_4 = arith.constant 1 : i32
    scf.for %scan3A_86 = %scan3A_1 to %scan3A_3 step %scan3A_4  : i32 {
      %mul3A_87 = arith.constant 640 : i32
      %mul3A_88 = arith.muli %arg1, %mul3A_87 : i32
      %mul3A_89 = arith.constant 32 : i32
      %mul3A_90 = arith.muli %scan3A_86, %mul3A_89 : i32
      %add3A_91 = arith.addi %mul3A_88, %mul3A_90 : i32
      %dma_start3A_92 = arith.constant 0 : i32
      %dma_start3A_93 = tpu.memref_slice %arg11[%add3A_91, %dma_start3A_92] : memref<10240x128xf32, #tpu.memory_space<vmem_shared>> -> memref<32x128xf32, #tpu.memory_space<vmem_shared>>
      tpu.enqueue_dma source(%arg5 : memref<32x128xf32, #tpu.memory_space<hbm>>) target(%dma_start3A_93 : memref<32x128xf32, #tpu.memory_space<vmem_shared>>) target_semaphore(%arg14 : memref<!tpu.dma_semaphore, #tpu.memory_space<semaphore_mem>>)
    }
    %scan3A_5 = arith.constant 20 : i32
    "tpu.region"() ({
      %run_scoped3A_86 = tpu.sem_alloc : memref<!tpu.dma_semaphore, #tpu.memory_space<semaphore_mem>>
      %dma_start3A_87 = arith.constant 0 : i32
      %dma_start3A_88 = arith.constant 0 : i32
      %dma_start3A_89 = tpu.memref_slice %arg3[%add3A, %dma_start3A_87, %dma_start3A_88] : memref<32x80x128xi32, #tpu.memory_space<hbm>> -> memref<1x40x128xi32, #tpu.memory_space<hbm>>
      %dma_start3A_90 = tpu.memref_squeeze %dma_start3A_89 : memref<1x40x128xi32, #tpu.memory_space<hbm>> -> memref<40x128xi32, #tpu.memory_space<hbm>>
      %dma_start3A_91 = arith.constant 0 : i32
      %dma_start3A_92 = arith.constant 0 : i32
      %dma_start3A_93 = tpu.memref_slice %arg3[%add3A, %dma_start3A_91, %dma_start3A_92] : memref<32x80x128xi32, #tpu.memory_space<hbm>> -> memref<1x40x128xi32, #tpu.memory_space<hbm>>
      %dma_start3A_94 = tpu.memref_squeeze %dma_start3A_93 : memref<1x40x128xi32, #tpu.memory_space<hbm>> -> memref<40x128xi32, #tpu.memory_space<hbm>>
      tpu.enqueue_dma source(%dma_start3A_94 : memref<40x128xi32, #tpu.memory_space<hbm>>) target(%arg7 : memref<40x128xi32, #tpu.memory_space<vmem>>) target_semaphore(%run_scoped3A_86 : memref<!tpu.dma_semaphore, #tpu.memory_space<semaphore_mem>>)
      %dma_wait3A_95 = arith.constant 0 : i32
      %dma_wait3A_96 = arith.constant 0 : i32
      %dma_wait3A_97 = tpu.memref_slice %arg3[%add3A, %dma_wait3A_95, %dma_wait3A_96] : memref<32x80x128xi32, #tpu.memory_space<hbm>> -> memref<1x40x128xi32, #tpu.memory_space<hbm>>
      %dma_wait3A_98 = tpu.memref_squeeze %dma_wait3A_97 : memref<1x40x128xi32, #tpu.memory_space<hbm>> -> memref<40x128xi32, #tpu.memory_space<hbm>>
      %dma_wait3A_99 = arith.constant 0 : i32
      %dma_wait3A_100 = arith.constant 0 : i32
      %dma_wait3A_101 = tpu.memref_slice %arg3[%add3A, %dma_wait3A_99, %dma_wait3A_100] : memref<32x80x128xi32, #tpu.memory_space<hbm>> -> memref<1x40x128xi32, #tpu.memory_space<hbm>>
      %dma_wait3A_102 = tpu.memref_squeeze %dma_wait3A_101 : memref<1x40x128xi32, #tpu.memory_space<hbm>> -> memref<40x128xi32, #tpu.memory_space<hbm>>
      tpu.wait_dma2 semaphore(%run_scoped3A_86 : memref<!tpu.dma_semaphore, #tpu.memory_space<semaphore_mem>>) src(%dma_wait3A_102 : memref<40x128xi32, #tpu.memory_space<hbm>>) dst(%arg7 : memref<40x128xi32, #tpu.memory_space<vmem>>)
      tpu.yield
    }) : () -> ()
    "tpu.region"() ({
      %run_scoped3A_86 = tpu.sem_alloc : memref<!tpu.dma_semaphore, #tpu.memory_space<semaphore_mem>>
      %dma_start3A_87 = arith.constant 0 : i32
      %dma_start3A_88 = arith.constant 0 : i32
      %dma_start3A_89 = tpu.memref_slice %arg4[%add3A, %dma_start3A_87, %dma_start3A_88] : memref<32x80x128xi32, #tpu.memory_space<hbm>> -> memref<1x40x128xi32, #tpu.memory_space<hbm>>
      %dma_start3A_90 = tpu.memref_squeeze %dma_start3A_89 : memref<1x40x128xi32, #tpu.memory_space<hbm>> -> memref<40x128xi32, #tpu.memory_space<hbm>>
      %dma_start3A_91 = arith.constant 0 : i32
      %dma_start3A_92 = arith.constant 0 : i32
      %dma_start3A_93 = tpu.memref_slice %arg4[%add3A, %dma_start3A_91, %dma_start3A_92] : memref<32x80x128xi32, #tpu.memory_space<hbm>> -> memref<1x40x128xi32, #tpu.memory_space<hbm>>
      %dma_start3A_94 = tpu.memref_squeeze %dma_start3A_93 : memref<1x40x128xi32, #tpu.memory_space<hbm>> -> memref<40x128xi32, #tpu.memory_space<hbm>>
      tpu.enqueue_dma source(%dma_start3A_94 : memref<40x128xi32, #tpu.memory_space<hbm>>) target(%arg8 : memref<40x128xi32, #tpu.memory_space<vmem>>) target_semaphore(%run_scoped3A_86 : memref<!tpu.dma_semaphore, #tpu.memory_space<semaphore_mem>>)
      %dma_wait3A_95 = arith.constant 0 : i32
      %dma_wait3A_96 = arith.constant 0 : i32
      %dma_wait3A_97 = tpu.memref_slice %arg4[%add3A, %dma_wait3A_95, %dma_wait3A_96] : memref<32x80x128xi32, #tpu.memory_space<hbm>> -> memref<1x40x128xi32, #tpu.memory_space<hbm>>
      %dma_wait3A_98 = tpu.memref_squeeze %dma_wait3A_97 : memref<1x40x128xi32, #tpu.memory_space<hbm>> -> memref<40x128xi32, #tpu.memory_space<hbm>>
      %dma_wait3A_99 = arith.constant 0 : i32
      %dma_wait3A_100 = arith.constant 0 : i32
      %dma_wait3A_101 = tpu.memref_slice %arg4[%add3A, %dma_wait3A_99, %dma_wait3A_100] : memref<32x80x128xi32, #tpu.memory_space<hbm>> -> memref<1x40x128xi32, #tpu.memory_space<hbm>>
      %dma_wait3A_102 = tpu.memref_squeeze %dma_wait3A_101 : memref<1x40x128xi32, #tpu.memory_space<hbm>> -> memref<40x128xi32, #tpu.memory_space<hbm>>
      tpu.wait_dma2 semaphore(%run_scoped3A_86 : memref<!tpu.dma_semaphore, #tpu.memory_space<semaphore_mem>>) src(%dma_wait3A_102 : memref<40x128xi32, #tpu.memory_space<hbm>>) dst(%arg8 : memref<40x128xi32, #tpu.memory_space<vmem>>)
      tpu.yield
    }) : () -> ()
    %dma_start3A = arith.constant 0 : i32
    %dma_start3A_6 = arith.constant 0 : i32
    %dma_start3A_7 = tpu.memref_slice %arg7[%dma_start3A, %dma_start3A_6] : memref<40x128xi32, #tpu.memory_space<vmem>> -> memref<1x128xi32, #tpu.memory_space<vmem>>
    %dma_start3A_8 = tpu.memref_squeeze %dma_start3A_7 : memref<1x128xi32, #tpu.memory_space<vmem>> -> memref<128xi32, #tpu.memory_space<vmem>>
    %dma_start3A_9 = arith.constant 0 : i32
    %dma_start3A_10 = arith.constant 0 : i32
    %dma_start3A_11 = tpu.memref_slice %arg2[%dma_start3A_9, %dma_start3A_10] : memref<10240x128xf32, #tpu.memory_space<hbm>> -> memref<10240x128xf32, #tpu.memory_space<hbm>>
    tpu.enqueue_indirect_dma source(%dma_start3A_11 : memref<10240x128xf32, #tpu.memory_space<hbm>>) target(%arg9 : memref<128x128xf32, #tpu.memory_space<vmem>>) offsets(%dma_start3A_8 : memref<128xi32, #tpu.memory_space<vmem>>) semaphore(%arg12 : memref<!tpu.dma_semaphore, #tpu.memory_space<semaphore_mem>>)
    %dma_start3A_12 = arith.constant 1 : i32
    %dma_start3A_13 = arith.constant 0 : i32
    %dma_start3A_14 = tpu.memref_slice %arg7[%dma_start3A_12, %dma_start3A_13] : memref<40x128xi32, #tpu.memory_space<vmem>> -> memref<1x128xi32, #tpu.memory_space<vmem>>
    %dma_start3A_15 = tpu.memref_squeeze %dma_start3A_14 : memref<1x128xi32, #tpu.memory_space<vmem>> -> memref<128xi32, #tpu.memory_space<vmem>>
    %dma_start3A_16 = arith.constant 0 : i32
    %dma_start3A_17 = arith.constant 0 : i32
    %dma_start3A_18 = tpu.memref_slice %arg2[%dma_start3A_16, %dma_start3A_17] : memref<10240x128xf32, #tpu.memory_space<hbm>> -> memref<10240x128xf32, #tpu.memory_space<hbm>>
    tpu.enqueue_indirect_dma source(%dma_start3A_18 : memref<10240x128xf32, #tpu.memory_space<hbm>>) target(%arg10 : memref<128x128xf32, #tpu.memory_space<vmem>>) offsets(%dma_start3A_15 : memref<128xi32, #tpu.memory_space<vmem>>) semaphore(%arg13 : memref<!tpu.dma_semaphore, #tpu.memory_space<semaphore_mem>>)
    %scan3A_19 = arith.constant 0 : i32
    %scan3A_20 = arith.constant 0 : i32
    %scan3A_21 = arith.constant 20 : i32
    %scan3A_22 = arith.addi %scan3A_20, %scan3A_21 : i32
    %scan3A_23 = arith.constant 1 : i32
    scf.for %scan3A_86 = %scan3A_20 to %scan3A_22 step %scan3A_23  : i32 {
      %mul3A_87 = arith.constant 640 : i32
      %mul3A_88 = arith.muli %arg1, %mul3A_87 : i32
      %dma_wait3A_89 = arith.constant 0 : i32
      %dma_wait3A_90 = tpu.memref_slice %arg11[%mul3A_88, %dma_wait3A_89] : memref<10240x128xf32, #tpu.memory_space<vmem_shared>> -> memref<32x128xf32, #tpu.memory_space<vmem_shared>>
      tpu.wait_dma2 semaphore(%arg14 : memref<!tpu.dma_semaphore, #tpu.memory_space<semaphore_mem>>) src(%arg5 : memref<32x128xf32, #tpu.memory_space<hbm>>) dst(%dma_wait3A_90 : memref<32x128xf32, #tpu.memory_space<vmem_shared>>)
    }
    %scan3A_24 = arith.constant 20 : i32
    %barrier3A = arith.constant 0 : index
    tpu.barrier barrier_id(%barrier3A)
    %scan3A_25 = arith.constant 0 : i32
    %scan3A_26 = arith.constant 0 : i32
    %scan3A_27 = arith.constant 19 : i32
    %scan3A_28 = arith.addi %scan3A_26, %scan3A_27 : i32
    %scan3A_29 = arith.constant 1 : i32
    scf.for %scan3A_86 = %scan3A_26 to %scan3A_28 step %scan3A_29  : i32 {
      %mul3A_87 = arith.constant 2 : i32
      %mul3A_88 = arith.muli %mul3A_87, %scan3A_86 : i32
      %dma_wait3A_89 = arith.constant 0 : i32
      %dma_wait3A_90 = tpu.memref_slice %arg7[%mul3A_88, %dma_wait3A_89] : memref<40x128xi32, #tpu.memory_space<vmem>> -> memref<1x128xi32, #tpu.memory_space<vmem>>
      %dma_wait3A_91 = tpu.memref_squeeze %dma_wait3A_90 : memref<1x128xi32, #tpu.memory_space<vmem>> -> memref<128xi32, #tpu.memory_space<vmem>>
      %dma_wait3A_92 = arith.constant 0 : i32
      %dma_wait3A_93 = arith.constant 0 : i32
      %dma_wait3A_94 = tpu.memref_slice %arg2[%dma_wait3A_92, %dma_wait3A_93] : memref<10240x128xf32, #tpu.memory_space<hbm>> -> memref<10240x128xf32, #tpu.memory_space<hbm>>
      tpu.wait_indirect_dma semaphore(%arg12 : memref<!tpu.dma_semaphore, #tpu.memory_space<semaphore_mem>>) src(%dma_wait3A_94 : memref<10240x128xf32, #tpu.memory_space<hbm>>) dst(%arg9 : memref<128x128xf32, #tpu.memory_space<vmem>>)
      "tpu.region"() ({
        %run_scoped3A_121 = tpu.sem_alloc : memref<!tpu.dma_semaphore, #tpu.memory_space<semaphore_mem>>
        %dma_start3A_122 = arith.constant 0 : i32
        %dma_start3A_123 = tpu.memref_slice %arg8[%mul3A_88, %dma_start3A_122] : memref<40x128xi32, #tpu.memory_space<vmem>> -> memref<1x128xi32, #tpu.memory_space<vmem>>
        %dma_start3A_124 = tpu.memref_squeeze %dma_start3A_123 : memref<1x128xi32, #tpu.memory_space<vmem>> -> memref<128xi32, #tpu.memory_space<vmem>>
        %dma_start3A_125 = arith.constant 0 : i32
        %dma_start3A_126 = arith.constant 0 : i32
        %dma_start3A_127 = tpu.memref_slice %arg11[%dma_start3A_125, %dma_start3A_126] : memref<10240x128xf32, #tpu.memory_space<vmem_shared>> -> memref<10240x128xf32, #tpu.memory_space<vmem_shared>>
        tpu.enqueue_indirect_dma source(%arg9 : memref<128x128xf32, #tpu.memory_space<vmem>>) target(%dma_start3A_127 : memref<10240x128xf32, #tpu.memory_space<vmem_shared>>) offsets(%dma_start3A_124 : memref<128xi32, #tpu.memory_space<vmem>>) semaphore(%run_scoped3A_121 : memref<!tpu.dma_semaphore, #tpu.memory_space<semaphore_mem>>) {add = true}
        %dma_wait3A_128 = arith.constant 0 : i32
        %dma_wait3A_129 = tpu.memref_slice %arg8[%mul3A_88, %dma_wait3A_128] : memref<40x128xi32, #tpu.memory_space<vmem>> -> memref<1x128xi32, #tpu.memory_space<vmem>>
        %dma_wait3A_130 = tpu.memref_squeeze %dma_wait3A_129 : memref<1x128xi32, #tpu.memory_space<vmem>> -> memref<128xi32, #tpu.memory_space<vmem>>
        %dma_wait3A_131 = arith.constant 0 : i32
        %dma_wait3A_132 = arith.constant 0 : i32
        %dma_wait3A_133 = tpu.memref_slice %arg11[%dma_wait3A_131, %dma_wait3A_132] : memref<10240x128xf32, #tpu.memory_space<vmem_shared>> -> memref<10240x128xf32, #tpu.memory_space<vmem_shared>>
        tpu.wait_indirect_dma semaphore(%run_scoped3A_121 : memref<!tpu.dma_semaphore, #tpu.memory_space<semaphore_mem>>) src(%arg9 : memref<128x128xf32, #tpu.memory_space<vmem>>) dst(%dma_wait3A_133 : memref<10240x128xf32, #tpu.memory_space<vmem_shared>>)
        tpu.yield
      }) : () -> ()
      %add3A_95 = arith.constant 2 : i32
      %add3A_96 = arith.addi %mul3A_88, %add3A_95 : i32
      %dma_start3A_97 = arith.constant 0 : i32
      %dma_start3A_98 = tpu.memref_slice %arg7[%add3A_96, %dma_start3A_97] : memref<40x128xi32, #tpu.memory_space<vmem>> -> memref<1x128xi32, #tpu.memory_space<vmem>>
      %dma_start3A_99 = tpu.memref_squeeze %dma_start3A_98 : memref<1x128xi32, #tpu.memory_space<vmem>> -> memref<128xi32, #tpu.memory_space<vmem>>
      %dma_start3A_100 = arith.constant 0 : i32
      %dma_start3A_101 = arith.constant 0 : i32
      %dma_start3A_102 = tpu.memref_slice %arg2[%dma_start3A_100, %dma_start3A_101] : memref<10240x128xf32, #tpu.memory_space<hbm>> -> memref<10240x128xf32, #tpu.memory_space<hbm>>
      tpu.enqueue_indirect_dma source(%dma_start3A_102 : memref<10240x128xf32, #tpu.memory_space<hbm>>) target(%arg9 : memref<128x128xf32, #tpu.memory_space<vmem>>) offsets(%dma_start3A_99 : memref<128xi32, #tpu.memory_space<vmem>>) semaphore(%arg12 : memref<!tpu.dma_semaphore, #tpu.memory_space<semaphore_mem>>)
      %add3A_103 = arith.constant 1 : i32
      %add3A_104 = arith.addi %mul3A_88, %add3A_103 : i32
      %dma_wait3A_105 = arith.constant 0 : i32
      %dma_wait3A_106 = tpu.memref_slice %arg7[%add3A_104, %dma_wait3A_105] : memref<40x128xi32, #tpu.memory_space<vmem>> -> memref<1x128xi32, #tpu.memory_space<vmem>>
      %dma_wait3A_107 = tpu.memref_squeeze %dma_wait3A_106 : memref<1x128xi32, #tpu.memory_space<vmem>> -> memref<128xi32, #tpu.memory_space<vmem>>
      %dma_wait3A_108 = arith.constant 0 : i32
      %dma_wait3A_109 = arith.constant 0 : i32
      %dma_wait3A_110 = tpu.memref_slice %arg2[%dma_wait3A_108, %dma_wait3A_109] : memref<10240x128xf32, #tpu.memory_space<hbm>> -> memref<10240x128xf32, #tpu.memory_space<hbm>>
      tpu.wait_indirect_dma semaphore(%arg13 : memref<!tpu.dma_semaphore, #tpu.memory_space<semaphore_mem>>) src(%dma_wait3A_110 : memref<10240x128xf32, #tpu.memory_space<hbm>>) dst(%arg10 : memref<128x128xf32, #tpu.memory_space<vmem>>)
      %add3A_111 = arith.constant 1 : i32
      %add3A_112 = arith.addi %mul3A_88, %add3A_111 : i32
      "tpu.region"() ({
        %run_scoped3A_121 = tpu.sem_alloc : memref<!tpu.dma_semaphore, #tpu.memory_space<semaphore_mem>>
        %dma_start3A_122 = arith.constant 0 : i32
        %dma_start3A_123 = tpu.memref_slice %arg8[%add3A_112, %dma_start3A_122] : memref<40x128xi32, #tpu.memory_space<vmem>> -> memref<1x128xi32, #tpu.memory_space<vmem>>
        %dma_start3A_124 = tpu.memref_squeeze %dma_start3A_123 : memref<1x128xi32, #tpu.memory_space<vmem>> -> memref<128xi32, #tpu.memory_space<vmem>>
        %dma_start3A_125 = arith.constant 0 : i32
        %dma_start3A_126 = arith.constant 0 : i32
        %dma_start3A_127 = tpu.memref_slice %arg11[%dma_start3A_125, %dma_start3A_126] : memref<10240x128xf32, #tpu.memory_space<vmem_shared>> -> memref<10240x128xf32, #tpu.memory_space<vmem_shared>>
        tpu.enqueue_indirect_dma source(%arg10 : memref<128x128xf32, #tpu.memory_space<vmem>>) target(%dma_start3A_127 : memref<10240x128xf32, #tpu.memory_space<vmem_shared>>) offsets(%dma_start3A_124 : memref<128xi32, #tpu.memory_space<vmem>>) semaphore(%run_scoped3A_121 : memref<!tpu.dma_semaphore, #tpu.memory_space<semaphore_mem>>) {add = true}
        %dma_wait3A_128 = arith.constant 0 : i32
        %dma_wait3A_129 = tpu.memref_slice %arg8[%add3A_112, %dma_wait3A_128] : memref<40x128xi32, #tpu.memory_space<vmem>> -> memref<1x128xi32, #tpu.memory_space<vmem>>
        %dma_wait3A_130 = tpu.memref_squeeze %dma_wait3A_129 : memref<1x128xi32, #tpu.memory_space<vmem>> -> memref<128xi32, #tpu.memory_space<vmem>>
        %dma_wait3A_131 = arith.constant 0 : i32
        %dma_wait3A_132 = arith.constant 0 : i32
        %dma_wait3A_133 = tpu.memref_slice %arg11[%dma_wait3A_131, %dma_wait3A_132] : memref<10240x128xf32, #tpu.memory_space<vmem_shared>> -> memref<10240x128xf32, #tpu.memory_space<vmem_shared>>
        tpu.wait_indirect_dma semaphore(%run_scoped3A_121 : memref<!tpu.dma_semaphore, #tpu.memory_space<semaphore_mem>>) src(%arg10 : memref<128x128xf32, #tpu.memory_space<vmem>>) dst(%dma_wait3A_133 : memref<10240x128xf32, #tpu.memory_space<vmem_shared>>)
        tpu.yield
      }) : () -> ()
      %add3A_113 = arith.constant 3 : i32
      %add3A_114 = arith.addi %mul3A_88, %add3A_113 : i32
      %dma_start3A_115 = arith.constant 0 : i32
      %dma_start3A_116 = tpu.memref_slice %arg7[%add3A_114, %dma_start3A_115] : memref<40x128xi32, #tpu.memory_space<vmem>> -> memref<1x128xi32, #tpu.memory_space<vmem>>
      %dma_start3A_117 = tpu.memref_squeeze %dma_start3A_116 : memref<1x128xi32, #tpu.memory_space<vmem>> -> memref<128xi32, #tpu.memory_space<vmem>>
      %dma_start3A_118 = arith.constant 0 : i32
      %dma_start3A_119 = arith.constant 0 : i32
      %dma_start3A_120 = tpu.memref_slice %arg2[%dma_start3A_118, %dma_start3A_119] : memref<10240x128xf32, #tpu.memory_space<hbm>> -> memref<10240x128xf32, #tpu.memory_space<hbm>>
      tpu.enqueue_indirect_dma source(%dma_start3A_120 : memref<10240x128xf32, #tpu.memory_space<hbm>>) target(%arg10 : memref<128x128xf32, #tpu.memory_space<vmem>>) offsets(%dma_start3A_117 : memref<128xi32, #tpu.memory_space<vmem>>) semaphore(%arg13 : memref<!tpu.dma_semaphore, #tpu.memory_space<semaphore_mem>>)
    }
    %scan3A_30 = arith.constant 19 : i32
    %dma_wait3A = arith.constant 38 : i32
    %dma_wait3A_31 = arith.constant 0 : i32
    %dma_wait3A_32 = tpu.memref_slice %arg7[%dma_wait3A, %dma_wait3A_31] : memref<40x128xi32, #tpu.memory_space<vmem>> -> memref<1x128xi32, #tpu.memory_space<vmem>>
    %dma_wait3A_33 = tpu.memref_squeeze %dma_wait3A_32 : memref<1x128xi32, #tpu.memory_space<vmem>> -> memref<128xi32, #tpu.memory_space<vmem>>
    %dma_wait3A_34 = arith.constant 0 : i32
    %dma_wait3A_35 = arith.constant 0 : i32
    %dma_wait3A_36 = tpu.memref_slice %arg2[%dma_wait3A_34, %dma_wait3A_35] : memref<10240x128xf32, #tpu.memory_space<hbm>> -> memref<10240x128xf32, #tpu.memory_space<hbm>>
    tpu.wait_indirect_dma semaphore(%arg12 : memref<!tpu.dma_semaphore, #tpu.memory_space<semaphore_mem>>) src(%dma_wait3A_36 : memref<10240x128xf32, #tpu.memory_space<hbm>>) dst(%arg9 : memref<128x128xf32, #tpu.memory_space<vmem>>)
    %run_scoped3A = arith.constant 38 : i32
    "tpu.region"() ({
      %run_scoped3A_86 = tpu.sem_alloc : memref<!tpu.dma_semaphore, #tpu.memory_space<semaphore_mem>>
      %dma_start3A_87 = arith.constant 0 : i32
      %dma_start3A_88 = tpu.memref_slice %arg8[%run_scoped3A, %dma_start3A_87] : memref<40x128xi32, #tpu.memory_space<vmem>> -> memref<1x128xi32, #tpu.memory_space<vmem>>
      %dma_start3A_89 = tpu.memref_squeeze %dma_start3A_88 : memref<1x128xi32, #tpu.memory_space<vmem>> -> memref<128xi32, #tpu.memory_space<vmem>>
      %dma_start3A_90 = arith.constant 0 : i32
      %dma_start3A_91 = arith.constant 0 : i32
      %dma_start3A_92 = tpu.memref_slice %arg11[%dma_start3A_90, %dma_start3A_91] : memref<10240x128xf32, #tpu.memory_space<vmem_shared>> -> memref<10240x128xf32, #tpu.memory_space<vmem_shared>>
      tpu.enqueue_indirect_dma source(%arg9 : memref<128x128xf32, #tpu.memory_space<vmem>>) target(%dma_start3A_92 : memref<10240x128xf32, #tpu.memory_space<vmem_shared>>) offsets(%dma_start3A_89 : memref<128xi32, #tpu.memory_space<vmem>>) semaphore(%run_scoped3A_86 : memref<!tpu.dma_semaphore, #tpu.memory_space<semaphore_mem>>) {add = true}
      %dma_wait3A_93 = arith.constant 0 : i32
      %dma_wait3A_94 = tpu.memref_slice %arg8[%run_scoped3A, %dma_wait3A_93] : memref<40x128xi32, #tpu.memory_space<vmem>> -> memref<1x128xi32, #tpu.memory_space<vmem>>
      %dma_wait3A_95 = tpu.memref_squeeze %dma_wait3A_94 : memref<1x128xi32, #tpu.memory_space<vmem>> -> memref<128xi32, #tpu.memory_space<vmem>>
      %dma_wait3A_96 = arith.constant 0 : i32
      %dma_wait3A_97 = arith.constant 0 : i32
      %dma_wait3A_98 = tpu.memref_slice %arg11[%dma_wait3A_96, %dma_wait3A_97] : memref<10240x128xf32, #tpu.memory_space<vmem_shared>> -> memref<10240x128xf32, #tpu.memory_space<vmem_shared>>
      tpu.wait_indirect_dma semaphore(%run_scoped3A_86 : memref<!tpu.dma_semaphore, #tpu.memory_space<semaphore_mem>>) src(%arg9 : memref<128x128xf32, #tpu.memory_space<vmem>>) dst(%dma_wait3A_98 : memref<10240x128xf32, #tpu.memory_space<vmem_shared>>)
      tpu.yield
    }) : () -> ()
    %dma_wait3A_37 = arith.constant 39 : i32
    %dma_wait3A_38 = arith.constant 0 : i32
    %dma_wait3A_39 = tpu.memref_slice %arg7[%dma_wait3A_37, %dma_wait3A_38] : memref<40x128xi32, #tpu.memory_space<vmem>> -> memref<1x128xi32, #tpu.memory_space<vmem>>
    %dma_wait3A_40 = tpu.memref_squeeze %dma_wait3A_39 : memref<1x128xi32, #tpu.memory_space<vmem>> -> memref<128xi32, #tpu.memory_space<vmem>>
    %dma_wait3A_41 = arith.constant 0 : i32
    %dma_wait3A_42 = arith.constant 0 : i32
    %dma_wait3A_43 = tpu.memref_slice %arg2[%dma_wait3A_41, %dma_wait3A_42] : memref<10240x128xf32, #tpu.memory_space<hbm>> -> memref<10240x128xf32, #tpu.memory_space<hbm>>
    tpu.wait_indirect_dma semaphore(%arg13 : memref<!tpu.dma_semaphore, #tpu.memory_space<semaphore_mem>>) src(%dma_wait3A_43 : memref<10240x128xf32, #tpu.memory_space<hbm>>) dst(%arg10 : memref<128x128xf32, #tpu.memory_space<vmem>>)
    %run_scoped3A_44 = arith.constant 39 : i32
    "tpu.region"() ({
      %run_scoped3A_86 = tpu.sem_alloc : memref<!tpu.dma_semaphore, #tpu.memory_space<semaphore_mem>>
      %dma_start3A_87 = arith.constant 0 : i32
      %dma_start3A_88 = tpu.memref_slice %arg8[%run_scoped3A_44, %dma_start3A_87] : memref<40x128xi32, #tpu.memory_space<vmem>> -> memref<1x128xi32, #tpu.memory_space<vmem>>
      %dma_start3A_89 = tpu.memref_squeeze %dma_start3A_88 : memref<1x128xi32, #tpu.memory_space<vmem>> -> memref<128xi32, #tpu.memory_space<vmem>>
      %dma_start3A_90 = arith.constant 0 : i32
      %dma_start3A_91 = arith.constant 0 : i32
      %dma_start3A_92 = tpu.memref_slice %arg11[%dma_start3A_90, %dma_start3A_91] : memref<10240x128xf32, #tpu.memory_space<vmem_shared>> -> memref<10240x128xf32, #tpu.memory_space<vmem_shared>>
      tpu.enqueue_indirect_dma source(%arg10 : memref<128x128xf32, #tpu.memory_space<vmem>>) target(%dma_start3A_92 : memref<10240x128xf32, #tpu.memory_space<vmem_shared>>) offsets(%dma_start3A_89 : memref<128xi32, #tpu.memory_space<vmem>>) semaphore(%run_scoped3A_86 : memref<!tpu.dma_semaphore, #tpu.memory_space<semaphore_mem>>) {add = true}
      %dma_wait3A_93 = arith.constant 0 : i32
      %dma_wait3A_94 = tpu.memref_slice %arg8[%run_scoped3A_44, %dma_wait3A_93] : memref<40x128xi32, #tpu.memory_space<vmem>> -> memref<1x128xi32, #tpu.memory_space<vmem>>
      %dma_wait3A_95 = tpu.memref_squeeze %dma_wait3A_94 : memref<1x128xi32, #tpu.memory_space<vmem>> -> memref<128xi32, #tpu.memory_space<vmem>>
      %dma_wait3A_96 = arith.constant 0 : i32
      %dma_wait3A_97 = arith.constant 0 : i32
      %dma_wait3A_98 = tpu.memref_slice %arg11[%dma_wait3A_96, %dma_wait3A_97] : memref<10240x128xf32, #tpu.memory_space<vmem_shared>> -> memref<10240x128xf32, #tpu.memory_space<vmem_shared>>
      tpu.wait_indirect_dma semaphore(%run_scoped3A_86 : memref<!tpu.dma_semaphore, #tpu.memory_space<semaphore_mem>>) src(%arg10 : memref<128x128xf32, #tpu.memory_space<vmem>>) dst(%dma_wait3A_98 : memref<10240x128xf32, #tpu.memory_space<vmem_shared>>)
      tpu.yield
    }) : () -> ()
    "tpu.region"() ({
      %run_scoped3A_86 = tpu.sem_alloc : memref<!tpu.dma_semaphore, #tpu.memory_space<semaphore_mem>>
      %dma_start3A_87 = arith.constant 40 : i32
      %dma_start3A_88 = arith.constant 0 : i32
      %dma_start3A_89 = tpu.memref_slice %arg3[%add3A, %dma_start3A_87, %dma_start3A_88] : memref<32x80x128xi32, #tpu.memory_space<hbm>> -> memref<1x40x128xi32, #tpu.memory_space<hbm>>
      %dma_start3A_90 = tpu.memref_squeeze %dma_start3A_89 : memref<1x40x128xi32, #tpu.memory_space<hbm>> -> memref<40x128xi32, #tpu.memory_space<hbm>>
      %dma_start3A_91 = arith.constant 40 : i32
      %dma_start3A_92 = arith.constant 0 : i32
      %dma_start3A_93 = tpu.memref_slice %arg3[%add3A, %dma_start3A_91, %dma_start3A_92] : memref<32x80x128xi32, #tpu.memory_space<hbm>> -> memref<1x40x128xi32, #tpu.memory_space<hbm>>
      %dma_start3A_94 = tpu.memref_squeeze %dma_start3A_93 : memref<1x40x128xi32, #tpu.memory_space<hbm>> -> memref<40x128xi32, #tpu.memory_space<hbm>>
      tpu.enqueue_dma source(%dma_start3A_94 : memref<40x128xi32, #tpu.memory_space<hbm>>) target(%arg7 : memref<40x128xi32, #tpu.memory_space<vmem>>) target_semaphore(%run_scoped3A_86 : memref<!tpu.dma_semaphore, #tpu.memory_space<semaphore_mem>>)
      %dma_wait3A_95 = arith.constant 40 : i32
      %dma_wait3A_96 = arith.constant 0 : i32
      %dma_wait3A_97 = tpu.memref_slice %arg3[%add3A, %dma_wait3A_95, %dma_wait3A_96] : memref<32x80x128xi32, #tpu.memory_space<hbm>> -> memref<1x40x128xi32, #tpu.memory_space<hbm>>
      %dma_wait3A_98 = tpu.memref_squeeze %dma_wait3A_97 : memref<1x40x128xi32, #tpu.memory_space<hbm>> -> memref<40x128xi32, #tpu.memory_space<hbm>>
      %dma_wait3A_99 = arith.constant 40 : i32
      %dma_wait3A_100 = arith.constant 0 : i32
      %dma_wait3A_101 = tpu.memref_slice %arg3[%add3A, %dma_wait3A_99, %dma_wait3A_100] : memref<32x80x128xi32, #tpu.memory_space<hbm>> -> memref<1x40x128xi32, #tpu.memory_space<hbm>>
      %dma_wait3A_102 = tpu.memref_squeeze %dma_wait3A_101 : memref<1x40x128xi32, #tpu.memory_space<hbm>> -> memref<40x128xi32, #tpu.memory_space<hbm>>
      tpu.wait_dma2 semaphore(%run_scoped3A_86 : memref<!tpu.dma_semaphore, #tpu.memory_space<semaphore_mem>>) src(%dma_wait3A_102 : memref<40x128xi32, #tpu.memory_space<hbm>>) dst(%arg7 : memref<40x128xi32, #tpu.memory_space<vmem>>)
      tpu.yield
    }) : () -> ()
    "tpu.region"() ({
      %run_scoped3A_86 = tpu.sem_alloc : memref<!tpu.dma_semaphore, #tpu.memory_space<semaphore_mem>>
      %dma_start3A_87 = arith.constant 40 : i32
      %dma_start3A_88 = arith.constant 0 : i32
      %dma_start3A_89 = tpu.memref_slice %arg4[%add3A, %dma_start3A_87, %dma_start3A_88] : memref<32x80x128xi32, #tpu.memory_space<hbm>> -> memref<1x40x128xi32, #tpu.memory_space<hbm>>
      %dma_start3A_90 = tpu.memref_squeeze %dma_start3A_89 : memref<1x40x128xi32, #tpu.memory_space<hbm>> -> memref<40x128xi32, #tpu.memory_space<hbm>>
      %dma_start3A_91 = arith.constant 40 : i32
      %dma_start3A_92 = arith.constant 0 : i32
      %dma_start3A_93 = tpu.memref_slice %arg4[%add3A, %dma_start3A_91, %dma_start3A_92] : memref<32x80x128xi32, #tpu.memory_space<hbm>> -> memref<1x40x128xi32, #tpu.memory_space<hbm>>
      %dma_start3A_94 = tpu.memref_squeeze %dma_start3A_93 : memref<1x40x128xi32, #tpu.memory_space<hbm>> -> memref<40x128xi32, #tpu.memory_space<hbm>>
      tpu.enqueue_dma source(%dma_start3A_94 : memref<40x128xi32, #tpu.memory_space<hbm>>) target(%arg8 : memref<40x128xi32, #tpu.memory_space<vmem>>) target_semaphore(%run_scoped3A_86 : memref<!tpu.dma_semaphore, #tpu.memory_space<semaphore_mem>>)
      %dma_wait3A_95 = arith.constant 40 : i32
      %dma_wait3A_96 = arith.constant 0 : i32
      %dma_wait3A_97 = tpu.memref_slice %arg4[%add3A, %dma_wait3A_95, %dma_wait3A_96] : memref<32x80x128xi32, #tpu.memory_space<hbm>> -> memref<1x40x128xi32, #tpu.memory_space<hbm>>
      %dma_wait3A_98 = tpu.memref_squeeze %dma_wait3A_97 : memref<1x40x128xi32, #tpu.memory_space<hbm>> -> memref<40x128xi32, #tpu.memory_space<hbm>>
      %dma_wait3A_99 = arith.constant 40 : i32
      %dma_wait3A_100 = arith.constant 0 : i32
      %dma_wait3A_101 = tpu.memref_slice %arg4[%add3A, %dma_wait3A_99, %dma_wait3A_100] : memref<32x80x128xi32, #tpu.memory_space<hbm>> -> memref<1x40x128xi32, #tpu.memory_space<hbm>>
      %dma_wait3A_102 = tpu.memref_squeeze %dma_wait3A_101 : memref<1x40x128xi32, #tpu.memory_space<hbm>> -> memref<40x128xi32, #tpu.memory_space<hbm>>
      tpu.wait_dma2 semaphore(%run_scoped3A_86 : memref<!tpu.dma_semaphore, #tpu.memory_space<semaphore_mem>>) src(%dma_wait3A_102 : memref<40x128xi32, #tpu.memory_space<hbm>>) dst(%arg8 : memref<40x128xi32, #tpu.memory_space<vmem>>)
      tpu.yield
    }) : () -> ()
    %dma_start3A_45 = arith.constant 0 : i32
    %dma_start3A_46 = arith.constant 0 : i32
    %dma_start3A_47 = tpu.memref_slice %arg7[%dma_start3A_45, %dma_start3A_46] : memref<40x128xi32, #tpu.memory_space<vmem>> -> memref<1x128xi32, #tpu.memory_space<vmem>>
    %dma_start3A_48 = tpu.memref_squeeze %dma_start3A_47 : memref<1x128xi32, #tpu.memory_space<vmem>> -> memref<128xi32, #tpu.memory_space<vmem>>
    %dma_start3A_49 = arith.constant 0 : i32
    %dma_start3A_50 = arith.constant 0 : i32
    %dma_start3A_51 = tpu.memref_slice %arg2[%dma_start3A_49, %dma_start3A_50] : memref<10240x128xf32, #tpu.memory_space<hbm>> -> memref<10240x128xf32, #tpu.memory_space<hbm>>
    tpu.enqueue_indirect_dma source(%dma_start3A_51 : memref<10240x128xf32, #tpu.memory_space<hbm>>) target(%arg9 : memref<128x128xf32, #tpu.memory_space<vmem>>) offsets(%dma_start3A_48 : memref<128xi32, #tpu.memory_space<vmem>>) semaphore(%arg12 : memref<!tpu.dma_semaphore, #tpu.memory_space<semaphore_mem>>)
    %dma_start3A_52 = arith.constant 1 : i32
    %dma_start3A_53 = arith.constant 0 : i32
    %dma_start3A_54 = tpu.memref_slice %arg7[%dma_start3A_52, %dma_start3A_53] : memref<40x128xi32, #tpu.memory_space<vmem>> -> memref<1x128xi32, #tpu.memory_space<vmem>>
    %dma_start3A_55 = tpu.memref_squeeze %dma_start3A_54 : memref<1x128xi32, #tpu.memory_space<vmem>> -> memref<128xi32, #tpu.memory_space<vmem>>
    %dma_start3A_56 = arith.constant 0 : i32
    %dma_start3A_57 = arith.constant 0 : i32
    %dma_start3A_58 = tpu.memref_slice %arg2[%dma_start3A_56, %dma_start3A_57] : memref<10240x128xf32, #tpu.memory_space<hbm>> -> memref<10240x128xf32, #tpu.memory_space<hbm>>
    tpu.enqueue_indirect_dma source(%dma_start3A_58 : memref<10240x128xf32, #tpu.memory_space<hbm>>) target(%arg10 : memref<128x128xf32, #tpu.memory_space<vmem>>) offsets(%dma_start3A_55 : memref<128xi32, #tpu.memory_space<vmem>>) semaphore(%arg13 : memref<!tpu.dma_semaphore, #tpu.memory_space<semaphore_mem>>)
    %scan3A_59 = arith.constant 0 : i32
    %scan3A_60 = arith.constant 0 : i32
    %scan3A_61 = arith.constant 19 : i32
    %scan3A_62 = arith.addi %scan3A_60, %scan3A_61 : i32
    %scan3A_63 = arith.constant 1 : i32
    scf.for %scan3A_86 = %scan3A_60 to %scan3A_62 step %scan3A_63  : i32 {
      %mul3A_87 = arith.constant 2 : i32
      %mul3A_88 = arith.muli %mul3A_87, %scan3A_86 : i32
      %dma_wait3A_89 = arith.constant 0 : i32
      %dma_wait3A_90 = tpu.memref_slice %arg7[%mul3A_88, %dma_wait3A_89] : memref<40x128xi32, #tpu.memory_space<vmem>> -> memref<1x128xi32, #tpu.memory_space<vmem>>
      %dma_wait3A_91 = tpu.memref_squeeze %dma_wait3A_90 : memref<1x128xi32, #tpu.memory_space<vmem>> -> memref<128xi32, #tpu.memory_space<vmem>>
      %dma_wait3A_92 = arith.constant 0 : i32
      %dma_wait3A_93 = arith.constant 0 : i32
      %dma_wait3A_94 = tpu.memref_slice %arg2[%dma_wait3A_92, %dma_wait3A_93] : memref<10240x128xf32, #tpu.memory_space<hbm>> -> memref<10240x128xf32, #tpu.memory_space<hbm>>
      tpu.wait_indirect_dma semaphore(%arg12 : memref<!tpu.dma_semaphore, #tpu.memory_space<semaphore_mem>>) src(%dma_wait3A_94 : memref<10240x128xf32, #tpu.memory_space<hbm>>) dst(%arg9 : memref<128x128xf32, #tpu.memory_space<vmem>>)
      "tpu.region"() ({
        %run_scoped3A_121 = tpu.sem_alloc : memref<!tpu.dma_semaphore, #tpu.memory_space<semaphore_mem>>
        %dma_start3A_122 = arith.constant 0 : i32
        %dma_start3A_123 = tpu.memref_slice %arg8[%mul3A_88, %dma_start3A_122] : memref<40x128xi32, #tpu.memory_space<vmem>> -> memref<1x128xi32, #tpu.memory_space<vmem>>
        %dma_start3A_124 = tpu.memref_squeeze %dma_start3A_123 : memref<1x128xi32, #tpu.memory_space<vmem>> -> memref<128xi32, #tpu.memory_space<vmem>>
        %dma_start3A_125 = arith.constant 0 : i32
        %dma_start3A_126 = arith.constant 0 : i32
        %dma_start3A_127 = tpu.memref_slice %arg11[%dma_start3A_125, %dma_start3A_126] : memref<10240x128xf32, #tpu.memory_space<vmem_shared>> -> memref<10240x128xf32, #tpu.memory_space<vmem_shared>>
        tpu.enqueue_indirect_dma source(%arg9 : memref<128x128xf32, #tpu.memory_space<vmem>>) target(%dma_start3A_127 : memref<10240x128xf32, #tpu.memory_space<vmem_shared>>) offsets(%dma_start3A_124 : memref<128xi32, #tpu.memory_space<vmem>>) semaphore(%run_scoped3A_121 : memref<!tpu.dma_semaphore, #tpu.memory_space<semaphore_mem>>) {add = true}
        %dma_wait3A_128 = arith.constant 0 : i32
        %dma_wait3A_129 = tpu.memref_slice %arg8[%mul3A_88, %dma_wait3A_128] : memref<40x128xi32, #tpu.memory_space<vmem>> -> memref<1x128xi32, #tpu.memory_space<vmem>>
        %dma_wait3A_130 = tpu.memref_squeeze %dma_wait3A_129 : memref<1x128xi32, #tpu.memory_space<vmem>> -> memref<128xi32, #tpu.memory_space<vmem>>
        %dma_wait3A_131 = arith.constant 0 : i32
        %dma_wait3A_132 = arith.constant 0 : i32
        %dma_wait3A_133 = tpu.memref_slice %arg11[%dma_wait3A_131, %dma_wait3A_132] : memref<10240x128xf32, #tpu.memory_space<vmem_shared>> -> memref<10240x128xf32, #tpu.memory_space<vmem_shared>>
        tpu.wait_indirect_dma semaphore(%run_scoped3A_121 : memref<!tpu.dma_semaphore, #tpu.memory_space<semaphore_mem>>) src(%arg9 : memref<128x128xf32, #tpu.memory_space<vmem>>) dst(%dma_wait3A_133 : memref<10240x128xf32, #tpu.memory_space<vmem_shared>>)
        tpu.yield
      }) : () -> ()
      %add3A_95 = arith.constant 2 : i32
      %add3A_96 = arith.addi %mul3A_88, %add3A_95 : i32
      %dma_start3A_97 = arith.constant 0 : i32
      %dma_start3A_98 = tpu.memref_slice %arg7[%add3A_96, %dma_start3A_97] : memref<40x128xi32, #tpu.memory_space<vmem>> -> memref<1x128xi32, #tpu.memory_space<vmem>>
      %dma_start3A_99 = tpu.memref_squeeze %dma_start3A_98 : memref<1x128xi32, #tpu.memory_space<vmem>> -> memref<128xi32, #tpu.memory_space<vmem>>
      %dma_start3A_100 = arith.constant 0 : i32
      %dma_start3A_101 = arith.constant 0 : i32
      %dma_start3A_102 = tpu.memref_slice %arg2[%dma_start3A_100, %dma_start3A_101] : memref<10240x128xf32, #tpu.memory_space<hbm>> -> memref<10240x128xf32, #tpu.memory_space<hbm>>
      tpu.enqueue_indirect_dma source(%dma_start3A_102 : memref<10240x128xf32, #tpu.memory_space<hbm>>) target(%arg9 : memref<128x128xf32, #tpu.memory_space<vmem>>) offsets(%dma_start3A_99 : memref<128xi32, #tpu.memory_space<vmem>>) semaphore(%arg12 : memref<!tpu.dma_semaphore, #tpu.memory_space<semaphore_mem>>)
      %add3A_103 = arith.constant 1 : i32
      %add3A_104 = arith.addi %mul3A_88, %add3A_103 : i32
      %dma_wait3A_105 = arith.constant 0 : i32
      %dma_wait3A_106 = tpu.memref_slice %arg7[%add3A_104, %dma_wait3A_105] : memref<40x128xi32, #tpu.memory_space<vmem>> -> memref<1x128xi32, #tpu.memory_space<vmem>>
      %dma_wait3A_107 = tpu.memref_squeeze %dma_wait3A_106 : memref<1x128xi32, #tpu.memory_space<vmem>> -> memref<128xi32, #tpu.memory_space<vmem>>
      %dma_wait3A_108 = arith.constant 0 : i32
      %dma_wait3A_109 = arith.constant 0 : i32
      %dma_wait3A_110 = tpu.memref_slice %arg2[%dma_wait3A_108, %dma_wait3A_109] : memref<10240x128xf32, #tpu.memory_space<hbm>> -> memref<10240x128xf32, #tpu.memory_space<hbm>>
      tpu.wait_indirect_dma semaphore(%arg13 : memref<!tpu.dma_semaphore, #tpu.memory_space<semaphore_mem>>) src(%dma_wait3A_110 : memref<10240x128xf32, #tpu.memory_space<hbm>>) dst(%arg10 : memref<128x128xf32, #tpu.memory_space<vmem>>)
      %add3A_111 = arith.constant 1 : i32
      %add3A_112 = arith.addi %mul3A_88, %add3A_111 : i32
      "tpu.region"() ({
        %run_scoped3A_121 = tpu.sem_alloc : memref<!tpu.dma_semaphore, #tpu.memory_space<semaphore_mem>>
        %dma_start3A_122 = arith.constant 0 : i32
        %dma_start3A_123 = tpu.memref_slice %arg8[%add3A_112, %dma_start3A_122] : memref<40x128xi32, #tpu.memory_space<vmem>> -> memref<1x128xi32, #tpu.memory_space<vmem>>
        %dma_start3A_124 = tpu.memref_squeeze %dma_start3A_123 : memref<1x128xi32, #tpu.memory_space<vmem>> -> memref<128xi32, #tpu.memory_space<vmem>>
        %dma_start3A_125 = arith.constant 0 : i32
        %dma_start3A_126 = arith.constant 0 : i32
        %dma_start3A_127 = tpu.memref_slice %arg11[%dma_start3A_125, %dma_start3A_126] : memref<10240x128xf32, #tpu.memory_space<vmem_shared>> -> memref<10240x128xf32, #tpu.memory_space<vmem_shared>>
        tpu.enqueue_indirect_dma source(%arg10 : memref<128x128xf32, #tpu.memory_space<vmem>>) target(%dma_start3A_127 : memref<10240x128xf32, #tpu.memory_space<vmem_shared>>) offsets(%dma_start3A_124 : memref<128xi32, #tpu.memory_space<vmem>>) semaphore(%run_scoped3A_121 : memref<!tpu.dma_semaphore, #tpu.memory_space<semaphore_mem>>) {add = true}
        %dma_wait3A_128 = arith.constant 0 : i32
        %dma_wait3A_129 = tpu.memref_slice %arg8[%add3A_112, %dma_wait3A_128] : memref<40x128xi32, #tpu.memory_space<vmem>> -> memref<1x128xi32, #tpu.memory_space<vmem>>
        %dma_wait3A_130 = tpu.memref_squeeze %dma_wait3A_129 : memref<1x128xi32, #tpu.memory_space<vmem>> -> memref<128xi32, #tpu.memory_space<vmem>>
        %dma_wait3A_131 = arith.constant 0 : i32
        %dma_wait3A_132 = arith.constant 0 : i32
        %dma_wait3A_133 = tpu.memref_slice %arg11[%dma_wait3A_131, %dma_wait3A_132] : memref<10240x128xf32, #tpu.memory_space<vmem_shared>> -> memref<10240x128xf32, #tpu.memory_space<vmem_shared>>
        tpu.wait_indirect_dma semaphore(%run_scoped3A_121 : memref<!tpu.dma_semaphore, #tpu.memory_space<semaphore_mem>>) src(%arg10 : memref<128x128xf32, #tpu.memory_space<vmem>>) dst(%dma_wait3A_133 : memref<10240x128xf32, #tpu.memory_space<vmem_shared>>)
        tpu.yield
      }) : () -> ()
      %add3A_113 = arith.constant 3 : i32
      %add3A_114 = arith.addi %mul3A_88, %add3A_113 : i32
      %dma_start3A_115 = arith.constant 0 : i32
      %dma_start3A_116 = tpu.memref_slice %arg7[%add3A_114, %dma_start3A_115] : memref<40x128xi32, #tpu.memory_space<vmem>> -> memref<1x128xi32, #tpu.memory_space<vmem>>
      %dma_start3A_117 = tpu.memref_squeeze %dma_start3A_116 : memref<1x128xi32, #tpu.memory_space<vmem>> -> memref<128xi32, #tpu.memory_space<vmem>>
      %dma_start3A_118 = arith.constant 0 : i32
      %dma_start3A_119 = arith.constant 0 : i32
      %dma_start3A_120 = tpu.memref_slice %arg2[%dma_start3A_118, %dma_start3A_119] : memref<10240x128xf32, #tpu.memory_space<hbm>> -> memref<10240x128xf32, #tpu.memory_space<hbm>>
      tpu.enqueue_indirect_dma source(%dma_start3A_120 : memref<10240x128xf32, #tpu.memory_space<hbm>>) target(%arg10 : memref<128x128xf32, #tpu.memory_space<vmem>>) offsets(%dma_start3A_117 : memref<128xi32, #tpu.memory_space<vmem>>) semaphore(%arg13 : memref<!tpu.dma_semaphore, #tpu.memory_space<semaphore_mem>>)
    }
    %scan3A_64 = arith.constant 19 : i32
    %dma_wait3A_65 = arith.constant 38 : i32
    %dma_wait3A_66 = arith.constant 0 : i32
    %dma_wait3A_67 = tpu.memref_slice %arg7[%dma_wait3A_65, %dma_wait3A_66] : memref<40x128xi32, #tpu.memory_space<vmem>> -> memref<1x128xi32, #tpu.memory_space<vmem>>
    %dma_wait3A_68 = tpu.memref_squeeze %dma_wait3A_67 : memref<1x128xi32, #tpu.memory_space<vmem>> -> memref<128xi32, #tpu.memory_space<vmem>>
    %dma_wait3A_69 = arith.constant 0 : i32
    %dma_wait3A_70 = arith.constant 0 : i32
    %dma_wait3A_71 = tpu.memref_slice %arg2[%dma_wait3A_69, %dma_wait3A_70] : memref<10240x128xf32, #tpu.memory_space<hbm>> -> memref<10240x128xf32, #tpu.memory_space<hbm>>
    tpu.wait_indirect_dma semaphore(%arg12 : memref<!tpu.dma_semaphore, #tpu.memory_space<semaphore_mem>>) src(%dma_wait3A_71 : memref<10240x128xf32, #tpu.memory_space<hbm>>) dst(%arg9 : memref<128x128xf32, #tpu.memory_space<vmem>>)
    %run_scoped3A_72 = arith.constant 38 : i32
    "tpu.region"() ({
      %run_scoped3A_86 = tpu.sem_alloc : memref<!tpu.dma_semaphore, #tpu.memory_space<semaphore_mem>>
      %dma_start3A_87 = arith.constant 0 : i32
      %dma_start3A_88 = tpu.memref_slice %arg8[%run_scoped3A_72, %dma_start3A_87] : memref<40x128xi32, #tpu.memory_space<vmem>> -> memref<1x128xi32, #tpu.memory_space<vmem>>
      %dma_start3A_89 = tpu.memref_squeeze %dma_start3A_88 : memref<1x128xi32, #tpu.memory_space<vmem>> -> memref<128xi32, #tpu.memory_space<vmem>>
      %dma_start3A_90 = arith.constant 0 : i32
      %dma_start3A_91 = arith.constant 0 : i32
      %dma_start3A_92 = tpu.memref_slice %arg11[%dma_start3A_90, %dma_start3A_91] : memref<10240x128xf32, #tpu.memory_space<vmem_shared>> -> memref<10240x128xf32, #tpu.memory_space<vmem_shared>>
      tpu.enqueue_indirect_dma source(%arg9 : memref<128x128xf32, #tpu.memory_space<vmem>>) target(%dma_start3A_92 : memref<10240x128xf32, #tpu.memory_space<vmem_shared>>) offsets(%dma_start3A_89 : memref<128xi32, #tpu.memory_space<vmem>>) semaphore(%run_scoped3A_86 : memref<!tpu.dma_semaphore, #tpu.memory_space<semaphore_mem>>) {add = true}
      %dma_wait3A_93 = arith.constant 0 : i32
      %dma_wait3A_94 = tpu.memref_slice %arg8[%run_scoped3A_72, %dma_wait3A_93] : memref<40x128xi32, #tpu.memory_space<vmem>> -> memref<1x128xi32, #tpu.memory_space<vmem>>
      %dma_wait3A_95 = tpu.memref_squeeze %dma_wait3A_94 : memref<1x128xi32, #tpu.memory_space<vmem>> -> memref<128xi32, #tpu.memory_space<vmem>>
      %dma_wait3A_96 = arith.constant 0 : i32
      %dma_wait3A_97 = arith.constant 0 : i32
      %dma_wait3A_98 = tpu.memref_slice %arg11[%dma_wait3A_96, %dma_wait3A_97] : memref<10240x128xf32, #tpu.memory_space<vmem_shared>> -> memref<10240x128xf32, #tpu.memory_space<vmem_shared>>
      tpu.wait_indirect_dma semaphore(%run_scoped3A_86 : memref<!tpu.dma_semaphore, #tpu.memory_space<semaphore_mem>>) src(%arg9 : memref<128x128xf32, #tpu.memory_space<vmem>>) dst(%dma_wait3A_98 : memref<10240x128xf32, #tpu.memory_space<vmem_shared>>)
      tpu.yield
    }) : () -> ()
    %dma_wait3A_73 = arith.constant 39 : i32
    %dma_wait3A_74 = arith.constant 0 : i32
    %dma_wait3A_75 = tpu.memref_slice %arg7[%dma_wait3A_73, %dma_wait3A_74] : memref<40x128xi32, #tpu.memory_space<vmem>> -> memref<1x128xi32, #tpu.memory_space<vmem>>
    %dma_wait3A_76 = tpu.memref_squeeze %dma_wait3A_75 : memref<1x128xi32, #tpu.memory_space<vmem>> -> memref<128xi32, #tpu.memory_space<vmem>>
    %dma_wait3A_77 = arith.constant 0 : i32
    %dma_wait3A_78 = arith.constant 0 : i32
    %dma_wait3A_79 = tpu.memref_slice %arg2[%dma_wait3A_77, %dma_wait3A_78] : memref<10240x128xf32, #tpu.memory_space<hbm>> -> memref<10240x128xf32, #tpu.memory_space<hbm>>
    tpu.wait_indirect_dma semaphore(%arg13 : memref<!tpu.dma_semaphore, #tpu.memory_space<semaphore_mem>>) src(%dma_wait3A_79 : memref<10240x128xf32, #tpu.memory_space<hbm>>) dst(%arg10 : memref<128x128xf32, #tpu.memory_space<vmem>>)
    %run_scoped3A_80 = arith.constant 39 : i32
    "tpu.region"() ({
      %run_scoped3A_86 = tpu.sem_alloc : memref<!tpu.dma_semaphore, #tpu.memory_space<semaphore_mem>>
      %dma_start3A_87 = arith.constant 0 : i32
      %dma_start3A_88 = tpu.memref_slice %arg8[%run_scoped3A_80, %dma_start3A_87] : memref<40x128xi32, #tpu.memory_space<vmem>> -> memref<1x128xi32, #tpu.memory_space<vmem>>
      %dma_start3A_89 = tpu.memref_squeeze %dma_start3A_88 : memref<1x128xi32, #tpu.memory_space<vmem>> -> memref<128xi32, #tpu.memory_space<vmem>>
      %dma_start3A_90 = arith.constant 0 : i32
      %dma_start3A_91 = arith.constant 0 : i32
      %dma_start3A_92 = tpu.memref_slice %arg11[%dma_start3A_90, %dma_start3A_91] : memref<10240x128xf32, #tpu.memory_space<vmem_shared>> -> memref<10240x128xf32, #tpu.memory_space<vmem_shared>>
      tpu.enqueue_indirect_dma source(%arg10 : memref<128x128xf32, #tpu.memory_space<vmem>>) target(%dma_start3A_92 : memref<10240x128xf32, #tpu.memory_space<vmem_shared>>) offsets(%dma_start3A_89 : memref<128xi32, #tpu.memory_space<vmem>>) semaphore(%run_scoped3A_86 : memref<!tpu.dma_semaphore, #tpu.memory_space<semaphore_mem>>) {add = true}
      %dma_wait3A_93 = arith.constant 0 : i32
      %dma_wait3A_94 = tpu.memref_slice %arg8[%run_scoped3A_80, %dma_wait3A_93] : memref<40x128xi32, #tpu.memory_space<vmem>> -> memref<1x128xi32, #tpu.memory_space<vmem>>
      %dma_wait3A_95 = tpu.memref_squeeze %dma_wait3A_94 : memref<1x128xi32, #tpu.memory_space<vmem>> -> memref<128xi32, #tpu.memory_space<vmem>>
      %dma_wait3A_96 = arith.constant 0 : i32
      %dma_wait3A_97 = arith.constant 0 : i32
      %dma_wait3A_98 = tpu.memref_slice %arg11[%dma_wait3A_96, %dma_wait3A_97] : memref<10240x128xf32, #tpu.memory_space<vmem_shared>> -> memref<10240x128xf32, #tpu.memory_space<vmem_shared>>
      tpu.wait_indirect_dma semaphore(%run_scoped3A_86 : memref<!tpu.dma_semaphore, #tpu.memory_space<semaphore_mem>>) src(%arg10 : memref<128x128xf32, #tpu.memory_space<vmem>>) dst(%dma_wait3A_98 : memref<10240x128xf32, #tpu.memory_space<vmem_shared>>)
      tpu.yield
    }) : () -> ()
    %barrier3A_81 = arith.constant 0 : index
    tpu.barrier barrier_id(%barrier3A_81)
    %mul3A_82 = arith.constant 640 : i32
    %mul3A_83 = arith.muli %arg1, %mul3A_82 : i32
    %mul3A_84 = arith.constant 640 : i32
    %mul3A_85 = arith.muli %arg1, %mul3A_84 : i32
    "tpu.region"() ({
      %run_scoped3A_86 = tpu.sem_alloc : memref<!tpu.dma_semaphore, #tpu.memory_space<semaphore_mem>>
      %dma_start3A_87 = arith.constant 0 : i32
      %dma_start3A_88 = tpu.memref_slice %arg6[%arg0, %mul3A_85, %dma_start3A_87] : memref<2x10240x128xf32, #tpu.memory_space<hbm>> -> memref<1x640x128xf32, #tpu.memory_space<hbm>>
      %dma_start3A_89 = tpu.memref_squeeze %dma_start3A_88 : memref<1x640x128xf32, #tpu.memory_space<hbm>> -> memref<640x128xf32, #tpu.memory_space<hbm>>
      %dma_start3A_90 = arith.constant 0 : i32
      %dma_start3A_91 = tpu.memref_slice %arg11[%mul3A_83, %dma_start3A_90] : memref<10240x128xf32, #tpu.memory_space<vmem_shared>> -> memref<640x128xf32, #tpu.memory_space<vmem_shared>>
      tpu.enqueue_dma source(%dma_start3A_91 : memref<640x128xf32, #tpu.memory_space<vmem_shared>>) target(%dma_start3A_89 : memref<640x128xf32, #tpu.memory_space<hbm>>) target_semaphore(%run_scoped3A_86 : memref<!tpu.dma_semaphore, #tpu.memory_space<semaphore_mem>>)
      %dma_wait3A_92 = arith.constant 0 : i32
      %dma_wait3A_93 = tpu.memref_slice %arg6[%arg0, %mul3A_85, %dma_wait3A_92] : memref<2x10240x128xf32, #tpu.memory_space<hbm>> -> memref<1x640x128xf32, #tpu.memory_space<hbm>>
      %dma_wait3A_94 = tpu.memref_squeeze %dma_wait3A_93 : memref<1x640x128xf32, #tpu.memory_space<hbm>> -> memref<640x128xf32, #tpu.memory_space<hbm>>
      %dma_wait3A_95 = arith.constant 0 : i32
      %dma_wait3A_96 = tpu.memref_slice %arg11[%mul3A_83, %dma_wait3A_95] : memref<10240x128xf32, #tpu.memory_space<vmem_shared>> -> memref<640x128xf32, #tpu.memory_space<vmem_shared>>
      tpu.wait_dma2 semaphore(%run_scoped3A_86 : memref<!tpu.dma_semaphore, #tpu.memory_space<semaphore_mem>>) src(%dma_wait3A_96 : memref<640x128xf32, #tpu.memory_space<vmem_shared>>) dst(%dma_wait3A_94 : memref<640x128xf32, #tpu.memory_space<hbm>>)
      tpu.yield
    }) : () -> ()
    return
  }
}

#map = affine_map<(d0, d1) -> (0, 0)>
#map1 = affine_map<(d0, d1) -> (0, 0, 0)>
module attributes {stable_mosaic.version = 14 : i64} {
  func.func @hop_kernel(%arg0: i32, %arg1: i32, %arg2: memref<10240x128xf32, #tpu.memory_space<hbm>>, %arg3: memref<32x80x128xi32, #tpu.memory_space<hbm>>, %arg4: memref<32x80x128xi32, #tpu.memory_space<hbm>>, %arg5: memref<32x128xf32, #tpu.memory_space<hbm>>, %arg6: memref<2x10240x128xf32, #tpu.memory_space<hbm>>, %arg7: memref<40x128xi32, #tpu.memory_space<vmem>>, %arg8: memref<40x128xi32, #tpu.memory_space<vmem>>, %arg9: memref<128x128xf32, #tpu.memory_space<vmem>>, %arg10: memref<128x128xf32, #tpu.memory_space<vmem>>, %arg11: memref<10240x128xf32, #tpu.memory_space<vmem_shared>>, %arg12: memref<!tpu.dma_semaphore, #tpu.memory_space<semaphore_mem>>, %arg13: memref<!tpu.dma_semaphore, #tpu.memory_space<semaphore_mem>>, %arg14: memref<!tpu.dma_semaphore, #tpu.memory_space<semaphore_mem>>) attributes {dimension_semantics = [#tpu.dimension_semantics<core_parallel>, #tpu.dimension_semantics<subcore_parallel>], iteration_bounds = array<i64: 2, 16>, scalar_prefetch = 0 : i64, scratch_operands = 8 : i64, tpu.core_type = #tpu.core_type<sc_vector_subcore>, window_params = [{transform_indices = #map}, {transform_indices = #map1}, {transform_indices = #map1}, {transform_indices = #map}, {transform_indices = #map1}]} {
    %mul3A = arith.constant 16 : i32
    %mul3A_0 = arith.muli %arg0, %mul3A : i32
    %add3A = arith.addi %mul3A_0, %arg1 : i32
    %scan3A = arith.constant 0 : i32
    %scan3A_1 = arith.constant 0 : i32
    %scan3A_2 = arith.constant 20 : i32
    %scan3A_3 = arith.addi %scan3A_1, %scan3A_2 : i32
    %scan3A_4 = arith.constant 1 : i32
    scf.for %scan3A_86 = %scan3A_1 to %scan3A_3 step %scan3A_4  : i32 {
      %mul3A_87 = arith.constant 640 : i32
      %mul3A_88 = arith.muli %arg1, %mul3A_87 : i32
      %mul3A_89 = arith.constant 32 : i32
      %mul3A_90 = arith.muli %scan3A_86, %mul3A_89 : i32
      %add3A_91 = arith.addi %mul3A_88, %mul3A_90 : i32
      %dma_start3A_92 = arith.constant 0 : i32
      %dma_start3A_93 = tpu.memref_slice %arg11[%add3A_91, %dma_start3A_92] : memref<10240x128xf32, #tpu.memory_space<vmem_shared>> -> memref<32x128xf32, #tpu.memory_space<vmem_shared>>
      tpu.enqueue_dma source(%arg5 : memref<32x128xf32, #tpu.memory_space<hbm>>) target(%dma_start3A_93 : memref<32x128xf32, #tpu.memory_space<vmem_shared>>) target_semaphore(%arg14 : memref<!tpu.dma_semaphore, #tpu.memory_space<semaphore_mem>>)
    }
    %scan3A_5 = arith.constant 20 : i32
    "tpu.region"() ({
      %run_scoped3A_86 = tpu.sem_alloc : memref<!tpu.dma_semaphore, #tpu.memory_space<semaphore_mem>>
      %dma_start3A_87 = arith.constant 0 : i32
      %dma_start3A_88 = arith.constant 0 : i32
      %dma_start3A_89 = tpu.memref_slice %arg3[%add3A, %dma_start3A_87, %dma_start3A_88] : memref<32x80x128xi32, #tpu.memory_space<hbm>> -> memref<1x40x128xi32, #tpu.memory_space<hbm>>
      %dma_start3A_90 = tpu.memref_squeeze %dma_start3A_89 : memref<1x40x128xi32, #tpu.memory_space<hbm>> -> memref<40x128xi32, #tpu.memory_space<hbm>>
      %dma_start3A_91 = arith.constant 0 : i32
      %dma_start3A_92 = arith.constant 0 : i32
      %dma_start3A_93 = tpu.memref_slice %arg3[%add3A, %dma_start3A_91, %dma_start3A_92] : memref<32x80x128xi32, #tpu.memory_space<hbm>> -> memref<1x40x128xi32, #tpu.memory_space<hbm>>
      %dma_start3A_94 = tpu.memref_squeeze %dma_start3A_93 : memref<1x40x128xi32, #tpu.memory_space<hbm>> -> memref<40x128xi32, #tpu.memory_space<hbm>>
      tpu.enqueue_dma source(%dma_start3A_94 : memref<40x128xi32, #tpu.memory_space<hbm>>) target(%arg7 : memref<40x128xi32, #tpu.memory_space<vmem>>) target_semaphore(%run_scoped3A_86 : memref<!tpu.dma_semaphore, #tpu.memory_space<semaphore_mem>>)
      %dma_wait3A_95 = arith.constant 0 : i32
      %dma_wait3A_96 = arith.constant 0 : i32
      %dma_wait3A_97 = tpu.memref_slice %arg3[%add3A, %dma_wait3A_95, %dma_wait3A_96] : memref<32x80x128xi32, #tpu.memory_space<hbm>> -> memref<1x40x128xi32, #tpu.memory_space<hbm>>
      %dma_wait3A_98 = tpu.memref_squeeze %dma_wait3A_97 : memref<1x40x128xi32, #tpu.memory_space<hbm>> -> memref<40x128xi32, #tpu.memory_space<hbm>>
      %dma_wait3A_99 = arith.constant 0 : i32
      %dma_wait3A_100 = arith.constant 0 : i32
      %dma_wait3A_101 = tpu.memref_slice %arg3[%add3A, %dma_wait3A_99, %dma_wait3A_100] : memref<32x80x128xi32, #tpu.memory_space<hbm>> -> memref<1x40x128xi32, #tpu.memory_space<hbm>>
      %dma_wait3A_102 = tpu.memref_squeeze %dma_wait3A_101 : memref<1x40x128xi32, #tpu.memory_space<hbm>> -> memref<40x128xi32, #tpu.memory_space<hbm>>
      tpu.wait_dma2 semaphore(%run_scoped3A_86 : memref<!tpu.dma_semaphore, #tpu.memory_space<semaphore_mem>>) src(%dma_wait3A_102 : memref<40x128xi32, #tpu.memory_space<hbm>>) dst(%arg7 : memref<40x128xi32, #tpu.memory_space<vmem>>)
      tpu.yield
    }) : () -> ()
    "tpu.region"() ({
      %run_scoped3A_86 = tpu.sem_alloc : memref<!tpu.dma_semaphore, #tpu.memory_space<semaphore_mem>>
      %dma_start3A_87 = arith.constant 0 : i32
      %dma_start3A_88 = arith.constant 0 : i32
      %dma_start3A_89 = tpu.memref_slice %arg4[%add3A, %dma_start3A_87, %dma_start3A_88] : memref<32x80x128xi32, #tpu.memory_space<hbm>> -> memref<1x40x128xi32, #tpu.memory_space<hbm>>
      %dma_start3A_90 = tpu.memref_squeeze %dma_start3A_89 : memref<1x40x128xi32, #tpu.memory_space<hbm>> -> memref<40x128xi32, #tpu.memory_space<hbm>>
      %dma_start3A_91 = arith.constant 0 : i32
      %dma_start3A_92 = arith.constant 0 : i32
      %dma_start3A_93 = tpu.memref_slice %arg4[%add3A, %dma_start3A_91, %dma_start3A_92] : memref<32x80x128xi32, #tpu.memory_space<hbm>> -> memref<1x40x128xi32, #tpu.memory_space<hbm>>
      %dma_start3A_94 = tpu.memref_squeeze %dma_start3A_93 : memref<1x40x128xi32, #tpu.memory_space<hbm>> -> memref<40x128xi32, #tpu.memory_space<hbm>>
      tpu.enqueue_dma source(%dma_start3A_94 : memref<40x128xi32, #tpu.memory_space<hbm>>) target(%arg8 : memref<40x128xi32, #tpu.memory_space<vmem>>) target_semaphore(%run_scoped3A_86 : memref<!tpu.dma_semaphore, #tpu.memory_space<semaphore_mem>>)
      %dma_wait3A_95 = arith.constant 0 : i32
      %dma_wait3A_96 = arith.constant 0 : i32
      %dma_wait3A_97 = tpu.memref_slice %arg4[%add3A, %dma_wait3A_95, %dma_wait3A_96] : memref<32x80x128xi32, #tpu.memory_space<hbm>> -> memref<1x40x128xi32, #tpu.memory_space<hbm>>
      %dma_wait3A_98 = tpu.memref_squeeze %dma_wait3A_97 : memref<1x40x128xi32, #tpu.memory_space<hbm>> -> memref<40x128xi32, #tpu.memory_space<hbm>>
      %dma_wait3A_99 = arith.constant 0 : i32
      %dma_wait3A_100 = arith.constant 0 : i32
      %dma_wait3A_101 = tpu.memref_slice %arg4[%add3A, %dma_wait3A_99, %dma_wait3A_100] : memref<32x80x128xi32, #tpu.memory_space<hbm>> -> memref<1x40x128xi32, #tpu.memory_space<hbm>>
      %dma_wait3A_102 = tpu.memref_squeeze %dma_wait3A_101 : memref<1x40x128xi32, #tpu.memory_space<hbm>> -> memref<40x128xi32, #tpu.memory_space<hbm>>
      tpu.wait_dma2 semaphore(%run_scoped3A_86 : memref<!tpu.dma_semaphore, #tpu.memory_space<semaphore_mem>>) src(%dma_wait3A_102 : memref<40x128xi32, #tpu.memory_space<hbm>>) dst(%arg8 : memref<40x128xi32, #tpu.memory_space<vmem>>)
      tpu.yield
    }) : () -> ()
    %dma_start3A = arith.constant 0 : i32
    %dma_start3A_6 = arith.constant 0 : i32
    %dma_start3A_7 = tpu.memref_slice %arg7[%dma_start3A, %dma_start3A_6] : memref<40x128xi32, #tpu.memory_space<vmem>> -> memref<1x128xi32, #tpu.memory_space<vmem>>
    %dma_start3A_8 = tpu.memref_squeeze %dma_start3A_7 : memref<1x128xi32, #tpu.memory_space<vmem>> -> memref<128xi32, #tpu.memory_space<vmem>>
    %dma_start3A_9 = arith.constant 0 : i32
    %dma_start3A_10 = arith.constant 0 : i32
    %dma_start3A_11 = tpu.memref_slice %arg2[%dma_start3A_9, %dma_start3A_10] : memref<10240x128xf32, #tpu.memory_space<hbm>> -> memref<10240x128xf32, #tpu.memory_space<hbm>>
    tpu.enqueue_indirect_dma source(%dma_start3A_11 : memref<10240x128xf32, #tpu.memory_space<hbm>>) target(%arg9 : memref<128x128xf32, #tpu.memory_space<vmem>>) offsets(%dma_start3A_8 : memref<128xi32, #tpu.memory_space<vmem>>) semaphore(%arg12 : memref<!tpu.dma_semaphore, #tpu.memory_space<semaphore_mem>>)
    %dma_start3A_12 = arith.constant 1 : i32
    %dma_start3A_13 = arith.constant 0 : i32
    %dma_start3A_14 = tpu.memref_slice %arg7[%dma_start3A_12, %dma_start3A_13] : memref<40x128xi32, #tpu.memory_space<vmem>> -> memref<1x128xi32, #tpu.memory_space<vmem>>
    %dma_start3A_15 = tpu.memref_squeeze %dma_start3A_14 : memref<1x128xi32, #tpu.memory_space<vmem>> -> memref<128xi32, #tpu.memory_space<vmem>>
    %dma_start3A_16 = arith.constant 0 : i32
    %dma_start3A_17 = arith.constant 0 : i32
    %dma_start3A_18 = tpu.memref_slice %arg2[%dma_start3A_16, %dma_start3A_17] : memref<10240x128xf32, #tpu.memory_space<hbm>> -> memref<10240x128xf32, #tpu.memory_space<hbm>>
    tpu.enqueue_indirect_dma source(%dma_start3A_18 : memref<10240x128xf32, #tpu.memory_space<hbm>>) target(%arg10 : memref<128x128xf32, #tpu.memory_space<vmem>>) offsets(%dma_start3A_15 : memref<128xi32, #tpu.memory_space<vmem>>) semaphore(%arg13 : memref<!tpu.dma_semaphore, #tpu.memory_space<semaphore_mem>>)
    %scan3A_19 = arith.constant 0 : i32
    %scan3A_20 = arith.constant 0 : i32
    %scan3A_21 = arith.constant 20 : i32
    %scan3A_22 = arith.addi %scan3A_20, %scan3A_21 : i32
    %scan3A_23 = arith.constant 1 : i32
    scf.for %scan3A_86 = %scan3A_20 to %scan3A_22 step %scan3A_23  : i32 {
      %mul3A_87 = arith.constant 640 : i32
      %mul3A_88 = arith.muli %arg1, %mul3A_87 : i32
      %dma_wait3A_89 = arith.constant 0 : i32
      %dma_wait3A_90 = tpu.memref_slice %arg11[%mul3A_88, %dma_wait3A_89] : memref<10240x128xf32, #tpu.memory_space<vmem_shared>> -> memref<32x128xf32, #tpu.memory_space<vmem_shared>>
      tpu.wait_dma2 semaphore(%arg14 : memref<!tpu.dma_semaphore, #tpu.memory_space<semaphore_mem>>) src(%arg5 : memref<32x128xf32, #tpu.memory_space<hbm>>) dst(%dma_wait3A_90 : memref<32x128xf32, #tpu.memory_space<vmem_shared>>)
    }
    %scan3A_24 = arith.constant 20 : i32
    %barrier3A = arith.constant 0 : index
    tpu.barrier barrier_id(%barrier3A)
    %scan3A_25 = arith.constant 0 : i32
    %scan3A_26 = arith.constant 0 : i32
    %scan3A_27 = arith.constant 19 : i32
    %scan3A_28 = arith.addi %scan3A_26, %scan3A_27 : i32
    %scan3A_29 = arith.constant 1 : i32
    scf.for %scan3A_86 = %scan3A_26 to %scan3A_28 step %scan3A_29  : i32 {
      %mul3A_87 = arith.constant 2 : i32
      %mul3A_88 = arith.muli %mul3A_87, %scan3A_86 : i32
      %dma_wait3A_89 = arith.constant 0 : i32
      %dma_wait3A_90 = tpu.memref_slice %arg7[%mul3A_88, %dma_wait3A_89] : memref<40x128xi32, #tpu.memory_space<vmem>> -> memref<1x128xi32, #tpu.memory_space<vmem>>
      %dma_wait3A_91 = tpu.memref_squeeze %dma_wait3A_90 : memref<1x128xi32, #tpu.memory_space<vmem>> -> memref<128xi32, #tpu.memory_space<vmem>>
      %dma_wait3A_92 = arith.constant 0 : i32
      %dma_wait3A_93 = arith.constant 0 : i32
      %dma_wait3A_94 = tpu.memref_slice %arg2[%dma_wait3A_92, %dma_wait3A_93] : memref<10240x128xf32, #tpu.memory_space<hbm>> -> memref<10240x128xf32, #tpu.memory_space<hbm>>
      tpu.wait_indirect_dma semaphore(%arg12 : memref<!tpu.dma_semaphore, #tpu.memory_space<semaphore_mem>>) src(%dma_wait3A_94 : memref<10240x128xf32, #tpu.memory_space<hbm>>) dst(%arg9 : memref<128x128xf32, #tpu.memory_space<vmem>>)
      "tpu.region"() ({
        %run_scoped3A_121 = tpu.sem_alloc : memref<!tpu.dma_semaphore, #tpu.memory_space<semaphore_mem>>
        %dma_start3A_122 = arith.constant 0 : i32
        %dma_start3A_123 = tpu.memref_slice %arg8[%mul3A_88, %dma_start3A_122] : memref<40x128xi32, #tpu.memory_space<vmem>> -> memref<1x128xi32, #tpu.memory_space<vmem>>
        %dma_start3A_124 = tpu.memref_squeeze %dma_start3A_123 : memref<1x128xi32, #tpu.memory_space<vmem>> -> memref<128xi32, #tpu.memory_space<vmem>>
        %dma_start3A_125 = arith.constant 0 : i32
        %dma_start3A_126 = arith.constant 0 : i32
        %dma_start3A_127 = tpu.memref_slice %arg11[%dma_start3A_125, %dma_start3A_126] : memref<10240x128xf32, #tpu.memory_space<vmem_shared>> -> memref<10240x128xf32, #tpu.memory_space<vmem_shared>>
        tpu.enqueue_indirect_dma source(%arg9 : memref<128x128xf32, #tpu.memory_space<vmem>>) target(%dma_start3A_127 : memref<10240x128xf32, #tpu.memory_space<vmem_shared>>) offsets(%dma_start3A_124 : memref<128xi32, #tpu.memory_space<vmem>>) semaphore(%run_scoped3A_121 : memref<!tpu.dma_semaphore, #tpu.memory_space<semaphore_mem>>) {add = true}
        %dma_wait3A_128 = arith.constant 0 : i32
        %dma_wait3A_129 = tpu.memref_slice %arg8[%mul3A_88, %dma_wait3A_128] : memref<40x128xi32, #tpu.memory_space<vmem>> -> memref<1x128xi32, #tpu.memory_space<vmem>>
        %dma_wait3A_130 = tpu.memref_squeeze %dma_wait3A_129 : memref<1x128xi32, #tpu.memory_space<vmem>> -> memref<128xi32, #tpu.memory_space<vmem>>
        %dma_wait3A_131 = arith.constant 0 : i32
        %dma_wait3A_132 = arith.constant 0 : i32
        %dma_wait3A_133 = tpu.memref_slice %arg11[%dma_wait3A_131, %dma_wait3A_132] : memref<10240x128xf32, #tpu.memory_space<vmem_shared>> -> memref<10240x128xf32, #tpu.memory_space<vmem_shared>>
        tpu.wait_indirect_dma semaphore(%run_scoped3A_121 : memref<!tpu.dma_semaphore, #tpu.memory_space<semaphore_mem>>) src(%arg9 : memref<128x128xf32, #tpu.memory_space<vmem>>) dst(%dma_wait3A_133 : memref<10240x128xf32, #tpu.memory_space<vmem_shared>>)
        tpu.yield
      }) : () -> ()
      %add3A_95 = arith.constant 2 : i32
      %add3A_96 = arith.addi %mul3A_88, %add3A_95 : i32
      %dma_start3A_97 = arith.constant 0 : i32
      %dma_start3A_98 = tpu.memref_slice %arg7[%add3A_96, %dma_start3A_97] : memref<40x128xi32, #tpu.memory_space<vmem>> -> memref<1x128xi32, #tpu.memory_space<vmem>>
      %dma_start3A_99 = tpu.memref_squeeze %dma_start3A_98 : memref<1x128xi32, #tpu.memory_space<vmem>> -> memref<128xi32, #tpu.memory_space<vmem>>
      %dma_start3A_100 = arith.constant 0 : i32
      %dma_start3A_101 = arith.constant 0 : i32
      %dma_start3A_102 = tpu.memref_slice %arg2[%dma_start3A_100, %dma_start3A_101] : memref<10240x128xf32, #tpu.memory_space<hbm>> -> memref<10240x128xf32, #tpu.memory_space<hbm>>
      tpu.enqueue_indirect_dma source(%dma_start3A_102 : memref<10240x128xf32, #tpu.memory_space<hbm>>) target(%arg9 : memref<128x128xf32, #tpu.memory_space<vmem>>) offsets(%dma_start3A_99 : memref<128xi32, #tpu.memory_space<vmem>>) semaphore(%arg12 : memref<!tpu.dma_semaphore, #tpu.memory_space<semaphore_mem>>)
      %add3A_103 = arith.constant 1 : i32
      %add3A_104 = arith.addi %mul3A_88, %add3A_103 : i32
      %dma_wait3A_105 = arith.constant 0 : i32
      %dma_wait3A_106 = tpu.memref_slice %arg7[%add3A_104, %dma_wait3A_105] : memref<40x128xi32, #tpu.memory_space<vmem>> -> memref<1x128xi32, #tpu.memory_space<vmem>>
      %dma_wait3A_107 = tpu.memref_squeeze %dma_wait3A_106 : memref<1x128xi32, #tpu.memory_space<vmem>> -> memref<128xi32, #tpu.memory_space<vmem>>
      %dma_wait3A_108 = arith.constant 0 : i32
      %dma_wait3A_109 = arith.constant 0 : i32
      %dma_wait3A_110 = tpu.memref_slice %arg2[%dma_wait3A_108, %dma_wait3A_109] : memref<10240x128xf32, #tpu.memory_space<hbm>> -> memref<10240x128xf32, #tpu.memory_space<hbm>>
      tpu.wait_indirect_dma semaphore(%arg13 : memref<!tpu.dma_semaphore, #tpu.memory_space<semaphore_mem>>) src(%dma_wait3A_110 : memref<10240x128xf32, #tpu.memory_space<hbm>>) dst(%arg10 : memref<128x128xf32, #tpu.memory_space<vmem>>)
      %add3A_111 = arith.constant 1 : i32
      %add3A_112 = arith.addi %mul3A_88, %add3A_111 : i32
      "tpu.region"() ({
        %run_scoped3A_121 = tpu.sem_alloc : memref<!tpu.dma_semaphore, #tpu.memory_space<semaphore_mem>>
        %dma_start3A_122 = arith.constant 0 : i32
        %dma_start3A_123 = tpu.memref_slice %arg8[%add3A_112, %dma_start3A_122] : memref<40x128xi32, #tpu.memory_space<vmem>> -> memref<1x128xi32, #tpu.memory_space<vmem>>
        %dma_start3A_124 = tpu.memref_squeeze %dma_start3A_123 : memref<1x128xi32, #tpu.memory_space<vmem>> -> memref<128xi32, #tpu.memory_space<vmem>>
        %dma_start3A_125 = arith.constant 0 : i32
        %dma_start3A_126 = arith.constant 0 : i32
        %dma_start3A_127 = tpu.memref_slice %arg11[%dma_start3A_125, %dma_start3A_126] : memref<10240x128xf32, #tpu.memory_space<vmem_shared>> -> memref<10240x128xf32, #tpu.memory_space<vmem_shared>>
        tpu.enqueue_indirect_dma source(%arg10 : memref<128x128xf32, #tpu.memory_space<vmem>>) target(%dma_start3A_127 : memref<10240x128xf32, #tpu.memory_space<vmem_shared>>) offsets(%dma_start3A_124 : memref<128xi32, #tpu.memory_space<vmem>>) semaphore(%run_scoped3A_121 : memref<!tpu.dma_semaphore, #tpu.memory_space<semaphore_mem>>) {add = true}
        %dma_wait3A_128 = arith.constant 0 : i32
        %dma_wait3A_129 = tpu.memref_slice %arg8[%add3A_112, %dma_wait3A_128] : memref<40x128xi32, #tpu.memory_space<vmem>> -> memref<1x128xi32, #tpu.memory_space<vmem>>
        %dma_wait3A_130 = tpu.memref_squeeze %dma_wait3A_129 : memref<1x128xi32, #tpu.memory_space<vmem>> -> memref<128xi32, #tpu.memory_space<vmem>>
        %dma_wait3A_131 = arith.constant 0 : i32
        %dma_wait3A_132 = arith.constant 0 : i32
        %dma_wait3A_133 = tpu.memref_slice %arg11[%dma_wait3A_131, %dma_wait3A_132] : memref<10240x128xf32, #tpu.memory_space<vmem_shared>> -> memref<10240x128xf32, #tpu.memory_space<vmem_shared>>
        tpu.wait_indirect_dma semaphore(%run_scoped3A_121 : memref<!tpu.dma_semaphore, #tpu.memory_space<semaphore_mem>>) src(%arg10 : memref<128x128xf32, #tpu.memory_space<vmem>>) dst(%dma_wait3A_133 : memref<10240x128xf32, #tpu.memory_space<vmem_shared>>)
        tpu.yield
      }) : () -> ()
      %add3A_113 = arith.constant 3 : i32
      %add3A_114 = arith.addi %mul3A_88, %add3A_113 : i32
      %dma_start3A_115 = arith.constant 0 : i32
      %dma_start3A_116 = tpu.memref_slice %arg7[%add3A_114, %dma_start3A_115] : memref<40x128xi32, #tpu.memory_space<vmem>> -> memref<1x128xi32, #tpu.memory_space<vmem>>
      %dma_start3A_117 = tpu.memref_squeeze %dma_start3A_116 : memref<1x128xi32, #tpu.memory_space<vmem>> -> memref<128xi32, #tpu.memory_space<vmem>>
      %dma_start3A_118 = arith.constant 0 : i32
      %dma_start3A_119 = arith.constant 0 : i32
      %dma_start3A_120 = tpu.memref_slice %arg2[%dma_start3A_118, %dma_start3A_119] : memref<10240x128xf32, #tpu.memory_space<hbm>> -> memref<10240x128xf32, #tpu.memory_space<hbm>>
      tpu.enqueue_indirect_dma source(%dma_start3A_120 : memref<10240x128xf32, #tpu.memory_space<hbm>>) target(%arg10 : memref<128x128xf32, #tpu.memory_space<vmem>>) offsets(%dma_start3A_117 : memref<128xi32, #tpu.memory_space<vmem>>) semaphore(%arg13 : memref<!tpu.dma_semaphore, #tpu.memory_space<semaphore_mem>>)
    }
    %scan3A_30 = arith.constant 19 : i32
    %dma_wait3A = arith.constant 38 : i32
    %dma_wait3A_31 = arith.constant 0 : i32
    %dma_wait3A_32 = tpu.memref_slice %arg7[%dma_wait3A, %dma_wait3A_31] : memref<40x128xi32, #tpu.memory_space<vmem>> -> memref<1x128xi32, #tpu.memory_space<vmem>>
    %dma_wait3A_33 = tpu.memref_squeeze %dma_wait3A_32 : memref<1x128xi32, #tpu.memory_space<vmem>> -> memref<128xi32, #tpu.memory_space<vmem>>
    %dma_wait3A_34 = arith.constant 0 : i32
    %dma_wait3A_35 = arith.constant 0 : i32
    %dma_wait3A_36 = tpu.memref_slice %arg2[%dma_wait3A_34, %dma_wait3A_35] : memref<10240x128xf32, #tpu.memory_space<hbm>> -> memref<10240x128xf32, #tpu.memory_space<hbm>>
    tpu.wait_indirect_dma semaphore(%arg12 : memref<!tpu.dma_semaphore, #tpu.memory_space<semaphore_mem>>) src(%dma_wait3A_36 : memref<10240x128xf32, #tpu.memory_space<hbm>>) dst(%arg9 : memref<128x128xf32, #tpu.memory_space<vmem>>)
    %run_scoped3A = arith.constant 38 : i32
    "tpu.region"() ({
      %run_scoped3A_86 = tpu.sem_alloc : memref<!tpu.dma_semaphore, #tpu.memory_space<semaphore_mem>>
      %dma_start3A_87 = arith.constant 0 : i32
      %dma_start3A_88 = tpu.memref_slice %arg8[%run_scoped3A, %dma_start3A_87] : memref<40x128xi32, #tpu.memory_space<vmem>> -> memref<1x128xi32, #tpu.memory_space<vmem>>
      %dma_start3A_89 = tpu.memref_squeeze %dma_start3A_88 : memref<1x128xi32, #tpu.memory_space<vmem>> -> memref<128xi32, #tpu.memory_space<vmem>>
      %dma_start3A_90 = arith.constant 0 : i32
      %dma_start3A_91 = arith.constant 0 : i32
      %dma_start3A_92 = tpu.memref_slice %arg11[%dma_start3A_90, %dma_start3A_91] : memref<10240x128xf32, #tpu.memory_space<vmem_shared>> -> memref<10240x128xf32, #tpu.memory_space<vmem_shared>>
      tpu.enqueue_indirect_dma source(%arg9 : memref<128x128xf32, #tpu.memory_space<vmem>>) target(%dma_start3A_92 : memref<10240x128xf32, #tpu.memory_space<vmem_shared>>) offsets(%dma_start3A_89 : memref<128xi32, #tpu.memory_space<vmem>>) semaphore(%run_scoped3A_86 : memref<!tpu.dma_semaphore, #tpu.memory_space<semaphore_mem>>) {add = true}
      %dma_wait3A_93 = arith.constant 0 : i32
      %dma_wait3A_94 = tpu.memref_slice %arg8[%run_scoped3A, %dma_wait3A_93] : memref<40x128xi32, #tpu.memory_space<vmem>> -> memref<1x128xi32, #tpu.memory_space<vmem>>
      %dma_wait3A_95 = tpu.memref_squeeze %dma_wait3A_94 : memref<1x128xi32, #tpu.memory_space<vmem>> -> memref<128xi32, #tpu.memory_space<vmem>>
      %dma_wait3A_96 = arith.constant 0 : i32
      %dma_wait3A_97 = arith.constant 0 : i32
      %dma_wait3A_98 = tpu.memref_slice %arg11[%dma_wait3A_96, %dma_wait3A_97] : memref<10240x128xf32, #tpu.memory_space<vmem_shared>> -> memref<10240x128xf32, #tpu.memory_space<vmem_shared>>
      tpu.wait_indirect_dma semaphore(%run_scoped3A_86 : memref<!tpu.dma_semaphore, #tpu.memory_space<semaphore_mem>>) src(%arg9 : memref<128x128xf32, #tpu.memory_space<vmem>>) dst(%dma_wait3A_98 : memref<10240x128xf32, #tpu.memory_space<vmem_shared>>)
      tpu.yield
    }) : () -> ()
    %dma_wait3A_37 = arith.constant 39 : i32
    %dma_wait3A_38 = arith.constant 0 : i32
    %dma_wait3A_39 = tpu.memref_slice %arg7[%dma_wait3A_37, %dma_wait3A_38] : memref<40x128xi32, #tpu.memory_space<vmem>> -> memref<1x128xi32, #tpu.memory_space<vmem>>
    %dma_wait3A_40 = tpu.memref_squeeze %dma_wait3A_39 : memref<1x128xi32, #tpu.memory_space<vmem>> -> memref<128xi32, #tpu.memory_space<vmem>>
    %dma_wait3A_41 = arith.constant 0 : i32
    %dma_wait3A_42 = arith.constant 0 : i32
    %dma_wait3A_43 = tpu.memref_slice %arg2[%dma_wait3A_41, %dma_wait3A_42] : memref<10240x128xf32, #tpu.memory_space<hbm>> -> memref<10240x128xf32, #tpu.memory_space<hbm>>
    tpu.wait_indirect_dma semaphore(%arg13 : memref<!tpu.dma_semaphore, #tpu.memory_space<semaphore_mem>>) src(%dma_wait3A_43 : memref<10240x128xf32, #tpu.memory_space<hbm>>) dst(%arg10 : memref<128x128xf32, #tpu.memory_space<vmem>>)
    %run_scoped3A_44 = arith.constant 39 : i32
    "tpu.region"() ({
      %run_scoped3A_86 = tpu.sem_alloc : memref<!tpu.dma_semaphore, #tpu.memory_space<semaphore_mem>>
      %dma_start3A_87 = arith.constant 0 : i32
      %dma_start3A_88 = tpu.memref_slice %arg8[%run_scoped3A_44, %dma_start3A_87] : memref<40x128xi32, #tpu.memory_space<vmem>> -> memref<1x128xi32, #tpu.memory_space<vmem>>
      %dma_start3A_89 = tpu.memref_squeeze %dma_start3A_88 : memref<1x128xi32, #tpu.memory_space<vmem>> -> memref<128xi32, #tpu.memory_space<vmem>>
      %dma_start3A_90 = arith.constant 0 : i32
      %dma_start3A_91 = arith.constant 0 : i32
      %dma_start3A_92 = tpu.memref_slice %arg11[%dma_start3A_90, %dma_start3A_91] : memref<10240x128xf32, #tpu.memory_space<vmem_shared>> -> memref<10240x128xf32, #tpu.memory_space<vmem_shared>>
      tpu.enqueue_indirect_dma source(%arg10 : memref<128x128xf32, #tpu.memory_space<vmem>>) target(%dma_start3A_92 : memref<10240x128xf32, #tpu.memory_space<vmem_shared>>) offsets(%dma_start3A_89 : memref<128xi32, #tpu.memory_space<vmem>>) semaphore(%run_scoped3A_86 : memref<!tpu.dma_semaphore, #tpu.memory_space<semaphore_mem>>) {add = true}
      %dma_wait3A_93 = arith.constant 0 : i32
      %dma_wait3A_94 = tpu.memref_slice %arg8[%run_scoped3A_44, %dma_wait3A_93] : memref<40x128xi32, #tpu.memory_space<vmem>> -> memref<1x128xi32, #tpu.memory_space<vmem>>
      %dma_wait3A_95 = tpu.memref_squeeze %dma_wait3A_94 : memref<1x128xi32, #tpu.memory_space<vmem>> -> memref<128xi32, #tpu.memory_space<vmem>>
      %dma_wait3A_96 = arith.constant 0 : i32
      %dma_wait3A_97 = arith.constant 0 : i32
      %dma_wait3A_98 = tpu.memref_slice %arg11[%dma_wait3A_96, %dma_wait3A_97] : memref<10240x128xf32, #tpu.memory_space<vmem_shared>> -> memref<10240x128xf32, #tpu.memory_space<vmem_shared>>
      tpu.wait_indirect_dma semaphore(%run_scoped3A_86 : memref<!tpu.dma_semaphore, #tpu.memory_space<semaphore_mem>>) src(%arg10 : memref<128x128xf32, #tpu.memory_space<vmem>>) dst(%dma_wait3A_98 : memref<10240x128xf32, #tpu.memory_space<vmem_shared>>)
      tpu.yield
    }) : () -> ()
    "tpu.region"() ({
      %run_scoped3A_86 = tpu.sem_alloc : memref<!tpu.dma_semaphore, #tpu.memory_space<semaphore_mem>>
      %dma_start3A_87 = arith.constant 40 : i32
      %dma_start3A_88 = arith.constant 0 : i32
      %dma_start3A_89 = tpu.memref_slice %arg3[%add3A, %dma_start3A_87, %dma_start3A_88] : memref<32x80x128xi32, #tpu.memory_space<hbm>> -> memref<1x40x128xi32, #tpu.memory_space<hbm>>
      %dma_start3A_90 = tpu.memref_squeeze %dma_start3A_89 : memref<1x40x128xi32, #tpu.memory_space<hbm>> -> memref<40x128xi32, #tpu.memory_space<hbm>>
      %dma_start3A_91 = arith.constant 40 : i32
      %dma_start3A_92 = arith.constant 0 : i32
      %dma_start3A_93 = tpu.memref_slice %arg3[%add3A, %dma_start3A_91, %dma_start3A_92] : memref<32x80x128xi32, #tpu.memory_space<hbm>> -> memref<1x40x128xi32, #tpu.memory_space<hbm>>
      %dma_start3A_94 = tpu.memref_squeeze %dma_start3A_93 : memref<1x40x128xi32, #tpu.memory_space<hbm>> -> memref<40x128xi32, #tpu.memory_space<hbm>>
      tpu.enqueue_dma source(%dma_start3A_94 : memref<40x128xi32, #tpu.memory_space<hbm>>) target(%arg7 : memref<40x128xi32, #tpu.memory_space<vmem>>) target_semaphore(%run_scoped3A_86 : memref<!tpu.dma_semaphore, #tpu.memory_space<semaphore_mem>>)
      %dma_wait3A_95 = arith.constant 40 : i32
      %dma_wait3A_96 = arith.constant 0 : i32
      %dma_wait3A_97 = tpu.memref_slice %arg3[%add3A, %dma_wait3A_95, %dma_wait3A_96] : memref<32x80x128xi32, #tpu.memory_space<hbm>> -> memref<1x40x128xi32, #tpu.memory_space<hbm>>
      %dma_wait3A_98 = tpu.memref_squeeze %dma_wait3A_97 : memref<1x40x128xi32, #tpu.memory_space<hbm>> -> memref<40x128xi32, #tpu.memory_space<hbm>>
      %dma_wait3A_99 = arith.constant 40 : i32
      %dma_wait3A_100 = arith.constant 0 : i32
      %dma_wait3A_101 = tpu.memref_slice %arg3[%add3A, %dma_wait3A_99, %dma_wait3A_100] : memref<32x80x128xi32, #tpu.memory_space<hbm>> -> memref<1x40x128xi32, #tpu.memory_space<hbm>>
      %dma_wait3A_102 = tpu.memref_squeeze %dma_wait3A_101 : memref<1x40x128xi32, #tpu.memory_space<hbm>> -> memref<40x128xi32, #tpu.memory_space<hbm>>
      tpu.wait_dma2 semaphore(%run_scoped3A_86 : memref<!tpu.dma_semaphore, #tpu.memory_space<semaphore_mem>>) src(%dma_wait3A_102 : memref<40x128xi32, #tpu.memory_space<hbm>>) dst(%arg7 : memref<40x128xi32, #tpu.memory_space<vmem>>)
      tpu.yield
    }) : () -> ()
    "tpu.region"() ({
      %run_scoped3A_86 = tpu.sem_alloc : memref<!tpu.dma_semaphore, #tpu.memory_space<semaphore_mem>>
      %dma_start3A_87 = arith.constant 40 : i32
      %dma_start3A_88 = arith.constant 0 : i32
      %dma_start3A_89 = tpu.memref_slice %arg4[%add3A, %dma_start3A_87, %dma_start3A_88] : memref<32x80x128xi32, #tpu.memory_space<hbm>> -> memref<1x40x128xi32, #tpu.memory_space<hbm>>
      %dma_start3A_90 = tpu.memref_squeeze %dma_start3A_89 : memref<1x40x128xi32, #tpu.memory_space<hbm>> -> memref<40x128xi32, #tpu.memory_space<hbm>>
      %dma_start3A_91 = arith.constant 40 : i32
      %dma_start3A_92 = arith.constant 0 : i32
      %dma_start3A_93 = tpu.memref_slice %arg4[%add3A, %dma_start3A_91, %dma_start3A_92] : memref<32x80x128xi32, #tpu.memory_space<hbm>> -> memref<1x40x128xi32, #tpu.memory_space<hbm>>
      %dma_start3A_94 = tpu.memref_squeeze %dma_start3A_93 : memref<1x40x128xi32, #tpu.memory_space<hbm>> -> memref<40x128xi32, #tpu.memory_space<hbm>>
      tpu.enqueue_dma source(%dma_start3A_94 : memref<40x128xi32, #tpu.memory_space<hbm>>) target(%arg8 : memref<40x128xi32, #tpu.memory_space<vmem>>) target_semaphore(%run_scoped3A_86 : memref<!tpu.dma_semaphore, #tpu.memory_space<semaphore_mem>>)
      %dma_wait3A_95 = arith.constant 40 : i32
      %dma_wait3A_96 = arith.constant 0 : i32
      %dma_wait3A_97 = tpu.memref_slice %arg4[%add3A, %dma_wait3A_95, %dma_wait3A_96] : memref<32x80x128xi32, #tpu.memory_space<hbm>> -> memref<1x40x128xi32, #tpu.memory_space<hbm>>
      %dma_wait3A_98 = tpu.memref_squeeze %dma_wait3A_97 : memref<1x40x128xi32, #tpu.memory_space<hbm>> -> memref<40x128xi32, #tpu.memory_space<hbm>>
      %dma_wait3A_99 = arith.constant 40 : i32
      %dma_wait3A_100 = arith.constant 0 : i32
      %dma_wait3A_101 = tpu.memref_slice %arg4[%add3A, %dma_wait3A_99, %dma_wait3A_100] : memref<32x80x128xi32, #tpu.memory_space<hbm>> -> memref<1x40x128xi32, #tpu.memory_space<hbm>>
      %dma_wait3A_102 = tpu.memref_squeeze %dma_wait3A_101 : memref<1x40x128xi32, #tpu.memory_space<hbm>> -> memref<40x128xi32, #tpu.memory_space<hbm>>
      tpu.wait_dma2 semaphore(%run_scoped3A_86 : memref<!tpu.dma_semaphore, #tpu.memory_space<semaphore_mem>>) src(%dma_wait3A_102 : memref<40x128xi32, #tpu.memory_space<hbm>>) dst(%arg8 : memref<40x128xi32, #tpu.memory_space<vmem>>)
      tpu.yield
    }) : () -> ()
    %dma_start3A_45 = arith.constant 0 : i32
    %dma_start3A_46 = arith.constant 0 : i32
    %dma_start3A_47 = tpu.memref_slice %arg7[%dma_start3A_45, %dma_start3A_46] : memref<40x128xi32, #tpu.memory_space<vmem>> -> memref<1x128xi32, #tpu.memory_space<vmem>>
    %dma_start3A_48 = tpu.memref_squeeze %dma_start3A_47 : memref<1x128xi32, #tpu.memory_space<vmem>> -> memref<128xi32, #tpu.memory_space<vmem>>
    %dma_start3A_49 = arith.constant 0 : i32
    %dma_start3A_50 = arith.constant 0 : i32
    %dma_start3A_51 = tpu.memref_slice %arg2[%dma_start3A_49, %dma_start3A_50] : memref<10240x128xf32, #tpu.memory_space<hbm>> -> memref<10240x128xf32, #tpu.memory_space<hbm>>
    tpu.enqueue_indirect_dma source(%dma_start3A_51 : memref<10240x128xf32, #tpu.memory_space<hbm>>) target(%arg9 : memref<128x128xf32, #tpu.memory_space<vmem>>) offsets(%dma_start3A_48 : memref<128xi32, #tpu.memory_space<vmem>>) semaphore(%arg12 : memref<!tpu.dma_semaphore, #tpu.memory_space<semaphore_mem>>)
    %dma_start3A_52 = arith.constant 1 : i32
    %dma_start3A_53 = arith.constant 0 : i32
    %dma_start3A_54 = tpu.memref_slice %arg7[%dma_start3A_52, %dma_start3A_53] : memref<40x128xi32, #tpu.memory_space<vmem>> -> memref<1x128xi32, #tpu.memory_space<vmem>>
    %dma_start3A_55 = tpu.memref_squeeze %dma_start3A_54 : memref<1x128xi32, #tpu.memory_space<vmem>> -> memref<128xi32, #tpu.memory_space<vmem>>
    %dma_start3A_56 = arith.constant 0 : i32
    %dma_start3A_57 = arith.constant 0 : i32
    %dma_start3A_58 = tpu.memref_slice %arg2[%dma_start3A_56, %dma_start3A_57] : memref<10240x128xf32, #tpu.memory_space<hbm>> -> memref<10240x128xf32, #tpu.memory_space<hbm>>
    tpu.enqueue_indirect_dma source(%dma_start3A_58 : memref<10240x128xf32, #tpu.memory_space<hbm>>) target(%arg10 : memref<128x128xf32, #tpu.memory_space<vmem>>) offsets(%dma_start3A_55 : memref<128xi32, #tpu.memory_space<vmem>>) semaphore(%arg13 : memref<!tpu.dma_semaphore, #tpu.memory_space<semaphore_mem>>)
    %scan3A_59 = arith.constant 0 : i32
    %scan3A_60 = arith.constant 0 : i32
    %scan3A_61 = arith.constant 19 : i32
    %scan3A_62 = arith.addi %scan3A_60, %scan3A_61 : i32
    %scan3A_63 = arith.constant 1 : i32
    scf.for %scan3A_86 = %scan3A_60 to %scan3A_62 step %scan3A_63  : i32 {
      %mul3A_87 = arith.constant 2 : i32
      %mul3A_88 = arith.muli %mul3A_87, %scan3A_86 : i32
      %dma_wait3A_89 = arith.constant 0 : i32
      %dma_wait3A_90 = tpu.memref_slice %arg7[%mul3A_88, %dma_wait3A_89] : memref<40x128xi32, #tpu.memory_space<vmem>> -> memref<1x128xi32, #tpu.memory_space<vmem>>
      %dma_wait3A_91 = tpu.memref_squeeze %dma_wait3A_90 : memref<1x128xi32, #tpu.memory_space<vmem>> -> memref<128xi32, #tpu.memory_space<vmem>>
      %dma_wait3A_92 = arith.constant 0 : i32
      %dma_wait3A_93 = arith.constant 0 : i32
      %dma_wait3A_94 = tpu.memref_slice %arg2[%dma_wait3A_92, %dma_wait3A_93] : memref<10240x128xf32, #tpu.memory_space<hbm>> -> memref<10240x128xf32, #tpu.memory_space<hbm>>
      tpu.wait_indirect_dma semaphore(%arg12 : memref<!tpu.dma_semaphore, #tpu.memory_space<semaphore_mem>>) src(%dma_wait3A_94 : memref<10240x128xf32, #tpu.memory_space<hbm>>) dst(%arg9 : memref<128x128xf32, #tpu.memory_space<vmem>>)
      "tpu.region"() ({
        %run_scoped3A_121 = tpu.sem_alloc : memref<!tpu.dma_semaphore, #tpu.memory_space<semaphore_mem>>
        %dma_start3A_122 = arith.constant 0 : i32
        %dma_start3A_123 = tpu.memref_slice %arg8[%mul3A_88, %dma_start3A_122] : memref<40x128xi32, #tpu.memory_space<vmem>> -> memref<1x128xi32, #tpu.memory_space<vmem>>
        %dma_start3A_124 = tpu.memref_squeeze %dma_start3A_123 : memref<1x128xi32, #tpu.memory_space<vmem>> -> memref<128xi32, #tpu.memory_space<vmem>>
        %dma_start3A_125 = arith.constant 0 : i32
        %dma_start3A_126 = arith.constant 0 : i32
        %dma_start3A_127 = tpu.memref_slice %arg11[%dma_start3A_125, %dma_start3A_126] : memref<10240x128xf32, #tpu.memory_space<vmem_shared>> -> memref<10240x128xf32, #tpu.memory_space<vmem_shared>>
        tpu.enqueue_indirect_dma source(%arg9 : memref<128x128xf32, #tpu.memory_space<vmem>>) target(%dma_start3A_127 : memref<10240x128xf32, #tpu.memory_space<vmem_shared>>) offsets(%dma_start3A_124 : memref<128xi32, #tpu.memory_space<vmem>>) semaphore(%run_scoped3A_121 : memref<!tpu.dma_semaphore, #tpu.memory_space<semaphore_mem>>) {add = true}
        %dma_wait3A_128 = arith.constant 0 : i32
        %dma_wait3A_129 = tpu.memref_slice %arg8[%mul3A_88, %dma_wait3A_128] : memref<40x128xi32, #tpu.memory_space<vmem>> -> memref<1x128xi32, #tpu.memory_space<vmem>>
        %dma_wait3A_130 = tpu.memref_squeeze %dma_wait3A_129 : memref<1x128xi32, #tpu.memory_space<vmem>> -> memref<128xi32, #tpu.memory_space<vmem>>
        %dma_wait3A_131 = arith.constant 0 : i32
        %dma_wait3A_132 = arith.constant 0 : i32
        %dma_wait3A_133 = tpu.memref_slice %arg11[%dma_wait3A_131, %dma_wait3A_132] : memref<10240x128xf32, #tpu.memory_space<vmem_shared>> -> memref<10240x128xf32, #tpu.memory_space<vmem_shared>>
        tpu.wait_indirect_dma semaphore(%run_scoped3A_121 : memref<!tpu.dma_semaphore, #tpu.memory_space<semaphore_mem>>) src(%arg9 : memref<128x128xf32, #tpu.memory_space<vmem>>) dst(%dma_wait3A_133 : memref<10240x128xf32, #tpu.memory_space<vmem_shared>>)
        tpu.yield
      }) : () -> ()
      %add3A_95 = arith.constant 2 : i32
      %add3A_96 = arith.addi %mul3A_88, %add3A_95 : i32
      %dma_start3A_97 = arith.constant 0 : i32
      %dma_start3A_98 = tpu.memref_slice %arg7[%add3A_96, %dma_start3A_97] : memref<40x128xi32, #tpu.memory_space<vmem>> -> memref<1x128xi32, #tpu.memory_space<vmem>>
      %dma_start3A_99 = tpu.memref_squeeze %dma_start3A_98 : memref<1x128xi32, #tpu.memory_space<vmem>> -> memref<128xi32, #tpu.memory_space<vmem>>
      %dma_start3A_100 = arith.constant 0 : i32
      %dma_start3A_101 = arith.constant 0 : i32
      %dma_start3A_102 = tpu.memref_slice %arg2[%dma_start3A_100, %dma_start3A_101] : memref<10240x128xf32, #tpu.memory_space<hbm>> -> memref<10240x128xf32, #tpu.memory_space<hbm>>
      tpu.enqueue_indirect_dma source(%dma_start3A_102 : memref<10240x128xf32, #tpu.memory_space<hbm>>) target(%arg9 : memref<128x128xf32, #tpu.memory_space<vmem>>) offsets(%dma_start3A_99 : memref<128xi32, #tpu.memory_space<vmem>>) semaphore(%arg12 : memref<!tpu.dma_semaphore, #tpu.memory_space<semaphore_mem>>)
      %add3A_103 = arith.constant 1 : i32
      %add3A_104 = arith.addi %mul3A_88, %add3A_103 : i32
      %dma_wait3A_105 = arith.constant 0 : i32
      %dma_wait3A_106 = tpu.memref_slice %arg7[%add3A_104, %dma_wait3A_105] : memref<40x128xi32, #tpu.memory_space<vmem>> -> memref<1x128xi32, #tpu.memory_space<vmem>>
      %dma_wait3A_107 = tpu.memref_squeeze %dma_wait3A_106 : memref<1x128xi32, #tpu.memory_space<vmem>> -> memref<128xi32, #tpu.memory_space<vmem>>
      %dma_wait3A_108 = arith.constant 0 : i32
      %dma_wait3A_109 = arith.constant 0 : i32
      %dma_wait3A_110 = tpu.memref_slice %arg2[%dma_wait3A_108, %dma_wait3A_109] : memref<10240x128xf32, #tpu.memory_space<hbm>> -> memref<10240x128xf32, #tpu.memory_space<hbm>>
      tpu.wait_indirect_dma semaphore(%arg13 : memref<!tpu.dma_semaphore, #tpu.memory_space<semaphore_mem>>) src(%dma_wait3A_110 : memref<10240x128xf32, #tpu.memory_space<hbm>>) dst(%arg10 : memref<128x128xf32, #tpu.memory_space<vmem>>)
      %add3A_111 = arith.constant 1 : i32
      %add3A_112 = arith.addi %mul3A_88, %add3A_111 : i32
      "tpu.region"() ({
        %run_scoped3A_121 = tpu.sem_alloc : memref<!tpu.dma_semaphore, #tpu.memory_space<semaphore_mem>>
        %dma_start3A_122 = arith.constant 0 : i32
        %dma_start3A_123 = tpu.memref_slice %arg8[%add3A_112, %dma_start3A_122] : memref<40x128xi32, #tpu.memory_space<vmem>> -> memref<1x128xi32, #tpu.memory_space<vmem>>
        %dma_start3A_124 = tpu.memref_squeeze %dma_start3A_123 : memref<1x128xi32, #tpu.memory_space<vmem>> -> memref<128xi32, #tpu.memory_space<vmem>>
        %dma_start3A_125 = arith.constant 0 : i32
        %dma_start3A_126 = arith.constant 0 : i32
        %dma_start3A_127 = tpu.memref_slice %arg11[%dma_start3A_125, %dma_start3A_126] : memref<10240x128xf32, #tpu.memory_space<vmem_shared>> -> memref<10240x128xf32, #tpu.memory_space<vmem_shared>>
        tpu.enqueue_indirect_dma source(%arg10 : memref<128x128xf32, #tpu.memory_space<vmem>>) target(%dma_start3A_127 : memref<10240x128xf32, #tpu.memory_space<vmem_shared>>) offsets(%dma_start3A_124 : memref<128xi32, #tpu.memory_space<vmem>>) semaphore(%run_scoped3A_121 : memref<!tpu.dma_semaphore, #tpu.memory_space<semaphore_mem>>) {add = true}
        %dma_wait3A_128 = arith.constant 0 : i32
        %dma_wait3A_129 = tpu.memref_slice %arg8[%add3A_112, %dma_wait3A_128] : memref<40x128xi32, #tpu.memory_space<vmem>> -> memref<1x128xi32, #tpu.memory_space<vmem>>
        %dma_wait3A_130 = tpu.memref_squeeze %dma_wait3A_129 : memref<1x128xi32, #tpu.memory_space<vmem>> -> memref<128xi32, #tpu.memory_space<vmem>>
        %dma_wait3A_131 = arith.constant 0 : i32
        %dma_wait3A_132 = arith.constant 0 : i32
        %dma_wait3A_133 = tpu.memref_slice %arg11[%dma_wait3A_131, %dma_wait3A_132] : memref<10240x128xf32, #tpu.memory_space<vmem_shared>> -> memref<10240x128xf32, #tpu.memory_space<vmem_shared>>
        tpu.wait_indirect_dma semaphore(%run_scoped3A_121 : memref<!tpu.dma_semaphore, #tpu.memory_space<semaphore_mem>>) src(%arg10 : memref<128x128xf32, #tpu.memory_space<vmem>>) dst(%dma_wait3A_133 : memref<10240x128xf32, #tpu.memory_space<vmem_shared>>)
        tpu.yield
      }) : () -> ()
      %add3A_113 = arith.constant 3 : i32
      %add3A_114 = arith.addi %mul3A_88, %add3A_113 : i32
      %dma_start3A_115 = arith.constant 0 : i32
      %dma_start3A_116 = tpu.memref_slice %arg7[%add3A_114, %dma_start3A_115] : memref<40x128xi32, #tpu.memory_space<vmem>> -> memref<1x128xi32, #tpu.memory_space<vmem>>
      %dma_start3A_117 = tpu.memref_squeeze %dma_start3A_116 : memref<1x128xi32, #tpu.memory_space<vmem>> -> memref<128xi32, #tpu.memory_space<vmem>>
      %dma_start3A_118 = arith.constant 0 : i32
      %dma_start3A_119 = arith.constant 0 : i32
      %dma_start3A_120 = tpu.memref_slice %arg2[%dma_start3A_118, %dma_start3A_119] : memref<10240x128xf32, #tpu.memory_space<hbm>> -> memref<10240x128xf32, #tpu.memory_space<hbm>>
      tpu.enqueue_indirect_dma source(%dma_start3A_120 : memref<10240x128xf32, #tpu.memory_space<hbm>>) target(%arg10 : memref<128x128xf32, #tpu.memory_space<vmem>>) offsets(%dma_start3A_117 : memref<128xi32, #tpu.memory_space<vmem>>) semaphore(%arg13 : memref<!tpu.dma_semaphore, #tpu.memory_space<semaphore_mem>>)
    }
    %scan3A_64 = arith.constant 19 : i32
    %dma_wait3A_65 = arith.constant 38 : i32
    %dma_wait3A_66 = arith.constant 0 : i32
    %dma_wait3A_67 = tpu.memref_slice %arg7[%dma_wait3A_65, %dma_wait3A_66] : memref<40x128xi32, #tpu.memory_space<vmem>> -> memref<1x128xi32, #tpu.memory_space<vmem>>
    %dma_wait3A_68 = tpu.memref_squeeze %dma_wait3A_67 : memref<1x128xi32, #tpu.memory_space<vmem>> -> memref<128xi32, #tpu.memory_space<vmem>>
    %dma_wait3A_69 = arith.constant 0 : i32
    %dma_wait3A_70 = arith.constant 0 : i32
    %dma_wait3A_71 = tpu.memref_slice %arg2[%dma_wait3A_69, %dma_wait3A_70] : memref<10240x128xf32, #tpu.memory_space<hbm>> -> memref<10240x128xf32, #tpu.memory_space<hbm>>
    tpu.wait_indirect_dma semaphore(%arg12 : memref<!tpu.dma_semaphore, #tpu.memory_space<semaphore_mem>>) src(%dma_wait3A_71 : memref<10240x128xf32, #tpu.memory_space<hbm>>) dst(%arg9 : memref<128x128xf32, #tpu.memory_space<vmem>>)
    %run_scoped3A_72 = arith.constant 38 : i32
    "tpu.region"() ({
      %run_scoped3A_86 = tpu.sem_alloc : memref<!tpu.dma_semaphore, #tpu.memory_space<semaphore_mem>>
      %dma_start3A_87 = arith.constant 0 : i32
      %dma_start3A_88 = tpu.memref_slice %arg8[%run_scoped3A_72, %dma_start3A_87] : memref<40x128xi32, #tpu.memory_space<vmem>> -> memref<1x128xi32, #tpu.memory_space<vmem>>
      %dma_start3A_89 = tpu.memref_squeeze %dma_start3A_88 : memref<1x128xi32, #tpu.memory_space<vmem>> -> memref<128xi32, #tpu.memory_space<vmem>>
      %dma_start3A_90 = arith.constant 0 : i32
      %dma_start3A_91 = arith.constant 0 : i32
      %dma_start3A_92 = tpu.memref_slice %arg11[%dma_start3A_90, %dma_start3A_91] : memref<10240x128xf32, #tpu.memory_space<vmem_shared>> -> memref<10240x128xf32, #tpu.memory_space<vmem_shared>>
      tpu.enqueue_indirect_dma source(%arg9 : memref<128x128xf32, #tpu.memory_space<vmem>>) target(%dma_start3A_92 : memref<10240x128xf32, #tpu.memory_space<vmem_shared>>) offsets(%dma_start3A_89 : memref<128xi32, #tpu.memory_space<vmem>>) semaphore(%run_scoped3A_86 : memref<!tpu.dma_semaphore, #tpu.memory_space<semaphore_mem>>) {add = true}
      %dma_wait3A_93 = arith.constant 0 : i32
      %dma_wait3A_94 = tpu.memref_slice %arg8[%run_scoped3A_72, %dma_wait3A_93] : memref<40x128xi32, #tpu.memory_space<vmem>> -> memref<1x128xi32, #tpu.memory_space<vmem>>
      %dma_wait3A_95 = tpu.memref_squeeze %dma_wait3A_94 : memref<1x128xi32, #tpu.memory_space<vmem>> -> memref<128xi32, #tpu.memory_space<vmem>>
      %dma_wait3A_96 = arith.constant 0 : i32
      %dma_wait3A_97 = arith.constant 0 : i32
      %dma_wait3A_98 = tpu.memref_slice %arg11[%dma_wait3A_96, %dma_wait3A_97] : memref<10240x128xf32, #tpu.memory_space<vmem_shared>> -> memref<10240x128xf32, #tpu.memory_space<vmem_shared>>
      tpu.wait_indirect_dma semaphore(%run_scoped3A_86 : memref<!tpu.dma_semaphore, #tpu.memory_space<semaphore_mem>>) src(%arg9 : memref<128x128xf32, #tpu.memory_space<vmem>>) dst(%dma_wait3A_98 : memref<10240x128xf32, #tpu.memory_space<vmem_shared>>)
      tpu.yield
    }) : () -> ()
    %dma_wait3A_73 = arith.constant 39 : i32
    %dma_wait3A_74 = arith.constant 0 : i32
    %dma_wait3A_75 = tpu.memref_slice %arg7[%dma_wait3A_73, %dma_wait3A_74] : memref<40x128xi32, #tpu.memory_space<vmem>> -> memref<1x128xi32, #tpu.memory_space<vmem>>
    %dma_wait3A_76 = tpu.memref_squeeze %dma_wait3A_75 : memref<1x128xi32, #tpu.memory_space<vmem>> -> memref<128xi32, #tpu.memory_space<vmem>>
    %dma_wait3A_77 = arith.constant 0 : i32
    %dma_wait3A_78 = arith.constant 0 : i32
    %dma_wait3A_79 = tpu.memref_slice %arg2[%dma_wait3A_77, %dma_wait3A_78] : memref<10240x128xf32, #tpu.memory_space<hbm>> -> memref<10240x128xf32, #tpu.memory_space<hbm>>
    tpu.wait_indirect_dma semaphore(%arg13 : memref<!tpu.dma_semaphore, #tpu.memory_space<semaphore_mem>>) src(%dma_wait3A_79 : memref<10240x128xf32, #tpu.memory_space<hbm>>) dst(%arg10 : memref<128x128xf32, #tpu.memory_space<vmem>>)
    %run_scoped3A_80 = arith.constant 39 : i32
    "tpu.region"() ({
      %run_scoped3A_86 = tpu.sem_alloc : memref<!tpu.dma_semaphore, #tpu.memory_space<semaphore_mem>>
      %dma_start3A_87 = arith.constant 0 : i32
      %dma_start3A_88 = tpu.memref_slice %arg8[%run_scoped3A_80, %dma_start3A_87] : memref<40x128xi32, #tpu.memory_space<vmem>> -> memref<1x128xi32, #tpu.memory_space<vmem>>
      %dma_start3A_89 = tpu.memref_squeeze %dma_start3A_88 : memref<1x128xi32, #tpu.memory_space<vmem>> -> memref<128xi32, #tpu.memory_space<vmem>>
      %dma_start3A_90 = arith.constant 0 : i32
      %dma_start3A_91 = arith.constant 0 : i32
      %dma_start3A_92 = tpu.memref_slice %arg11[%dma_start3A_90, %dma_start3A_91] : memref<10240x128xf32, #tpu.memory_space<vmem_shared>> -> memref<10240x128xf32, #tpu.memory_space<vmem_shared>>
      tpu.enqueue_indirect_dma source(%arg10 : memref<128x128xf32, #tpu.memory_space<vmem>>) target(%dma_start3A_92 : memref<10240x128xf32, #tpu.memory_space<vmem_shared>>) offsets(%dma_start3A_89 : memref<128xi32, #tpu.memory_space<vmem>>) semaphore(%run_scoped3A_86 : memref<!tpu.dma_semaphore, #tpu.memory_space<semaphore_mem>>) {add = true}
      %dma_wait3A_93 = arith.constant 0 : i32
      %dma_wait3A_94 = tpu.memref_slice %arg8[%run_scoped3A_80, %dma_wait3A_93] : memref<40x128xi32, #tpu.memory_space<vmem>> -> memref<1x128xi32, #tpu.memory_space<vmem>>
      %dma_wait3A_95 = tpu.memref_squeeze %dma_wait3A_94 : memref<1x128xi32, #tpu.memory_space<vmem>> -> memref<128xi32, #tpu.memory_space<vmem>>
      %dma_wait3A_96 = arith.constant 0 : i32
      %dma_wait3A_97 = arith.constant 0 : i32
      %dma_wait3A_98 = tpu.memref_slice %arg11[%dma_wait3A_96, %dma_wait3A_97] : memref<10240x128xf32, #tpu.memory_space<vmem_shared>> -> memref<10240x128xf32, #tpu.memory_space<vmem_shared>>
      tpu.wait_indirect_dma semaphore(%run_scoped3A_86 : memref<!tpu.dma_semaphore, #tpu.memory_space<semaphore_mem>>) src(%arg10 : memref<128x128xf32, #tpu.memory_space<vmem>>) dst(%dma_wait3A_98 : memref<10240x128xf32, #tpu.memory_space<vmem_shared>>)
      tpu.yield
    }) : () -> ()
    %barrier3A_81 = arith.constant 0 : index
    tpu.barrier barrier_id(%barrier3A_81)
    %mul3A_82 = arith.constant 640 : i32
    %mul3A_83 = arith.muli %arg1, %mul3A_82 : i32
    %mul3A_84 = arith.constant 640 : i32
    %mul3A_85 = arith.muli %arg1, %mul3A_84 : i32
    "tpu.region"() ({
      %run_scoped3A_86 = tpu.sem_alloc : memref<!tpu.dma_semaphore, #tpu.memory_space<semaphore_mem>>
      %dma_start3A_87 = arith.constant 0 : i32
      %dma_start3A_88 = tpu.memref_slice %arg6[%arg0, %mul3A_85, %dma_start3A_87] : memref<2x10240x128xf32, #tpu.memory_space<hbm>> -> memref<1x640x128xf32, #tpu.memory_space<hbm>>
      %dma_start3A_89 = tpu.memref_squeeze %dma_start3A_88 : memref<1x640x128xf32, #tpu.memory_space<hbm>> -> memref<640x128xf32, #tpu.memory_space<hbm>>
      %dma_start3A_90 = arith.constant 0 : i32
      %dma_start3A_91 = tpu.memref_slice %arg11[%mul3A_83, %dma_start3A_90] : memref<10240x128xf32, #tpu.memory_space<vmem_shared>> -> memref<640x128xf32, #tpu.memory_space<vmem_shared>>
      tpu.enqueue_dma source(%dma_start3A_91 : memref<640x128xf32, #tpu.memory_space<vmem_shared>>) target(%dma_start3A_89 : memref<640x128xf32, #tpu.memory_space<hbm>>) target_semaphore(%run_scoped3A_86 : memref<!tpu.dma_semaphore, #tpu.memory_space<semaphore_mem>>)
      %dma_wait3A_92 = arith.constant 0 : i32
      %dma_wait3A_93 = tpu.memref_slice %arg6[%arg0, %mul3A_85, %dma_wait3A_92] : memref<2x10240x128xf32, #tpu.memory_space<hbm>> -> memref<1x640x128xf32, #tpu.memory_space<hbm>>
      %dma_wait3A_94 = tpu.memref_squeeze %dma_wait3A_93 : memref<1x640x128xf32, #tpu.memory_space<hbm>> -> memref<640x128xf32, #tpu.memory_space<hbm>>
      %dma_wait3A_95 = arith.constant 0 : i32
      %dma_wait3A_96 = tpu.memref_slice %arg11[%mul3A_83, %dma_wait3A_95] : memref<10240x128xf32, #tpu.memory_space<vmem_shared>> -> memref<640x128xf32, #tpu.memory_space<vmem_shared>>
      tpu.wait_dma2 semaphore(%run_scoped3A_86 : memref<!tpu.dma_semaphore, #tpu.memory_space<semaphore_mem>>) src(%dma_wait3A_96 : memref<640x128xf32, #tpu.memory_space<vmem_shared>>) dst(%dma_wait3A_94 : memref<640x128xf32, #tpu.memory_space<hbm>>)
      tpu.yield
    }) : () -> ()
    return
  }
}

#map = affine_map<(d0, d1) -> (0, 0, 0)>
#map1 = affine_map<(d0, d1) -> (0)>
#map2 = affine_map<(d0, d1) -> (0, 0)>
module attributes {stable_mosaic.version = 14 : i64} {
  func.func @deg_kernel(%arg0: i32, %arg1: i32, %arg2: memref<32x80x128xi32, #tpu.memory_space<hbm>>, %arg3: memref<128xf32, #tpu.memory_space<hbm>>, %arg4: memref<640xf32, #tpu.memory_space<hbm>>, %arg5: memref<2x10240xf32, #tpu.memory_space<hbm>>, %arg6: memref<80x128xi32, #tpu.memory_space<vmem>>, %arg7: memref<128xf32, #tpu.memory_space<vmem>>, %arg8: memref<10240xf32, #tpu.memory_space<vmem_shared>>, %arg9: memref<!tpu.dma_semaphore, #tpu.memory_space<semaphore_mem>>) attributes {dimension_semantics = [#tpu.dimension_semantics<core_parallel>, #tpu.dimension_semantics<subcore_parallel>], iteration_bounds = array<i64: 2, 16>, scalar_prefetch = 0 : i64, scratch_operands = 4 : i64, tpu.core_type = #tpu.core_type<sc_vector_subcore>, window_params = [{transform_indices = #map}, {transform_indices = #map1}, {transform_indices = #map1}, {transform_indices = #map2}]} {
    %mul3A = arith.constant 16 : i32
    %mul3A_0 = arith.muli %arg0, %mul3A : i32
    %add3A = arith.addi %mul3A_0, %arg1 : i32
    %mul3A_1 = arith.constant 640 : i32
    %mul3A_2 = arith.muli %arg1, %mul3A_1 : i32
    "tpu.region"() ({
      %run_scoped3A = tpu.sem_alloc : memref<!tpu.dma_semaphore, #tpu.memory_space<semaphore_mem>>
      %dma_start3A = tpu.memref_slice %arg8[%mul3A_2] : memref<10240xf32, #tpu.memory_space<vmem_shared>> -> memref<640xf32, #tpu.memory_space<vmem_shared>>
      tpu.enqueue_dma source(%arg4 : memref<640xf32, #tpu.memory_space<hbm>>) target(%dma_start3A : memref<640xf32, #tpu.memory_space<vmem_shared>>) target_semaphore(%run_scoped3A : memref<!tpu.dma_semaphore, #tpu.memory_space<semaphore_mem>>)
      %dma_wait3A = tpu.memref_slice %arg8[%mul3A_2] : memref<10240xf32, #tpu.memory_space<vmem_shared>> -> memref<640xf32, #tpu.memory_space<vmem_shared>>
      tpu.wait_dma2 semaphore(%run_scoped3A : memref<!tpu.dma_semaphore, #tpu.memory_space<semaphore_mem>>) src(%arg4 : memref<640xf32, #tpu.memory_space<hbm>>) dst(%dma_wait3A : memref<640xf32, #tpu.memory_space<vmem_shared>>)
      tpu.yield
    }) : () -> ()
    "tpu.region"() ({
      %run_scoped3A = tpu.sem_alloc : memref<!tpu.dma_semaphore, #tpu.memory_space<semaphore_mem>>
      tpu.enqueue_dma source(%arg3 : memref<128xf32, #tpu.memory_space<hbm>>) target(%arg7 : memref<128xf32, #tpu.memory_space<vmem>>) target_semaphore(%run_scoped3A : memref<!tpu.dma_semaphore, #tpu.memory_space<semaphore_mem>>)
      tpu.wait_dma2 semaphore(%run_scoped3A : memref<!tpu.dma_semaphore, #tpu.memory_space<semaphore_mem>>) src(%arg3 : memref<128xf32, #tpu.memory_space<hbm>>) dst(%arg7 : memref<128xf32, #tpu.memory_space<vmem>>)
      tpu.yield
    }) : () -> ()
    "tpu.region"() ({
      %run_scoped3A = tpu.sem_alloc : memref<!tpu.dma_semaphore, #tpu.memory_space<semaphore_mem>>
      %dma_start3A = arith.constant 0 : i32
      %dma_start3A_19 = arith.constant 0 : i32
      %dma_start3A_20 = tpu.memref_slice %arg2[%add3A, %dma_start3A, %dma_start3A_19] : memref<32x80x128xi32, #tpu.memory_space<hbm>> -> memref<1x80x128xi32, #tpu.memory_space<hbm>>
      %dma_start3A_21 = tpu.memref_squeeze %dma_start3A_20 : memref<1x80x128xi32, #tpu.memory_space<hbm>> -> memref<80x128xi32, #tpu.memory_space<hbm>>
      %dma_start3A_22 = arith.constant 0 : i32
      %dma_start3A_23 = arith.constant 0 : i32
      %dma_start3A_24 = tpu.memref_slice %arg2[%add3A, %dma_start3A_22, %dma_start3A_23] : memref<32x80x128xi32, #tpu.memory_space<hbm>> -> memref<1x80x128xi32, #tpu.memory_space<hbm>>
      %dma_start3A_25 = tpu.memref_squeeze %dma_start3A_24 : memref<1x80x128xi32, #tpu.memory_space<hbm>> -> memref<80x128xi32, #tpu.memory_space<hbm>>
      tpu.enqueue_dma source(%dma_start3A_25 : memref<80x128xi32, #tpu.memory_space<hbm>>) target(%arg6 : memref<80x128xi32, #tpu.memory_space<vmem>>) target_semaphore(%run_scoped3A : memref<!tpu.dma_semaphore, #tpu.memory_space<semaphore_mem>>)
      %dma_wait3A = arith.constant 0 : i32
      %dma_wait3A_26 = arith.constant 0 : i32
      %dma_wait3A_27 = tpu.memref_slice %arg2[%add3A, %dma_wait3A, %dma_wait3A_26] : memref<32x80x128xi32, #tpu.memory_space<hbm>> -> memref<1x80x128xi32, #tpu.memory_space<hbm>>
      %dma_wait3A_28 = tpu.memref_squeeze %dma_wait3A_27 : memref<1x80x128xi32, #tpu.memory_space<hbm>> -> memref<80x128xi32, #tpu.memory_space<hbm>>
      %dma_wait3A_29 = arith.constant 0 : i32
      %dma_wait3A_30 = arith.constant 0 : i32
      %dma_wait3A_31 = tpu.memref_slice %arg2[%add3A, %dma_wait3A_29, %dma_wait3A_30] : memref<32x80x128xi32, #tpu.memory_space<hbm>> -> memref<1x80x128xi32, #tpu.memory_space<hbm>>
      %dma_wait3A_32 = tpu.memref_squeeze %dma_wait3A_31 : memref<1x80x128xi32, #tpu.memory_space<hbm>> -> memref<80x128xi32, #tpu.memory_space<hbm>>
      tpu.wait_dma2 semaphore(%run_scoped3A : memref<!tpu.dma_semaphore, #tpu.memory_space<semaphore_mem>>) src(%dma_wait3A_32 : memref<80x128xi32, #tpu.memory_space<hbm>>) dst(%arg6 : memref<80x128xi32, #tpu.memory_space<vmem>>)
      tpu.yield
    }) : () -> ()
    %barrier3A = arith.constant 0 : index
    tpu.barrier barrier_id(%barrier3A)
    %scan3A = arith.constant 0 : i32
    %scan3A_3 = arith.constant 0 : i32
    %scan3A_4 = arith.constant 80 : i32
    %scan3A_5 = arith.addi %scan3A_3, %scan3A_4 : i32
    %scan3A_6 = arith.constant 1 : i32
    scf.for %scan3A_19 = %scan3A_3 to %scan3A_5 step %scan3A_6  : i32 {
      %dma_start3A = arith.constant 0 : i32
      %dma_start3A_20 = tpu.memref_slice %arg6[%scan3A_19, %dma_start3A] : memref<80x128xi32, #tpu.memory_space<vmem>> -> memref<1x128xi32, #tpu.memory_space<vmem>>
      %dma_start3A_21 = tpu.memref_squeeze %dma_start3A_20 : memref<1x128xi32, #tpu.memory_space<vmem>> -> memref<128xi32, #tpu.memory_space<vmem>>
      %dma_start3A_22 = arith.constant 0 : i32
      %dma_start3A_23 = tpu.memref_slice %arg8[%dma_start3A_22] : memref<10240xf32, #tpu.memory_space<vmem_shared>> -> memref<10240xf32, #tpu.memory_space<vmem_shared>>
      tpu.enqueue_indirect_dma source(%arg7 : memref<128xf32, #tpu.memory_space<vmem>>) target(%dma_start3A_23 : memref<10240xf32, #tpu.memory_space<vmem_shared>>) offsets(%dma_start3A_21 : memref<128xi32, #tpu.memory_space<vmem>>) semaphore(%arg9 : memref<!tpu.dma_semaphore, #tpu.memory_space<semaphore_mem>>) {add = true}
    }
    %scan3A_7 = arith.constant 80 : i32
    %scan3A_8 = arith.constant 0 : i32
    %scan3A_9 = arith.constant 0 : i32
    %scan3A_10 = arith.constant 80 : i32
    %scan3A_11 = arith.addi %scan3A_9, %scan3A_10 : i32
    %scan3A_12 = arith.constant 1 : i32
    scf.for %scan3A_19 = %scan3A_9 to %scan3A_11 step %scan3A_12  : i32 {
      %dma_wait3A = arith.constant 0 : i32
      %dma_wait3A_20 = arith.constant 0 : i32
      %dma_wait3A_21 = tpu.memref_slice %arg6[%dma_wait3A, %dma_wait3A_20] : memref<80x128xi32, #tpu.memory_space<vmem>> -> memref<1x128xi32, #tpu.memory_space<vmem>>
      %dma_wait3A_22 = tpu.memref_squeeze %dma_wait3A_21 : memref<1x128xi32, #tpu.memory_space<vmem>> -> memref<128xi32, #tpu.memory_space<vmem>>
      %dma_wait3A_23 = arith.constant 0 : i32
      %dma_wait3A_24 = tpu.memref_slice %arg8[%dma_wait3A_23] : memref<10240xf32, #tpu.memory_space<vmem_shared>> -> memref<10240xf32, #tpu.memory_space<vmem_shared>>
      tpu.wait_indirect_dma semaphore(%arg9 : memref<!tpu.dma_semaphore, #tpu.memory_space<semaphore_mem>>) src(%arg7 : memref<128xf32, #tpu.memory_space<vmem>>) dst(%dma_wait3A_24 : memref<10240xf32, #tpu.memory_space<vmem_shared>>)
    }
    %scan3A_13 = arith.constant 80 : i32
    %barrier3A_14 = arith.constant 0 : index
    tpu.barrier barrier_id(%barrier3A_14)
    %mul3A_15 = arith.constant 640 : i32
    %mul3A_16 = arith.muli %arg1, %mul3A_15 : i32
    %mul3A_17 = arith.constant 640 : i32
    %mul3A_18 = arith.muli %arg1, %mul3A_17 : i32
    "tpu.region"() ({
      %run_scoped3A = tpu.sem_alloc : memref<!tpu.dma_semaphore, #tpu.memory_space<semaphore_mem>>
      %dma_start3A = tpu.memref_slice %arg5[%arg0, %mul3A_18] : memref<2x10240xf32, #tpu.memory_space<hbm>> -> memref<1x640xf32, #tpu.memory_space<hbm>>
      %dma_start3A_19 = tpu.memref_squeeze %dma_start3A : memref<1x640xf32, #tpu.memory_space<hbm>> -> memref<640xf32, #tpu.memory_space<hbm>>
      %dma_start3A_20 = tpu.memref_slice %arg8[%mul3A_16] : memref<10240xf32, #tpu.memory_space<vmem_shared>> -> memref<640xf32, #tpu.memory_space<vmem_shared>>
      tpu.enqueue_dma source(%dma_start3A_20 : memref<640xf32, #tpu.memory_space<vmem_shared>>) target(%dma_start3A_19 : memref<640xf32, #tpu.memory_space<hbm>>) target_semaphore(%run_scoped3A : memref<!tpu.dma_semaphore, #tpu.memory_space<semaphore_mem>>)
      %dma_wait3A = tpu.memref_slice %arg5[%arg0, %mul3A_18] : memref<2x10240xf32, #tpu.memory_space<hbm>> -> memref<1x640xf32, #tpu.memory_space<hbm>>
      %dma_wait3A_21 = tpu.memref_squeeze %dma_wait3A : memref<1x640xf32, #tpu.memory_space<hbm>> -> memref<640xf32, #tpu.memory_space<hbm>>
      %dma_wait3A_22 = tpu.memref_slice %arg8[%mul3A_16] : memref<10240xf32, #tpu.memory_space<vmem_shared>> -> memref<640xf32, #tpu.memory_space<vmem_shared>>
      tpu.wait_dma2 semaphore(%run_scoped3A : memref<!tpu.dma_semaphore, #tpu.memory_space<semaphore_mem>>) src(%dma_wait3A_22 : memref<640xf32, #tpu.memory_space<vmem_shared>>) dst(%dma_wait3A_21 : memref<640xf32, #tpu.memory_space<hbm>>)
      tpu.yield
    }) : () -> ()
    return
  }
}

module attributes {stable_mosaic.version = 14 : i64} {
  func.func @body(%arg0: i32, %arg1: memref<2048x1xf32, #tpu.memory_space<vmem>>, %arg2: memref<2048x1xf32, #tpu.memory_space<vmem>>, %arg3: memref<2048x128xf32, #tpu.memory_space<vmem>>, %arg4: memref<2048x1xf32, #tpu.memory_space<vmem>>, %arg5: memref<2048x128xf32, #tpu.memory_space<vmem>>) attributes {dimension_semantics = [#tpu.dimension_semantics<arbitrary>], iteration_bounds = array<i64: 5>, scalar_prefetch = 0 : i64, scratch_operands = 0 : i64, tpu.core_type = #tpu.core_type<tc>, window_params = [{transform_indices = @transform_0, window_bounds = array<i64: 2048, 1>}, {transform_indices = @transform_1, window_bounds = array<i64: 2048, 1>}, {transform_indices = @transform_2, window_bounds = array<i64: 2048, 128>}, {transform_indices = @transform_3, window_bounds = array<i64: 2048, 1>}, {transform_indices = @transform_4, window_bounds = array<i64: 2048, 128>}]} {
    %get3A = arith.constant 0 : index
    %get3A_0 = arith.constant 0 : index
    %get3A_1 = vector.load %arg1[%get3A, %get3A_0] : memref<2048x1xf32, #tpu.memory_space<vmem>>, vector<2048x1xf32>
    %get3A_2 = arith.constant 0 : index
    %get3A_3 = arith.constant 0 : index
    %get3A_4 = vector.load %arg2[%get3A_2, %get3A_3] : memref<2048x1xf32, #tpu.memory_space<vmem>>, vector<2048x1xf32>
    %add3A = arith.addf %get3A_1, %get3A_4 : vector<2048x1xf32>
    %max3A = arith.constant 1.000000e+00 : f32
    %max3A_5 = vector.broadcast %max3A : f32 to vector<2048x1xf32>
    %max3A_6 = arith.maximumf %add3A, %max3A_5 : vector<2048x1xf32>
    %rsqrt3A = math.rsqrt %max3A_6 : vector<2048x1xf32>
    %swap3A = arith.constant 0 : index
    %swap3A_7 = arith.constant 0 : index
    %swap3A_8 = vector.load %arg4[%swap3A, %swap3A_7] : memref<2048x1xf32, #tpu.memory_space<vmem>>, vector<2048x1xf32>
    tpu.vector_store %arg4[%swap3A, %swap3A_7], %rsqrt3A {strides = array<i32>} : memref<2048x1xf32, #tpu.memory_space<vmem>>, vector<2048x1xf32>,
    %get3A_9 = arith.constant 0 : index
    %get3A_10 = arith.constant 0 : index
    %get3A_11 = vector.load %arg3[%get3A_9, %get3A_10] : memref<2048x128xf32, #tpu.memory_space<vmem>>, vector<2048x128xf32>
    %mul3A = vector.broadcast %rsqrt3A : vector<2048x1xf32> to vector<2048x128xf32>
    %mul3A_12 = arith.mulf %get3A_11, %mul3A : vector<2048x128xf32>
    %swap3A_13 = arith.constant 0 : index
    %swap3A_14 = arith.constant 0 : index
    %swap3A_15 = vector.load %arg5[%swap3A_13, %swap3A_14] : memref<2048x128xf32, #tpu.memory_space<vmem>>, vector<2048x128xf32>
    tpu.vector_store %arg5[%swap3A_13, %swap3A_14], %mul3A_12 {strides = array<i32>} : memref<2048x128xf32, #tpu.memory_space<vmem>>, vector<2048x128xf32>,
    return
  }
  func.func @transform_0(%arg0: i32) -> (i32, i32) {
    %c0_i32 = arith.constant 0 : i32
    %c0_i32_0 = arith.constant 0 : i32
    return %arg0, %c0_i32 : i32, i32
  }
  func.func @transform_1(%arg0: i32) -> (i32, i32) {
    %c0_i32 = arith.constant 0 : i32
    %c0_i32_0 = arith.constant 0 : i32
    return %arg0, %c0_i32 : i32, i32
  }
  func.func @transform_2(%arg0: i32) -> (i32, i32) {
    %c0_i32 = arith.constant 0 : i32
    %c0_i32_0 = arith.constant 0 : i32
    return %arg0, %c0_i32 : i32, i32
  }
  func.func @transform_3(%arg0: i32) -> (i32, i32) {
    %c0_i32 = arith.constant 0 : i32
    %c0_i32_0 = arith.constant 0 : i32
    return %arg0, %c0_i32 : i32, i32
  }
  func.func @transform_4(%arg0: i32) -> (i32, i32) {
    %c0_i32 = arith.constant 0 : i32
    %c0_i32_0 = arith.constant 0 : i32
    return %arg0, %c0_i32 : i32, i32
  }
}

module attributes {stable_mosaic.version = 14 : i64} {
  func.func @body(%arg0: i32, %arg1: memref<2x2048x128xf32, #tpu.memory_space<vmem>>, %arg2: memref<2048x1xf32, #tpu.memory_space<vmem>>, %arg3: memref<2048x128xf32, #tpu.memory_space<vmem>>, %arg4: memref<2048x128xf32, #tpu.memory_space<vmem>>) attributes {dimension_semantics = [#tpu.dimension_semantics<arbitrary>], iteration_bounds = array<i64: 5>, scalar_prefetch = 0 : i64, scratch_operands = 0 : i64, tpu.core_type = #tpu.core_type<tc>, window_params = [{transform_indices = @transform_0, window_bounds = array<i64: 2, 2048, 128>}, {transform_indices = @transform_1, window_bounds = array<i64: 2048, 1>}, {transform_indices = @transform_2, window_bounds = array<i64: 2048, 128>}, {transform_indices = @transform_3, window_bounds = array<i64: 2048, 128>}]} {
    %get3A = arith.constant 0 : index
    %get3A_0 = arith.constant 0 : index
    %get3A_1 = arith.constant 0 : index
    %get3A_2 = vector.load %arg1[%get3A, %get3A_0, %get3A_1] : memref<2x2048x128xf32, #tpu.memory_space<vmem>>, vector<1x2048x128xf32>
    %get3A_3 = vector.shape_cast %get3A_2 : vector<1x2048x128xf32> to vector<2048x128xf32>
    %get3A_4 = arith.constant 1 : index
    %get3A_5 = arith.constant 0 : index
    %get3A_6 = arith.constant 0 : index
    %get3A_7 = vector.load %arg1[%get3A_4, %get3A_5, %get3A_6] : memref<2x2048x128xf32, #tpu.memory_space<vmem>>, vector<1x2048x128xf32>
    %get3A_8 = vector.shape_cast %get3A_7 : vector<1x2048x128xf32> to vector<2048x128xf32>
    %add3A = arith.addf %get3A_3, %get3A_8 : vector<2048x128xf32>
    %get3A_9 = arith.constant 0 : index
    %get3A_10 = arith.constant 0 : index
    %get3A_11 = vector.load %arg2[%get3A_9, %get3A_10] : memref<2048x1xf32, #tpu.memory_space<vmem>>, vector<2048x1xf32>
    %mul3A = vector.broadcast %get3A_11 : vector<2048x1xf32> to vector<2048x128xf32>
    %mul3A_12 = arith.mulf %add3A, %mul3A : vector<2048x128xf32>
    %swap3A = arith.constant 0 : index
    %swap3A_13 = arith.constant 0 : index
    %swap3A_14 = vector.load %arg3[%swap3A, %swap3A_13] : memref<2048x128xf32, #tpu.memory_space<vmem>>, vector<2048x128xf32>
    tpu.vector_store %arg3[%swap3A, %swap3A_13], %mul3A_12 {strides = array<i32>} : memref<2048x128xf32, #tpu.memory_space<vmem>>, vector<2048x128xf32>,
    %get3A_15 = arith.constant 0 : index
    %get3A_16 = arith.constant 0 : index
    %get3A_17 = vector.load %arg2[%get3A_15, %get3A_16] : memref<2048x1xf32, #tpu.memory_space<vmem>>, vector<2048x1xf32>
    %mul3A_18 = vector.broadcast %get3A_17 : vector<2048x1xf32> to vector<2048x128xf32>
    %mul3A_19 = arith.mulf %mul3A_12, %mul3A_18 : vector<2048x128xf32>
    %swap3A_20 = arith.constant 0 : index
    %swap3A_21 = arith.constant 0 : index
    %swap3A_22 = vector.load %arg4[%swap3A_20, %swap3A_21] : memref<2048x128xf32, #tpu.memory_space<vmem>>, vector<2048x128xf32>
    tpu.vector_store %arg4[%swap3A_20, %swap3A_21], %mul3A_19 {strides = array<i32>} : memref<2048x128xf32, #tpu.memory_space<vmem>>, vector<2048x128xf32>,
    return
  }
  func.func @transform_0(%arg0: i32) -> (i32, i32, i32) {
    %c0_i32 = arith.constant 0 : i32
    %c0_i32_0 = arith.constant 0 : i32
    %c0_i32_1 = arith.constant 0 : i32
    return %c0_i32, %arg0, %c0_i32_0 : i32, i32, i32
  }
  func.func @transform_1(%arg0: i32) -> (i32, i32) {
    %c0_i32 = arith.constant 0 : i32
    %c0_i32_0 = arith.constant 0 : i32
    return %arg0, %c0_i32 : i32, i32
  }
  func.func @transform_2(%arg0: i32) -> (i32, i32) {
    %c0_i32 = arith.constant 0 : i32
    %c0_i32_0 = arith.constant 0 : i32
    return %arg0, %c0_i32 : i32, i32
  }
  func.func @transform_3(%arg0: i32) -> (i32, i32) {
    %c0_i32 = arith.constant 0 : i32
    %c0_i32_0 = arith.constant 0 : i32
    return %arg0, %c0_i32 : i32, i32
  }
}

module attributes {stable_mosaic.version = 14 : i64} {
  func.func @body(%arg0: i32, %arg1: memref<2048x128xf32, #tpu.memory_space<vmem>>, %arg2: memref<2048x128xf32, #tpu.memory_space<vmem>>, %arg3: memref<256x128xf32, #tpu.memory_space<vmem>>, %arg4: memref<1x128xf32, #tpu.memory_space<vmem>>, %arg5: memref<2048x128xf32, #tpu.memory_space<vmem>>) attributes {dimension_semantics = [#tpu.dimension_semantics<arbitrary>], iteration_bounds = array<i64: 5>, scalar_prefetch = 0 : i64, scratch_operands = 0 : i64, tpu.core_type = #tpu.core_type<tc>, window_params = [{transform_indices = @transform_0, window_bounds = array<i64: 2048, 128>}, {transform_indices = @transform_1, window_bounds = array<i64: 2048, 128>}, {pipeline_mode = #tpu.pipeline_mode<synchronous>, transform_indices = @transform_2, window_bounds = array<i64: 256, 128>}, {pipeline_mode = #tpu.pipeline_mode<synchronous>, transform_indices = @transform_3, window_bounds = array<i64: 1, 128>}, {transform_indices = @transform_4, window_bounds = array<i64: 2048, 128>}]} {
    %get3A = arith.constant 0 : index
    %get3A_0 = arith.constant 0 : index
    %get3A_1 = vector.load %arg3[%get3A, %get3A_0] : memref<256x128xf32, #tpu.memory_space<vmem>>, vector<256x128xf32>
    %get3A_2 = arith.constant 0 : index
    %get3A_3 = arith.constant 0 : index
    %get3A_4 = vector.load %arg1[%get3A_2, %get3A_3] : memref<2048x128xf32, #tpu.memory_space<vmem>>, vector<2048x128xf32>
    %slice3A = vector.extract_strided_slice %get3A_1 {offsets = [0, 0], sizes = [128, 128], strides = [1, 1]} : vector<256x128xf32> to vector<128x128xf32>
    %dot_general3A = arith.constant dense<0.000000e+00> : vector<2048x128xf32>
    %dot_general3A_5 = tpu.matmul %get3A_4, %slice3A, %dot_general3A {dimension_numbers = #tpu.dot_dimension_numbers<[1], [0], [0], [1], [0, 0, 1, 1], [], []>, transpose_lhs_hint = false} : vector<2048x128xf32>, vector<128x128xf32>, vector<2048x128xf32> -> vector<2048x128xf32>
    %get3A_6 = arith.constant 0 : index
    %get3A_7 = arith.constant 0 : index
    %get3A_8 = vector.load %arg2[%get3A_6, %get3A_7] : memref<2048x128xf32, #tpu.memory_space<vmem>>, vector<2048x128xf32>
    %slice3A_9 = vector.extract_strided_slice %get3A_1 {offsets = [128, 0], sizes = [128, 128], strides = [1, 1]} : vector<256x128xf32> to vector<128x128xf32>
    %dot_general3A_10 = arith.constant dense<0.000000e+00> : vector<2048x128xf32>
    %dot_general3A_11 = tpu.matmul %get3A_8, %slice3A_9, %dot_general3A_10 {dimension_numbers = #tpu.dot_dimension_numbers<[1], [0], [0], [1], [0, 0, 1, 1], [], []>, transpose_lhs_hint = false} : vector<2048x128xf32>, vector<128x128xf32>, vector<2048x128xf32> -> vector<2048x128xf32>
    %add3A = arith.addf %dot_general3A_5, %dot_general3A_11 : vector<2048x128xf32>
    %get3A_12 = arith.constant 0 : index
    %get3A_13 = arith.constant 0 : index
    %get3A_14 = vector.load %arg4[%get3A_12, %get3A_13] : memref<1x128xf32, #tpu.memory_space<vmem>>, vector<1x128xf32>
    %add3A_15 = vector.broadcast %get3A_14 : vector<1x128xf32> to vector<2048x128xf32>
    %add3A_16 = arith.addf %add3A, %add3A_15 : vector<2048x128xf32>
    %swap3A = arith.constant 0 : index
    %swap3A_17 = arith.constant 0 : index
    %swap3A_18 = vector.load %arg5[%swap3A, %swap3A_17] : memref<2048x128xf32, #tpu.memory_space<vmem>>, vector<2048x128xf32>
    tpu.vector_store %arg5[%swap3A, %swap3A_17], %add3A_16 {strides = array<i32>} : memref<2048x128xf32, #tpu.memory_space<vmem>>, vector<2048x128xf32>,
    return
  }
  func.func @transform_0(%arg0: i32) -> (i32, i32) {
    %c0_i32 = arith.constant 0 : i32
    %c0_i32_0 = arith.constant 0 : i32
    return %arg0, %c0_i32 : i32, i32
  }
  func.func @transform_1(%arg0: i32) -> (i32, i32) {
    %c0_i32 = arith.constant 0 : i32
    %c0_i32_0 = arith.constant 0 : i32
    return %arg0, %c0_i32 : i32, i32
  }
  func.func @transform_2(%arg0: i32) -> (i32, i32) {
    %c0_i32 = arith.constant 0 : i32
    %c0_i32_0 = arith.constant 0 : i32
    %c0_i32_1 = arith.constant 0 : i32
    return %c0_i32, %c0_i32_0 : i32, i32
  }
  func.func @transform_3(%arg0: i32) -> (i32, i32) {
    %c0_i32 = arith.constant 0 : i32
    %c0_i32_0 = arith.constant 0 : i32
    %c0_i32_1 = arith.constant 0 : i32
    return %c0_i32, %c0_i32_0 : i32, i32
  }
  func.func @transform_4(%arg0: i32) -> (i32, i32) {
    %c0_i32 = arith.constant 0 : i32
    %c0_i32_0 = arith.constant 0 : i32
    return %arg0, %c0_i32 : i32, i32
  }
}

module attributes {stable_mosaic.version = 14 : i64} {
  func.func @body(%arg0: i32, %arg1: memref<2x2048x128xf32, #tpu.memory_space<vmem>>, %arg2: memref<2048x1xf32, #tpu.memory_space<vmem>>, %arg3: memref<2048x128xf32, #tpu.memory_space<vmem>>, %arg4: memref<128x128xf32, #tpu.memory_space<vmem>>, %arg5: memref<2048x128xf32, #tpu.memory_space<vmem>>) attributes {dimension_semantics = [#tpu.dimension_semantics<arbitrary>], iteration_bounds = array<i64: 5>, scalar_prefetch = 0 : i64, scratch_operands = 0 : i64, tpu.core_type = #tpu.core_type<tc>, window_params = [{transform_indices = @transform_0, window_bounds = array<i64: 2, 2048, 128>}, {transform_indices = @transform_1, window_bounds = array<i64: 2048, 1>}, {transform_indices = @transform_2, window_bounds = array<i64: 2048, 128>}, {pipeline_mode = #tpu.pipeline_mode<synchronous>, transform_indices = @transform_3, window_bounds = array<i64: 128, 128>}, {transform_indices = @transform_4, window_bounds = array<i64: 2048, 128>}]} {
    %get3A = arith.constant 0 : index
    %get3A_0 = arith.constant 0 : index
    %get3A_1 = arith.constant 0 : index
    %get3A_2 = vector.load %arg1[%get3A, %get3A_0, %get3A_1] : memref<2x2048x128xf32, #tpu.memory_space<vmem>>, vector<1x2048x128xf32>
    %get3A_3 = vector.shape_cast %get3A_2 : vector<1x2048x128xf32> to vector<2048x128xf32>
    %get3A_4 = arith.constant 1 : index
    %get3A_5 = arith.constant 0 : index
    %get3A_6 = arith.constant 0 : index
    %get3A_7 = vector.load %arg1[%get3A_4, %get3A_5, %get3A_6] : memref<2x2048x128xf32, #tpu.memory_space<vmem>>, vector<1x2048x128xf32>
    %get3A_8 = vector.shape_cast %get3A_7 : vector<1x2048x128xf32> to vector<2048x128xf32>
    %add3A = arith.addf %get3A_3, %get3A_8 : vector<2048x128xf32>
    %get3A_9 = arith.constant 0 : index
    %get3A_10 = arith.constant 0 : index
    %get3A_11 = vector.load %arg2[%get3A_9, %get3A_10] : memref<2048x1xf32, #tpu.memory_space<vmem>>, vector<2048x1xf32>
    %mul3A = vector.broadcast %get3A_11 : vector<2048x1xf32> to vector<2048x128xf32>
    %mul3A_12 = arith.mulf %add3A, %mul3A : vector<2048x128xf32>
    %get3A_13 = arith.constant 0 : index
    %get3A_14 = arith.constant 0 : index
    %get3A_15 = vector.load %arg3[%get3A_13, %get3A_14] : memref<2048x128xf32, #tpu.memory_space<vmem>>, vector<2048x128xf32>
    %get3A_16 = arith.constant 0 : index
    %get3A_17 = arith.constant 0 : index
    %get3A_18 = vector.load %arg4[%get3A_16, %get3A_17] : memref<128x128xf32, #tpu.memory_space<vmem>>, vector<128x128xf32>
    %dot_general3A = arith.constant dense<0.000000e+00> : vector<2048x128xf32>
    %dot_general3A_19 = tpu.matmul %mul3A_12, %get3A_18, %dot_general3A {dimension_numbers = #tpu.dot_dimension_numbers<[1], [0], [0], [1], [0, 0, 1, 1], [], []>, transpose_lhs_hint = false} : vector<2048x128xf32>, vector<128x128xf32>, vector<2048x128xf32> -> vector<2048x128xf32>
    %add3A_20 = arith.addf %get3A_15, %dot_general3A_19 : vector<2048x128xf32>
    %swap3A = arith.constant 0 : index
    %swap3A_21 = arith.constant 0 : index
    %swap3A_22 = vector.load %arg5[%swap3A, %swap3A_21] : memref<2048x128xf32, #tpu.memory_space<vmem>>, vector<2048x128xf32>
    tpu.vector_store %arg5[%swap3A, %swap3A_21], %add3A_20 {strides = array<i32>} : memref<2048x128xf32, #tpu.memory_space<vmem>>, vector<2048x128xf32>,
    return
  }
  func.func @transform_0(%arg0: i32) -> (i32, i32, i32) {
    %c0_i32 = arith.constant 0 : i32
    %c0_i32_0 = arith.constant 0 : i32
    %c0_i32_1 = arith.constant 0 : i32
    return %c0_i32, %arg0, %c0_i32_0 : i32, i32, i32
  }
  func.func @transform_1(%arg0: i32) -> (i32, i32) {
    %c0_i32 = arith.constant 0 : i32
    %c0_i32_0 = arith.constant 0 : i32
    return %arg0, %c0_i32 : i32, i32
  }
  func.func @transform_2(%arg0: i32) -> (i32, i32) {
    %c0_i32 = arith.constant 0 : i32
    %c0_i32_0 = arith.constant 0 : i32
    return %arg0, %c0_i32 : i32, i32
  }
  func.func @transform_3(%arg0: i32) -> (i32, i32) {
    %c0_i32 = arith.constant 0 : i32
    %c0_i32_0 = arith.constant 0 : i32
    %c0_i32_1 = arith.constant 0 : i32
    return %c0_i32, %c0_i32_0 : i32, i32
  }
  func.func @transform_4(%arg0: i32) -> (i32, i32) {
    %c0_i32 = arith.constant 0 : i32
    %c0_i32_0 = arith.constant 0 : i32
    return %arg0, %c0_i32 : i32, i32
  }
}

</mosaic_0001>

<sc_bundles>
// kernel: kernel.12.cloned.1.call-start
scs
__scs_entry_jumppad:
0x0: {  	(pc) =	sbr.rel $0x88, $3  }
0x1: {  	(tag) =	ssettag $0x0;
	lr =	simm.s32 $0x1  }
0x2: {  	[smem:$0x3F9D] =	sst lr;
	_ =	strace $0xD0000000  }
0x3: {  	_ = 	snop  }
0x4: {  	_ = 	snop  }
0x5: {  	_ = 	snop  }
0x6: {  	_ = 	snop  }
0x7: {  	_ = 	snop  }
__scs_overlays_trampoline_lowered:
0x8: {  	[smem:$0x3FAC] =	sst s0  }
0x9: {  	[smem:$0x3FAD] =	sst s1  }
0xa: {  	[smem:$0x3FAE] =	sst s2  }
0xb: {  	[smem:$0x3FAF] =	sst s3  }
0xc: {  	[smem:$0x3FB0] =	sst s4  }
0xd: {  	[smem:$0x3FB1] =	sst s5  }
0xe: {  	[smem:$0x3FB2] =	sst s6  }
0xf: {  	[smem:$0x3FB3] =	sst s7  }
0x10: {  	[smem:$0x3FB4] =	sst s8  }
0x11: {  	[smem:$0x3FB5] =	sst s9;
	s0 =	simm.s32 @!p0 $0x0  }
0x12: {  	s1 =	sld [smem:$0x3F9B];
	s0 =	simm.s32 @p0 $0x1  }
0x13: {  	[smem:$0x3FB6] =	sst s0;
	s0 =	simm.s32 @!p1 $0x0  }
0x14: {  	s2 =	sld [smem:$0x3F9A];
	s0 =	simm.s32 @p1 $0x1  }
0x15: {  	[smem:$0x3FB7] =	sst s0;
	s0 =	simm.s32 @!p2 $0x0  }
0x16: {  	s3 =	sld [smem:$0x3FDB];
	s0 =	simm.s32 @p2 $0x1  }
0x17: {  	s4 =	simm.s32 $0x1BF5;
	[smem:$0x3FB9] =	sst s0  }
0x18: {  	s0 =	sld [smem:$0x3F9C];
	_ =	swait.ge [sflag:s4], $0x0  }
0x19: {  	s7 =	sld [smem:$0x3F9D]  }
0x1a: {  	s8 =	sadd.s32 $0xFFFFE003, lr  }
0x1b: {  	s9 =	sadd.s32 $0xFFFFFEF7, lr;
	s5 =	simm.s32 $0xFFFFFFFF;
	p2 =	slt.u32 s8, $0xFFFFF086  }
0x1c: {  	p1 =	slt.u32 s9, $0xF7A;
	s5 =	simm.s32 @!p2 $0x0  }
0x1d: {  	s5 =	simm.s32 @p1 $0x1;
	p0 =	seq.s32 s7, s2  }
0x1e: {  	s7 =	smul.u32 @!p0 $0xF7A, s2;
	p2 =	seq.s32 @!p0 s5, $0x0  }
0x1f: {  	s9 =	smul.u32 $0xF7A, s1;
	s8 =	simm.s32 @!p0 $0x1BF5;
	p2 =	por !p2, p0  }
0x20: {  	[sflag:s8] =	ssyncset.s32 @!p0 $0xFFFFF086;
	s6 =	sadd.s32 @!p0 s3, s7;
	s7 =	simm.s32 @!p0 $0x108  }
0x21: {  	s3 =	sadd.s32 s3, s9;
	s6 =	sadd.s32 @!p0 $0x88, s6;
	s7 =	simm.s32 @p2 $0x1082  }
0x22: {  	[simem:s7], [sflag:s8] =	dma.local @!p0 [hbm:s6], $0xF7A  }
0x23: {  	s9 =	sor.u32 $0xD0000000, s2;
	s6 =	simm.s32 $0x108;
	_ =	swait.ge @!p0 [sflag:s8], $0x0  }
0x24: {  	s3 =	sadd.s32 $0x88, s3;
	s6 =	simm.s32 @!p1 $0x1082;
	[sflag:s4] =	ssyncset.s32 $0xFFFFF086  }
0x25: {  	[simem:s6], [sflag:s4] =	dma.local [hbm:s3], $0xF7A  }
0x26: {  	[smem:$0x3F9D] =	sst s1;
	(tag) =	ssettag s2;
	_ =	strace s9  }
0x27: {  	s1 =	sld [smem:$0x3FAD]  }
0x28: {  	s2 =	sld [smem:$0x3FAE]  }
0x29: {  	s4 =	sld [smem:$0x3FB0]  }
0x2a: {  	p0 =	seq.s32 s5, $0x0;
	s5 =	sld [smem:$0x3FB1]  }
0x2b: {  	s6 =	sld [smem:$0x3FB2]  }
0x2c: {  	s7 =	sld [smem:$0x3FB3]  }
0x2d: {  	s3 =	simm.s32 $0x108;
	s8 =	sld [smem:$0x3FB4]  }
0x2e: {  	s3 =	simm.s32 @!p0 $0x1082;
	s9 =	sld [smem:$0x3FB5]  }
0x2f: {  	lr =	sadd.s32 s0, s3;
	s0 =	sld [smem:$0x3FAC]  }
0x30: {  	s3 =	sld [smem:$0x3FAF]  }
0x31: {  	[smem:$0x3FB8] =	sst s10  }
0x32: {  	s10 =	sld [smem:$0x3FB6];
	_ =	sdelay $0x3  }
0x33: {  	p0 =	seq.s32 s10, $0x1;
	s10 =	sld [smem:$0x3FB8];
	_ =	sdelay $0x3  }
0x34: {  	[smem:$0x3FB8] =	sst s10  }
0x35: {  	s10 =	sld [smem:$0x3FB7];
	_ =	sdelay $0x3  }
0x36: {  	p1 =	seq.s32 s10, $0x1;
	s10 =	sld [smem:$0x3FB8];
	_ =	sdelay $0x3  }
0x37: {  	[smem:$0x3FB8] =	sst s10  }
0x38: {  	s10 =	sld [smem:$0x3FB9]  }
0x39: {  	_ = 	snop;
	(pc) =	sbr.ind lr, $3  }
0x3a: {  	_ = 	snop  }
0x3b: {  	_ = 	snop  }
0x3c: {  	p2 =	seq.s32 s10, $0x1;
	s10 =	sld [smem:$0x3FB8]  }
0x3d: {  	_ =	shalt  }
0x3e: {  	_ =	shalt  }
0x3f: {  	_ =	shalt  }
0x40: {  	_ =	shalt  }
0x41: {  	_ =	shalt  }
0x42: {  	_ =	shalt  }
0x43: {  	_ =	shalt  }
0x44: {  	_ =	shalt  }
0x45: {  	_ =	shalt  }
0x46: {  	_ =	shalt  }
0x47: {  	_ =	shalt  }
0x48: {  	_ =	shalt  }
0x49: {  	_ =	shalt  }
0x4a: {  	_ =	shalt  }
0x4b: {  	_ =	shalt  }
0x4c: {  	_ =	shalt  }
0x4d: {  	_ =	shalt  }
0x4e: {  	_ =	shalt  }
0x4f: {  	_ =	shalt  }
0x50: {  	_ =	shalt  }
0x51: {  	_ =	shalt  }
0x52: {  	_ =	shalt  }
0x53: {  	_ =	shalt  }
0x54: {  	_ =	shalt  }
0x55: {  	_ =	shalt  }
0x56: {  	_ =	shalt  }
0x57: {  	_ =	shalt  }
0x58: {  	_ =	shalt  }
0x59: {  	_ =	shalt  }
0x5a: {  	_ =	shalt  }
0x5b: {  	_ =	shalt  }
0x5c: {  	_ =	shalt  }
0x5d: {  	_ =	shalt  }
0x5e: {  	_ =	shalt  }
0x5f: {  	_ =	shalt  }
0x60: {  	_ =	shalt  }
0x61: {  	_ =	shalt  }
0x62: {  	_ =	shalt  }
0x63: {  	_ =	shalt  }
0x64: {  	_ =	shalt  }
0x65: {  	_ =	shalt  }
0x66: {  	_ =	shalt  }
0x67: {  	_ =	shalt  }
0x68: {  	_ =	shalt  }
0x69: {  	_ =	shalt  }
0x6a: {  	_ =	shalt  }
0x6b: {  	_ =	shalt  }
0x6c: {  	_ =	shalt  }
0x6d: {  	_ =	shalt  }
0x6e: {  	_ =	shalt  }
0x6f: {  	_ =	shalt  }
0x70: {  	_ =	shalt  }
0x71: {  	_ =	shalt  }
0x72: {  	_ =	shalt  }
0x73: {  	_ =	shalt  }
0x74: {  	_ =	shalt  }
0x75: {  	_ =	shalt  }
0x76: {  	_ =	shalt  }
0x77: {  	_ =	shalt  }
0x78: {  	_ =	shalt  }
0x79: {  	_ =	shalt  }
0x7a: {  	_ =	shalt  }
0x7b: {  	_ =	shalt  }
0x7c: {  	_ =	shalt  }
0x7d: {  	_ =	shalt  }
0x7e: {  	_ =	shalt  }
0x7f: {  	_ =	shalt  }
0x80: {  	_ =	shalt  }
0x81: {  	_ =	shalt  }
0x82: {  	_ =	shalt  }
0x83: {  	_ =	shalt  }
0x84: {  	_ =	shalt  }
0x85: {  	_ =	shalt  }
0x86: {  	_ =	shalt  }
0x87: {  	_ =	shalt  }
.Lfunc_end0:
.L_simem_size_0:
called_computation.1_lowered:
.L_overlay_start_0:
0x88: {  	s2 =	sld [smem:$0x3FD9]  }
0x89: {  	s3 =	sld [smem:$0x3FFE];
	_ =	sdelay $0x1  }
0x8a: {  	s1 =	srdreg.scid  }
0x8b: {  	s0 =	sand.u32 $0x1, s1  }
0x8c: {  	s17 =	sshll.u32 s0, $0xA;
	s2 =	sadd.s32 s3, s2  }
0x8d: {  	s2 =	sadd.s32 s2, s17  }
0x8e: {  	[smem:$0x3FC4] =	sst s2  }
0x8f: {  	_ = 	snop  }
0x90: {  	s2 =	sld [smem:$0x3FD0];
	(tm) =	ssettm $0x1  }
0x91: {  	s18 =	sld [smem:$0x3FFB];
	_ =	sdelay $0x3  }
0x92: {  	_ =	strace s18  }
0x93: {  	s3 =	sld [smem:$0x3FFC];
	_ =	sdelay $0x3  }
0x94: {  	_ =	strace s3  }
0x95: {  	s3 =	sld [smem:$0x3FFD];
	_ =	sdelay $0x3  }
0x96: {  	_ =	strace s3  }
0x97: {  	_ =	strace $0x8FFFFFFF  }
0x98: {  	s19 =	sld [smem:$0x3FDB];
	_ =	sdelay $0x1  }
0x99: {  	s4 =	simm.s32 $_scs_section_size  }
0x9a: {  	s5 =	simm.s32 $_size__tile_overlayer_lowered;
	s6 =	simm.s32 $_tile_overlayer_lowered  }
0x9b: {  	s22 =	simm.s32 $0x1BFF;
	s21 =	sshll.u32 s6, $0x1;
	s3 =	sadd.s32 s4, s19  }
0x9c: {  	s7 =	simm.s32 $0x0;
	s20 =	sshll.u32 s5, $0x1;
	s5 =	sadd.s32 s21, s3  }
0x9d: {  	[timem:s7], [sflag:s22] =	dma.local [hbm:s5], s20  }
0x9e: {  	_ =	swait.ge [sflag:s22], s20  }
0x9f: {  	s4 =	ssub.s32 $0x0, s20;
	[sflag:s22] =	ssyncset.done $0x0  }
0xa0: {  	[sflag:s22] =	ssyncadd.s32 s4;
	_ =	sdelay $0x1  }
0xa1: {  	s23 =	simm.s32 $0x1B8B  }
0xa2: {  	_ =	swait.ge [sflag:s23], $0x1  }
0xa3: {  	[sflag:s23] =	ssyncset.done $0x0  }
0xa4: {  	s25 =	simm.s32 $0x1B8E;
	s24 =	sld [smem:$0x3FFE];
	[sflag:s23] =	ssyncadd.s32 $0xFFFFFFFF  }
0xa5: {  	s26 =	simm.s32 $execute0_lowered;
	[smem:$0x3FD2] =	sst s25  }
0xa6: {  	s5 =	sshll.u32 s26, $0x1;
	_ =	strace $0x80000049;
	[dreg:$0x1] =	wrdreg $0xFFFFFFFF  }
0xa7: {  	s28 =	simm.s32 $_size_execute0_lowered;
	s3 =	sadd.s32 s3, s5;
	[dreg:$0x0] =	wrdreg $0x0  }
0xa8: {  	s5 =	sshll.u32 s28, $0x1;
	[dreg:$0x2] =	wrdreg s3  }
0xa9: {  	[dreg:$0x3] =	wrdreg s5  }
0xaa: {  	[dreg:$0x4] =	wrdreg $0xC0  }
0xab: {  	_ =	task [dreg:s7], $0x5FFFF  }
0xac: {  	[dreg:$0x1] =	wrdreg $0xFFFFFFFF  }
0xad: {  	[dreg:$0x0] =	wrdreg $0x60  }
0xae: {  	[dreg:$0x2] =	wrdreg s24  }
0xaf: {  	[dreg:$0x3] =	wrdreg s2  }
0xb0: {  	[dreg:$0x4] =	wrdreg $0xA8000  }
0xb1: {  	[dreg:$0x5] =	wrdreg $0x9  }
0xb2: {  	_ =	task.clear_ibuf [dreg:s7], $0x6FFFF;
	_ =	strace $0x90000049  }
0xb3: {  	s29 =	simm.s32 $0x9;
	_ =	strace $0x8000004B  }
0xb4: {  	_ =	swait.ge [sflag:s29], $0x1  }
0xb5: {  	[sflag:s29] =	ssyncadd.s32 $0xFFFFFFFF  }
0xb6: {  	_ =	strace $0x9000004B  }
0xb7: {  	_ =	sfence  }
0xb8: {  	s30 =	sld [smem:$0x0];
	_ =	sdelay $0x2  }
0xb9: {  	s31 =	sshll.u32 s1, $0xD;
	s1 =	sshrl.u32 s1, $0x2  }
0xba: {  	s3 =	sand.u32 $0x4000, s31;
	s1 =	sadd.s32 s1, s30  }
0xbb: {  	s0 =	sor.u32 s3, s0;
	s1 =	sshll.u32 s1, $0x11  }
0xbc: {  	s0 =	sor.u32 s1, s0  }
0xbd: {  	s0 =	sadd.s32 $0x8F2B, s0  }
0xbe: {  	[sflag:s0] =	ssyncadd.remote.s32 $0x1  }
0xbf: {  	_ =	sfence.sel $0xFFFF  }
0xc0: {  	[dreg:$0x0] =	wrdreg $0xFFFFFFFF;
	(pc) =	sbr.abs _section_cstart, $3  }
0xc1: {  	[dreg:$0x1] =	wrdreg $0xFFFFFFFF  }
0xc2: {  	_ =	task.clear_ibuf [dreg:s7], $0x2FFFF;
	_ =	strace $0x9FFFFFFF  }
0xc3: {  	(tm) =	ssettm $0x7FFFFFFF  }
tec
execute0_lowered:
.L_overlay_start_1:
0x0: {  	(tag) =	ssettag $0x1  }
0x1: {  	s0 =	rddreg [dreg:$0x0]  }
0x2: {  	s2 =	rddreg [dreg:$0x1]  }
0x3: {  	s1 =	rddreg [dreg:$0x2]  }
0x4: {  	s3 =	srdreg.scid;
	s18 =	stileid.u32  }
0x5: {  	s6 =	sand.u32 $0x1, s3;
	s3 =	simm.s32 $0x0;
	s7 =	smul.u32 $0x14000, s18  }
0x6: {  	s4 =	sadd.s32 $0x35A00, s0;
	s14 =	smul.u32 $0x50000, s18;
	s9 =	sadd.s32 $0x2C00, s0  }
0x7: {  	s5 =	smul.u32 $0x140000, s6;
	[smem:$0x7FF] =	sst s3;
	s8 =	sshll.u32 s6, $0x4  }
0x8: {  	s6 =	ssub.s32 $0x2, s6;
	_ =	strace $0x8000004A;
	s13 =	sor.u32 s18, s8  }
0x9: {  	s15 =	sshrl.u32 s6, $0x1;
	s5 =	sadd.s32 s7, s5;
	s7 =	smul.u32 $0x2800, s13  }
0xa: {  	s8 =	sshrl.u32 s14, $0x2;
	s10 =	sshrl.u32 s5, $0x3;
	s5 =	sadd.s32 $0xCC00, s0  }
0xb: {  	s0 =	sadd.s32 s10, s0;
	s7 =	sshrl.u32 s7, $0x3;
	s10 =	ssub.s32 s6, s15  }
0xc: {  	s6 =	sadd.s32 s8, s1;
	s16 =	sadd.s32 $0x280, s7;
	s11 =	sadd.s32 s2, s7  }
0xd: {  	s7 =	sadd.s32 s9, s7;
	s0 =	sadd.s32 $0x5DA00, s0;
	s19 =	smax.u32 s10, $0x1  }
0xe: {  	s20 =	sadd.s32 $0x1000, s6;
	s21 =	sadd.s32 $0x2000, s6;
	[dreg:$0x4] =	wrdreg s11  }
0xf: {  	s22 =	sadd.s32 $0x3000, s6;
	s23 =	sadd.s32 $0x4000, s6;
	[dreg:$0x5] =	wrdreg s7  }
0x10: {  	s24 =	sadd.s32 $0x5000, s6;
	s25 =	sadd.s32 $0x6000, s6;
	[dreg:$0x8] =	wrdreg s0  }
0x11: {  	s26 =	sadd.s32 $0x7000, s6;
	s2 =	sadd.s32 s2, s16;
	[dreg:$0x9] =	wrdreg s19  }
0x12: {  	s12 =	sadd.s32 $0x8000, s6;
	s17 =	sadd.s32 s9, s16;
	[dreg:$0x6] =	wrdreg s2  }
0x13: {  	s13 =	sadd.s32 $0x9000, s6;
	s0 =	sshrl.u32 s20, $0x3;
	[dreg:$0x7] =	wrdreg s17  }
0x14: {  	s14 =	sadd.s32 $0xA000, s6;
	s7 =	sshrl.u32 s22, $0x3;
	[dreg:$0xa] =	wrdreg s0  }
0x15: {  	s15 =	sadd.s32 $0xB000, s6;
	s8 =	sshrl.u32 s23, $0x3;
	[dreg:$0xc] =	wrdreg s7  }
0x16: {  	s16 =	sadd.s32 $0xC000, s6;
	s9 =	sshrl.u32 s24, $0x3;
	[dreg:$0xd] =	wrdreg s8  }
0x17: {  	s10 =	sshrl.u32 s25, $0x3;
	s11 =	sshrl.u32 s26, $0x3;
	[dreg:$0xe] =	wrdreg s9  }
0x18: {  	s12 =	sshrl.u32 s12, $0x3;
	s13 =	sshrl.u32 s13, $0x3;
	[dreg:$0xf] =	wrdreg s10  }
0x19: {  	s14 =	sshrl.u32 s14, $0x3;
	s23 =	sshrl.u32 s15, $0x3;
	[dreg:$0x10] =	wrdreg s11  }
0x1a: {  	s19 =	sadd.s32 $0x10000, s6;
	s20 =	sadd.s32 $0x11000, s6;
	[dreg:$0x11] =	wrdreg s12  }
0x1b: {  	s22 =	sadd.s32 $0x13000, s6;
	s15 =	simm.s32 $0x2;
	[dreg:$0x12] =	wrdreg s13  }
0x1c: {  	s17 =	sadd.s32 $0xD000, s6;
	s2 =	sshrl.u32 s21, $0x3;
	[dreg:$0x13] =	wrdreg s14  }
0x1d: {  	s24 =	sshrl.u32 s16, $0x3;
	s16 =	sadd.s32 $0xE000, s6;
	s29 =	sshrl.u32 s19, $0x3  }
0x1e: {  	s30 =	sshrl.u32 s20, $0x3;
	s21 =	sadd.s32 $0x12000, s6;
	s0 =	sshrl.u32 s22, $0x3  }
0x1f: {  	s8 =	simm.s32 $0x4;
	s9 =	simm.s32 $0x1400;
	s10 =	simm.s32 $0x80  }
0x20: {  	s11 =	simm.s32 $0x2800;
	s12 =	simm.s32 $0x6800;
	s13 =	simm.s32 $0x3  }
0x21: {  	s14 =	simm.s32 $0x1;
	[dreg:$0xb] =	wrdreg s2;
	s25 =	sshrl.u32 s17, $0x3  }
0x22: {  	s26 =	sshrl.u32 s16, $0x3;
	s17 =	sadd.s32 $0xF000, s6;
	s31 =	sshrl.u32 s21, $0x3  }
0x23: {  	s2 =	sshll.u32 s18, $0x6;
	s16 =	simm.s32 $0x2700;
	s18 =	simm.s32 $0x0  }
0x24: {  	s28 =	sshrl.u32 s17, $0x3;
	s7 =	sor.u32 $0x1C03, s2;
	s17 =	simm.s32 $0x2780  }
.LBB2_1:
0x25: {  	s19 =	sshrl.u32 s6, $0x3  }
0x26: {  	[spmem:s19], [sflag:s7] =	dma.local [hbm:s5], $0x200  }
0x27: {  	s20 =	rddreg [dreg:$0xa]  }
0x28: {  	[spmem:s20], [sflag:s7] =	dma.local [hbm:s5], $0x200  }
0x29: {  	s20 =	rddreg [dreg:$0xb]  }
0x2a: {  	[spmem:s20], [sflag:s7] =	dma.local [hbm:s5], $0x200  }
0x2b: {  	s20 =	rddreg [dreg:$0xc]  }
0x2c: {  	[spmem:s20], [sflag:s7] =	dma.local [hbm:s5], $0x200  }
0x2d: {  	s20 =	rddreg [dreg:$0xd]  }
0x2e: {  	[spmem:s20], [sflag:s7] =	dma.local [hbm:s5], $0x200  }
0x2f: {  	s20 =	rddreg [dreg:$0xe]  }
0x30: {  	[spmem:s20], [sflag:s7] =	dma.local [hbm:s5], $0x200  }
0x31: {  	s20 =	rddreg [dreg:$0xf]  }
0x32: {  	[spmem:s20], [sflag:s7] =	dma.local [hbm:s5], $0x200  }
0x33: {  	s20 =	rddreg [dreg:$0x10]  }
0x34: {  	[spmem:s20], [sflag:s7] =	dma.local [hbm:s5], $0x200  }
0x35: {  	s20 =	rddreg [dreg:$0x11]  }
0x36: {  	[spmem:s20], [sflag:s7] =	dma.local [hbm:s5], $0x200  }
0x37: {  	s20 =	rddreg [dreg:$0x12]  }
0x38: {  	[spmem:s20], [sflag:s7] =	dma.local [hbm:s5], $0x200  }
0x39: {  	s20 =	rddreg [dreg:$0x13]  }
0x3a: {  	[spmem:s20], [sflag:s7] =	dma.local [hbm:s5], $0x200  }
0x3b: {  	[spmem:s23], [sflag:s7] =	dma.local [hbm:s5], $0x200  }
0x3c: {  	[spmem:s24], [sflag:s7] =	dma.local [hbm:s5], $0x200  }
0x3d: {  	[spmem:s25], [sflag:s7] =	dma.local [hbm:s5], $0x200  }
0x3e: {  	[spmem:s26], [sflag:s7] =	dma.local [hbm:s5], $0x200  }
0x3f: {  	[spmem:s28], [sflag:s7] =	dma.local [hbm:s5], $0x200  }
0x40: {  	[spmem:s29], [sflag:s7] =	dma.local [hbm:s5], $0x200  }
0x41: {  	[spmem:s30], [sflag:s7] =	dma.local [hbm:s5], $0x200  }
0x42: {  	[spmem:s31], [sflag:s7] =	dma.local [hbm:s5], $0x200  }
0x43: {  	[spmem:s0], [sflag:s7] =	dma.local [hbm:s5], $0x200  }
0x44: {  	s22 =	rddreg [dreg:$0x4]  }
0x45: {  	[tilespmem:s3], [sflag:$0x4] =	stream.linear.gather [hbm4b:s22+s3], $0x1400, $0x38;
	[tilespmem:$0x1E800] =	vst v63  }
0x46: {  	_ =	swait.ge [sflag:s8], $0x1400  }
0x47: {  	[sflag:s8] =	ssyncset.done $0x0  }
0x48: {  	s21 =	rddreg [dreg:$0x5];
	[sflag:s8] =	ssyncadd.s32 $0xFFFFEC00  }
0x49: {  	[tilespmem:s9], [sflag:$0x4] =	stream.linear.gather [hbm4b:s21+s3], $0x1400, $0x38;
	[tilespmem:$0x1E800] =	vst v63  }
0x4a: {  	_ =	swait.ge [sflag:s8], $0x1400  }
0x4b: {  	[sflag:s8] =	ssyncset.done $0x0  }
0x4c: {  	[sflag:s8] =	ssyncadd.s32 $0xFFFFEC00  }
0x4d: {  	[tilespmem:s11], [sflag:$0x1] =	stream.indirect.gather [hbm4b:s4+s10], $0x80, s3, s10, $0xb8;
	[tilespmem:$0x1E800] =	vst v63  }
0x4e: {  	_ = 	snop  }
0x4f: {  	[tilespmem:s12], [sflag:$0x2] =	stream.indirect.gather [hbm4b:s4+s10], $0x80, s10, s10, $0xb8;
	[tilespmem:$0x1E800] =	vst v63  }
0x50: {  	_ =	swait.ge [sflag:s13], $0x200  }
0x51: {  	[sflag:s13] =	ssyncset.done $0x0  }
0x52: {  	[sflag:s13] =	ssyncadd.s32 $0xFFFFFE00  }
0x53: {  	_ =	swait.ge [sflag:s13], $0x200  }
0x54: {  	[sflag:s13] =	ssyncset.done $0x0  }
0x55: {  	[sflag:s13] =	ssyncadd.s32 $0xFFFFFE00  }
0x56: {  	_ =	swait.ge [sflag:s13], $0x200  }
0x57: {  	[sflag:s13] =	ssyncset.done $0x0  }
0x58: {  	[sflag:s13] =	ssyncadd.s32 $0xFFFFFE00  }
0x59: {  	_ =	swait.ge [sflag:s13], $0x200  }
0x5a: {  	[sflag:s13] =	ssyncset.done $0x0  }
0x5b: {  	[sflag:s13] =	ssyncadd.s32 $0xFFFFFE00  }
0x5c: {  	_ =	swait.ge [sflag:s13], $0x200  }
0x5d: {  	[sflag:s13] =	ssyncset.done $0x0  }
0x5e: {  	[sflag:s13] =	ssyncadd.s32 $0xFFFFFE00  }
0x5f: {  	_ =	swait.ge [sflag:s13], $0x200  }
0x60: {  	[sflag:s13] =	ssyncset.done $0x0  }
0x61: {  	[sflag:s13] =	ssyncadd.s32 $0xFFFFFE00  }
0x62: {  	_ =	swait.ge [sflag:s13], $0x200  }
0x63: {  	[sflag:s13] =	ssyncset.done $0x0  }
0x64: {  	[sflag:s13] =	ssyncadd.s32 $0xFFFFFE00  }
0x65: {  	_ =	swait.ge [sflag:s13], $0x200  }
0x66: {  	[sflag:s13] =	ssyncset.done $0x0  }
0x67: {  	[sflag:s13] =	ssyncadd.s32 $0xFFFFFE00  }
0x68: {  	_ =	swait.ge [sflag:s13], $0x200  }
0x69: {  	[sflag:s13] =	ssyncset.done $0x0  }
0x6a: {  	[sflag:s13] =	ssyncadd.s32 $0xFFFFFE00  }
0x6b: {  	_ =	swait.ge [sflag:s13], $0x200  }
0x6c: {  	[sflag:s13] =	ssyncset.done $0x0  }
0x6d: {  	[sflag:s13] =	ssyncadd.s32 $0xFFFFFE00  }
0x6e: {  	_ =	swait.ge [sflag:s13], $0x200  }
0x6f: {  	[sflag:s13] =	ssyncset.done $0x0  }
0x70: {  	[sflag:s13] =	ssyncadd.s32 $0xFFFFFE00  }
0x71: {  	_ =	swait.ge [sflag:s13], $0x200  }
0x72: {  	[sflag:s13] =	ssyncset.done $0x0  }
0x73: {  	[sflag:s13] =	ssyncadd.s32 $0xFFFFFE00  }
0x74: {  	_ =	swait.ge [sflag:s13], $0x200  }
0x75: {  	[sflag:s13] =	ssyncset.done $0x0  }
0x76: {  	[sflag:s13] =	ssyncadd.s32 $0xFFFFFE00  }
0x77: {  	_ =	swait.ge [sflag:s13], $0x200  }
0x78: {  	[sflag:s13] =	ssyncset.done $0x0  }
0x79: {  	[sflag:s13] =	ssyncadd.s32 $0xFFFFFE00  }
0x7a: {  	_ =	swait.ge [sflag:s13], $0x200  }
0x7b: {  	[sflag:s13] =	ssyncset.done $0x0  }
0x7c: {  	[sflag:s13] =	ssyncadd.s32 $0xFFFFFE00  }
0x7d: {  	_ =	swait.ge [sflag:s13], $0x200  }
0x7e: {  	[sflag:s13] =	ssyncset.done $0x0  }
0x7f: {  	[sflag:s13] =	ssyncadd.s32 $0xFFFFFE00  }
0x80: {  	_ =	swait.ge [sflag:s13], $0x200  }
0x81: {  	[sflag:s13] =	ssyncset.done $0x0  }
0x82: {  	[sflag:s13] =	ssyncadd.s32 $0xFFFFFE00  }
0x83: {  	_ =	swait.ge [sflag:s13], $0x200  }
0x84: {  	[sflag:s13] =	ssyncset.done $0x0  }
0x85: {  	[sflag:s13] =	ssyncadd.s32 $0xFFFFFE00  }
0x86: {  	_ =	swait.ge [sflag:s13], $0x200  }
0x87: {  	[sflag:s13] =	ssyncset.done $0x0  }
0x88: {  	[sflag:s13] =	ssyncadd.s32 $0xFFFFFE00  }
0x89: {  	_ =	swait.ge [sflag:s13], $0x200  }
0x8a: {  	[sflag:s13] =	ssyncset.done $0x0  }
0x8b: {  	[sflag:s13] =	ssyncadd.s32 $0xFFFFFE00  }
0x8c: {  	[bflag:$0x0] =	sbarrier.arrive $0xFFFF  }
0x8d: {  	_ =	swait.ge [sflag:s14], $0x4000  }
0x8e: {  	[sflag:s14] =	ssyncset.done $0x0  }
0x8f: {  	s22 =	simm.s32 $0x1400;
	[sflag:s14] =	ssyncadd.s32 $0xFFFFC000  }
0x90: {  	[spmem:s1] =	stream.indirect.scatter.add.f32 [tilespmem:s11], [sflag:$0x4], $0x80, s22, s10, $0xb8;
	[tilespmem:$0x1E800] =	vst v63  }
0x91: {  	_ =	swait.ge [sflag:s8], $0x4000  }
0x92: {  	[sflag:s8] =	ssyncset.done $0x0  }
0x93: {  	s21 =	simm.s32 $0x100;
	[sflag:s8] =	ssyncadd.s32 $0xFFFFC000  }
0x94: {  	[tilespmem:s11], [sflag:$0x1] =	stream.indirect.gather [hbm4b:s4+s10], $0x80, s21, s10, $0xb8;
	[tilespmem:$0x1E800] =	vst v63  }
0x95: {  	_ =	swait.ge [sflag:s15], $0x4000  }
0x96: {  	[sflag:s15] =	ssyncset.done $0x0  }
0x97: {  	s22 =	simm.s32 $0x1480;
	[sflag:s15] =	ssyncadd.s32 $0xFFFFC000  }
0x98: {  	[spmem:s1] =	stream.indirect.scatter.add.f32 [tilespmem:s12], [sflag:$0x4], $0x80, s22, s10, $0xb8;
	[tilespmem:$0x1E800] =	vst v63  }
0x99: {  	_ =	swait.ge [sflag:s8], $0x4000  }
0x9a: {  	[sflag:s8] =	ssyncset.done $0x0  }
0x9b: {  	s20 =	simm.s32 $0x400;
	s21 =	simm.s32 $0x180;
	[sflag:s8] =	ssyncadd.s32 $0xFFFFC000  }
.LBB2_2:
0x9c: {  	[tilespmem:s12], [sflag:$0x2] =	stream.indirect.gather [hbm4b:s4+s10], $0x80, s21, s10, $0xb8;
	[tilespmem:$0x1E800] =	vst v63  }
0x9d: {  	s21 =	smov.u32 s20  }
0x9e: {  	p0 =	sne.s32 s20, $0x4800;
	s20 =	sadd.s32 $0x400, s20;
	_ =	swait.ge [sflag:s14], $0x4000  }
0x9f: {  	s21 =	sshra.s32 s21, $0x2;
	[sflag:s14] =	ssyncset.done $0x0  }
0xa0: {  	s22 =	sadd.s32 $0x1400, s21;
	[sflag:s14] =	ssyncadd.s32 $0xFFFFC000  }
0xa1: {  	[spmem:s1] =	stream.indirect.scatter.add.f32 [tilespmem:s11], [sflag:$0x4], $0x80, s22, s10, $0xb8;
	[tilespmem:$0x1E800] =	vst v63  }
0xa2: {  	_ =	swait.ge [sflag:s8], $0x4000  }
0xa3: {  	[sflag:s8] =	ssyncset.done $0x0  }
0xa4: {  	s22 =	sadd.s32 $0x100, s21;
	[sflag:s8] =	ssyncadd.s32 $0xFFFFC000  }
0xa5: {  	[tilespmem:s11], [sflag:$0x1] =	stream.indirect.gather [hbm4b:s4+s10], $0x80, s22, s10, $0xb8;
	[tilespmem:$0x1E800] =	vst v63  }
0xa6: {  	_ =	swait.ge [sflag:s15], $0x4000  }
0xa7: {  	[sflag:s15] =	ssyncset.done $0x0  }
.Ltmp0:
0xa8: {  	s22 =	sadd.s32 $0x1480, s21;
	[sflag:s15] =	ssyncadd.s32 $0xFFFFC000;
	(pc) =	sbr.rel @p0 .LBB2_2-.Ltmp0, $4  }
0xa9: {  	[spmem:s1] =	stream.indirect.scatter.add.f32 [tilespmem:s12], [sflag:$0x4], $0x80, s22, s10, $0xb8;
	[tilespmem:$0x1E800] =	vst v63  }
0xaa: {  	_ =	swait.ge [sflag:s8], $0x4000  }
0xab: {  	[sflag:s8] =	ssyncset.done $0x0  }
0xac: {  	s21 =	sadd.s32 $0x180, s21;
	[sflag:s8] =	ssyncadd.s32 $0xFFFFC000  }
0xad: {  	[tilespmem:s12], [sflag:$0x2] =	stream.indirect.gather [hbm4b:s4+s10], $0x80, s21, s10, $0xb8;
	[tilespmem:$0x1E800] =	vst v63  }
0xae: {  	_ =	swait.ge [sflag:s14], $0x4000  }
0xaf: {  	[sflag:s14] =	ssyncset.done $0x0  }
0xb0: {  	[sflag:s14] =	ssyncadd.s32 $0xFFFFC000  }
0xb1: {  	[spmem:s1] =	stream.indirect.scatter.add.f32 [tilespmem:s11], [sflag:$0x4], $0x80, s16, s10, $0xb8;
	[tilespmem:$0x1E800] =	vst v63  }
0xb2: {  	_ =	swait.ge [sflag:s8], $0x4000  }
0xb3: {  	[sflag:s8] =	ssyncset.done $0x0  }
0xb4: {  	[sflag:s8] =	ssyncadd.s32 $0xFFFFC000  }
0xb5: {  	_ =	swait.ge [sflag:s15], $0x4000  }
0xb6: {  	[sflag:s15] =	ssyncset.done $0x0  }
0xb7: {  	[sflag:s15] =	ssyncadd.s32 $0xFFFFC000  }
0xb8: {  	[spmem:s1] =	stream.indirect.scatter.add.f32 [tilespmem:s12], [sflag:$0x4], $0x80, s17, s10, $0xb8;
	[tilespmem:$0x1E800] =	vst v63  }
0xb9: {  	_ =	swait.ge [sflag:s8], $0x4000  }
0xba: {  	[sflag:s8] =	ssyncset.done $0x0  }
0xbb: {  	s20 =	simm.s32 $0x0;
	s22 =	rddreg [dreg:$0x6];
	[sflag:s8] =	ssyncadd.s32 $0xFFFFC000  }
0xbc: {  	[tilespmem:s20], [sflag:$0x4] =	stream.linear.gather [hbm4b:s22+s20], $0x1400, $0x38;
	[tilespmem:$0x1E800] =	vst v63  }
0xbd: {  	_ =	swait.ge [sflag:s8], $0x1400  }
0xbe: {  	[sflag:s8] =	ssyncset.done $0x0  }
0xbf: {  	s22 =	rddreg [dreg:$0x7];
	[sflag:s8] =	ssyncadd.s32 $0xFFFFEC00  }
0xc0: {  	[tilespmem:s9], [sflag:$0x4] =	stream.linear.gather [hbm4b:s22+s20], $0x1400, $0x38;
	[tilespmem:$0x1E800] =	vst v63  }
0xc1: {  	_ =	swait.ge [sflag:s8], $0x1400  }
0xc2: {  	[sflag:s8] =	ssyncset.done $0x0  }
0xc3: {  	[sflag:s8] =	ssyncadd.s32 $0xFFFFEC00  }
0xc4: {  	[tilespmem:s11], [sflag:$0x1] =	stream.indirect.gather [hbm4b:s4+s10], $0x80, s20, s10, $0xb8;
	[tilespmem:$0x1E800] =	vst v63  }
0xc5: {  	_ = 	snop  }
0xc6: {  	[tilespmem:s12], [sflag:$0x2] =	stream.indirect.gather [hbm4b:s4+s10], $0x80, s10, s10, $0xb8;
	[tilespmem:$0x1E800] =	vst v63  }
0xc7: {  	_ =	swait.ge [sflag:s14], $0x4000  }
0xc8: {  	[sflag:s14] =	ssyncset.done $0x0  }
0xc9: {  	s22 =	simm.s32 $0x1400;
	[sflag:s14] =	ssyncadd.s32 $0xFFFFC000  }
0xca: {  	[spmem:s1] =	stream.indirect.scatter.add.f32 [tilespmem:s11], [sflag:$0x4], $0x80, s22, s10, $0xb8;
	[tilespmem:$0x1E800] =	vst v63  }
0xcb: {  	_ =	swait.ge [sflag:s8], $0x4000  }
0xcc: {  	[sflag:s8] =	ssyncset.done $0x0  }
0xcd: {  	s21 =	simm.s32 $0x100;
	[sflag:s8] =	ssyncadd.s32 $0xFFFFC000  }
0xce: {  	[tilespmem:s11], [sflag:$0x1] =	stream.indirect.gather [hbm4b:s4+s10], $0x80, s21, s10, $0xb8;
	[tilespmem:$0x1E800] =	vst v63  }
0xcf: {  	_ =	swait.ge [sflag:s15], $0x4000  }
0xd0: {  	[sflag:s15] =	ssyncset.done $0x0  }
0xd1: {  	s22 =	simm.s32 $0x1480;
	[sflag:s15] =	ssyncadd.s32 $0xFFFFC000  }
0xd2: {  	[spmem:s1] =	stream.indirect.scatter.add.f32 [tilespmem:s12], [sflag:$0x4], $0x80, s22, s10, $0xb8;
	[tilespmem:$0x1E800] =	vst v63  }
0xd3: {  	_ =	swait.ge [sflag:s8], $0x4000  }
0xd4: {  	[sflag:s8] =	ssyncset.done $0x0  }
0xd5: {  	s20 =	simm.s32 $0x400;
	s21 =	simm.s32 $0x180;
	[sflag:s8] =	ssyncadd.s32 $0xFFFFC000  }
.LBB2_4:
0xd6: {  	[tilespmem:s12], [sflag:$0x2] =	stream.indirect.gather [hbm4b:s4+s10], $0x80, s21, s10, $0xb8;
	[tilespmem:$0x1E800] =	vst v63  }
0xd7: {  	s21 =	smov.u32 s20  }
0xd8: {  	p0 =	sne.s32 s20, $0x4800;
	s20 =	sadd.s32 $0x400, s20;
	_ =	swait.ge [sflag:s14], $0x4000  }
0xd9: {  	s21 =	sshra.s32 s21, $0x2;
	[sflag:s14] =	ssyncset.done $0x0  }
0xda: {  	s22 =	sadd.s32 $0x1400, s21;
	[sflag:s14] =	ssyncadd.s32 $0xFFFFC000  }
0xdb: {  	[spmem:s1] =	stream.indirect.scatter.add.f32 [tilespmem:s11], [sflag:$0x4], $0x80, s22, s10, $0xb8;
	[tilespmem:$0x1E800] =	vst v63  }
0xdc: {  	_ =	swait.ge [sflag:s8], $0x4000  }
0xdd: {  	[sflag:s8] =	ssyncset.done $0x0  }
0xde: {  	s22 =	sadd.s32 $0x100, s21;
	[sflag:s8] =	ssyncadd.s32 $0xFFFFC000  }
0xdf: {  	[tilespmem:s11], [sflag:$0x1] =	stream.indirect.gather [hbm4b:s4+s10], $0x80, s22, s10, $0xb8;
	[tilespmem:$0x1E800] =	vst v63  }
0xe0: {  	_ =	swait.ge [sflag:s15], $0x4000  }
0xe1: {  	[sflag:s15] =	ssyncset.done $0x0  }
.Ltmp1:
0xe2: {  	s22 =	sadd.s32 $0x1480, s21;
	[sflag:s15] =	ssyncadd.s32 $0xFFFFC000;
	(pc) =	sbr.rel @p0 .LBB2_4-.Ltmp1, $4  }
0xe3: {  	[spmem:s1] =	stream.indirect.scatter.add.f32 [tilespmem:s12], [sflag:$0x4], $0x80, s22, s10, $0xb8;
	[tilespmem:$0x1E800] =	vst v63  }
0xe4: {  	_ =	swait.ge [sflag:s8], $0x4000  }
0xe5: {  	[sflag:s8] =	ssyncset.done $0x0  }
0xe6: {  	s21 =	sadd.s32 $0x180, s21;
	[sflag:s8] =	ssyncadd.s32 $0xFFFFC000  }
0xe7: {  	[tilespmem:s12], [sflag:$0x2] =	stream.indirect.gather [hbm4b:s4+s10], $0x80, s21, s10, $0xb8;
	[tilespmem:$0x1E800] =	vst v63  }
0xe8: {  	_ =	swait.ge [sflag:s14], $0x4000  }
0xe9: {  	[sflag:s14] =	ssyncset.done $0x0  }
0xea: {  	[sflag:s14] =	ssyncadd.s32 $0xFFFFC000  }
0xeb: {  	[spmem:s1] =	stream.indirect.scatter.add.f32 [tilespmem:s11], [sflag:$0x4], $0x80, s16, s10, $0xb8;
	[tilespmem:$0x1E800] =	vst v63  }
0xec: {  	_ =	swait.ge [sflag:s8], $0x4000  }
0xed: {  	[sflag:s8] =	ssyncset.done $0x0  }
0xee: {  	[sflag:s8] =	ssyncadd.s32 $0xFFFFC000  }
0xef: {  	_ =	swait.ge [sflag:s15], $0x4000  }
0xf0: {  	[sflag:s15] =	ssyncset.done $0x0  }
0xf1: {  	[sflag:s15] =	ssyncadd.s32 $0xFFFFC000  }
0xf2: {  	[spmem:s1] =	stream.indirect.scatter.add.f32 [tilespmem:s12], [sflag:$0x4], $0x80, s17, s10, $0xb8;
	[tilespmem:$0x1E800] =	vst v63  }
0xf3: {  	_ =	swait.ge [sflag:s8], $0x4000  }
0xf4: {  	[sflag:s8] =	ssyncset.done $0x0  }
0xf5: {  	[sflag:s8] =	ssyncadd.s32 $0xFFFFC000  }
0xf6: {  	[bflag:$0x0] =	sbarrier.arrive $0xFFFF  }
0xf7: {  	s20 =	sor.u32 $0x1C04, s2;
	s22 =	rddreg [dreg:$0x8]  }
0xf8: {  	[hbm:s22], [sflag:s20] =	dma.local [spmem:s19], $0x2800  }
0xf9: {  	_ =	swait.ge [sflag:s8], $0x2800  }
0xfa: {  	s18 =	sadd.s32 $0x1, s18;
	s22 =	rddreg [dreg:$0x9]  }
0xfb: {  	p0 =	sne.s32 s18, s22  }
.Ltmp2:
0xfc: {  	_ = 	snop;
	(pc) =	sbr.rel @p0 .LBB2_1-.Ltmp2, $3  }
0xfd: {  	_ =	sdelay $0x1  }
0xfe: {  	[sflag:s8] =	ssyncset.done $0x0  }
0xff: {  	[sflag:s8] =	ssyncadd.s32 $0xFFFFD800  }
0x100: {  	_ =	sfence.sel $0x180000  }
0x101: {  	[bflag:$0x0] =	sbarrier.arrive $0xFFFF  }
0x102: {  	_ =	strace $0x9000004A  }
0x103: {  	s0 =	stileid.u32;
	[bflag:$0x2] =	sbarrier.arrive $0xFFFF  }
0x104: {  	p0 =	sne.s32 s0, $0x0;
	s0 =	rddreg [dreg:$0x3]  }
0x105: {  	s0 =	sadd.s32 @!p0 $0x100000, s0  }
0x106: {  	[sflag:s0] =	ssyncadd.tile.s32 @!p0 $0x1;
	_ =	shalt  }
.Lfunc_end2:
_tile_overlayer_lowered:
.L_overlay_start_2:
0x107: {  	(tag) =	ssettag $0x2  }
0x108: {  	s0 =	rddreg [dreg:$0x0];
	s2 =	stileid.u32  }
0x109: {  	s1 =	rddreg [dreg:$0x1];
	p0 =	sne.s32 s2, $0x0  }
0x10a: {  	s3 =	rddreg [dreg:$0x2];
	[bflag:$0x3] =	sbarrier.arrive $0xFFFF;
	s2 =	simm.s32 @!p0 $0x1C04  }
0x10b: {  	[timem:s3], [sflag:s2] =	dma.local @!p0 [hbm:s0], s1  }
0x10c: {  	s0 =	simm.s32 @!p0 $0x4  }
0x10d: {  	_ =	swait.ge @!p0 [sflag:s0], s1  }
0x10e: {  	s1 =	ssub.s32 @!p0 $0x0, s1;
	[sflag:s0] =	ssyncset.done @!p0 $0x0  }
0x10f: {  	[sflag:s0] =	ssyncadd.s32 @!p0 s1  }
0x110: {  	[bflag:$0x3] =	sbarrier.arrive $0xFFFF  }
0x111: {  	_ =	shalt  }

// kernel: kernel.15.cloned.1.call-start
scs
__scs_entry_jumppad:
0x0: {  	(pc) =	sbr.rel $0x88, $3  }
0x1: {  	(tag) =	ssettag $0x0;
	lr =	simm.s32 $0x1  }
0x2: {  	[smem:$0x3F9D] =	sst lr;
	_ =	strace $0xD0000000  }
0x3: {  	_ = 	snop  }
0x4: {  	_ = 	snop  }
0x5: {  	_ = 	snop  }
0x6: {  	_ = 	snop  }
0x7: {  	_ = 	snop  }
__scs_overlays_trampoline_lowered:
0x8: {  	[smem:$0x3FAC] =	sst s0  }
0x9: {  	[smem:$0x3FAD] =	sst s1  }
0xa: {  	[smem:$0x3FAE] =	sst s2  }
0xb: {  	[smem:$0x3FAF] =	sst s3  }
0xc: {  	[smem:$0x3FB0] =	sst s4  }
0xd: {  	[smem:$0x3FB1] =	sst s5  }
0xe: {  	[smem:$0x3FB2] =	sst s6  }
0xf: {  	[smem:$0x3FB3] =	sst s7  }
0x10: {  	[smem:$0x3FB4] =	sst s8  }
0x11: {  	[smem:$0x3FB5] =	sst s9;
	s0 =	simm.s32 @!p0 $0x0  }
0x12: {  	s1 =	sld [smem:$0x3F9B];
	s0 =	simm.s32 @p0 $0x1  }
0x13: {  	[smem:$0x3FB6] =	sst s0;
	s0 =	simm.s32 @!p1 $0x0  }
0x14: {  	s2 =	sld [smem:$0x3F9A];
	s0 =	simm.s32 @p1 $0x1  }
0x15: {  	[smem:$0x3FB7] =	sst s0;
	s0 =	simm.s32 @!p2 $0x0  }
0x16: {  	s3 =	sld [smem:$0x3FDB];
	s0 =	simm.s32 @p2 $0x1  }
0x17: {  	s4 =	simm.s32 $0x1BF5;
	[smem:$0x3FB9] =	sst s0  }
0x18: {  	s0 =	sld [smem:$0x3F9C];
	_ =	swait.ge [sflag:s4], $0x0  }
0x19: {  	s7 =	sld [smem:$0x3F9D]  }
0x1a: {  	s8 =	sadd.s32 $0xFFFFE003, lr  }
0x1b: {  	s9 =	sadd.s32 $0xFFFFFEF7, lr;
	s5 =	simm.s32 $0xFFFFFFFF;
	p2 =	slt.u32 s8, $0xFFFFF086  }
0x1c: {  	p1 =	slt.u32 s9, $0xF7A;
	s5 =	simm.s32 @!p2 $0x0  }
0x1d: {  	s5 =	simm.s32 @p1 $0x1;
	p0 =	seq.s32 s7, s2  }
0x1e: {  	s7 =	smul.u32 @!p0 $0xF7A, s2;
	p2 =	seq.s32 @!p0 s5, $0x0  }
0x1f: {  	s9 =	smul.u32 $0xF7A, s1;
	s8 =	simm.s32 @!p0 $0x1BF5;
	p2 =	por !p2, p0  }
0x20: {  	[sflag:s8] =	ssyncset.s32 @!p0 $0xFFFFF086;
	s6 =	sadd.s32 @!p0 s3, s7;
	s7 =	simm.s32 @!p0 $0x108  }
0x21: {  	s3 =	sadd.s32 s3, s9;
	s6 =	sadd.s32 @!p0 $0x88, s6;
	s7 =	simm.s32 @p2 $0x1082  }
0x22: {  	[simem:s7], [sflag:s8] =	dma.local @!p0 [hbm:s6], $0xF7A  }
0x23: {  	s9 =	sor.u32 $0xD0000000, s2;
	s6 =	simm.s32 $0x108;
	_ =	swait.ge @!p0 [sflag:s8], $0x0  }
0x24: {  	s3 =	sadd.s32 $0x88, s3;
	s6 =	simm.s32 @!p1 $0x1082;
	[sflag:s4] =	ssyncset.s32 $0xFFFFF086  }
0x25: {  	[simem:s6], [sflag:s4] =	dma.local [hbm:s3], $0xF7A  }
0x26: {  	[smem:$0x3F9D] =	sst s1;
	(tag) =	ssettag s2;
	_ =	strace s9  }
0x27: {  	s1 =	sld [smem:$0x3FAD]  }
0x28: {  	s2 =	sld [smem:$0x3FAE]  }
0x29: {  	s4 =	sld [smem:$0x3FB0]  }
0x2a: {  	p0 =	seq.s32 s5, $0x0;
	s5 =	sld [smem:$0x3FB1]  }
0x2b: {  	s6 =	sld [smem:$0x3FB2]  }
0x2c: {  	s7 =	sld [smem:$0x3FB3]  }
0x2d: {  	s3 =	simm.s32 $0x108;
	s8 =	sld [smem:$0x3FB4]  }
0x2e: {  	s3 =	simm.s32 @!p0 $0x1082;
	s9 =	sld [smem:$0x3FB5]  }
0x2f: {  	lr =	sadd.s32 s0, s3;
	s0 =	sld [smem:$0x3FAC]  }
0x30: {  	s3 =	sld [smem:$0x3FAF]  }
0x31: {  	[smem:$0x3FB8] =	sst s10  }
0x32: {  	s10 =	sld [smem:$0x3FB6];
	_ =	sdelay $0x3  }
0x33: {  	p0 =	seq.s32 s10, $0x1;
	s10 =	sld [smem:$0x3FB8];
	_ =	sdelay $0x3  }
0x34: {  	[smem:$0x3FB8] =	sst s10  }
0x35: {  	s10 =	sld [smem:$0x3FB7];
	_ =	sdelay $0x3  }
0x36: {  	p1 =	seq.s32 s10, $0x1;
	s10 =	sld [smem:$0x3FB8];
	_ =	sdelay $0x3  }
0x37: {  	[smem:$0x3FB8] =	sst s10  }
0x38: {  	s10 =	sld [smem:$0x3FB9]  }
0x39: {  	_ = 	snop;
	(pc) =	sbr.ind lr, $3  }
0x3a: {  	_ = 	snop  }
0x3b: {  	_ = 	snop  }
0x3c: {  	p2 =	seq.s32 s10, $0x1;
	s10 =	sld [smem:$0x3FB8]  }
0x3d: {  	_ =	shalt  }
0x3e: {  	_ =	shalt  }
0x3f: {  	_ =	shalt  }
0x40: {  	_ =	shalt  }
0x41: {  	_ =	shalt  }
0x42: {  	_ =	shalt  }
0x43: {  	_ =	shalt  }
0x44: {  	_ =	shalt  }
0x45: {  	_ =	shalt  }
0x46: {  	_ =	shalt  }
0x47: {  	_ =	shalt  }
0x48: {  	_ =	shalt  }
0x49: {  	_ =	shalt  }
0x4a: {  	_ =	shalt  }
0x4b: {  	_ =	shalt  }
0x4c: {  	_ =	shalt  }
0x4d: {  	_ =	shalt  }
0x4e: {  	_ =	shalt  }
0x4f: {  	_ =	shalt  }
0x50: {  	_ =	shalt  }
0x51: {  	_ =	shalt  }
0x52: {  	_ =	shalt  }
0x53: {  	_ =	shalt  }
0x54: {  	_ =	shalt  }
0x55: {  	_ =	shalt  }
0x56: {  	_ =	shalt  }
0x57: {  	_ =	shalt  }
0x58: {  	_ =	shalt  }
0x59: {  	_ =	shalt  }
0x5a: {  	_ =	shalt  }
0x5b: {  	_ =	shalt  }
0x5c: {  	_ =	shalt  }
0x5d: {  	_ =	shalt  }
0x5e: {  	_ =	shalt  }
0x5f: {  	_ =	shalt  }
0x60: {  	_ =	shalt  }
0x61: {  	_ =	shalt  }
0x62: {  	_ =	shalt  }
0x63: {  	_ =	shalt  }
0x64: {  	_ =	shalt  }
0x65: {  	_ =	shalt  }
0x66: {  	_ =	shalt  }
0x67: {  	_ =	shalt  }
0x68: {  	_ =	shalt  }
0x69: {  	_ =	shalt  }
0x6a: {  	_ =	shalt  }
0x6b: {  	_ =	shalt  }
0x6c: {  	_ =	shalt  }
0x6d: {  	_ =	shalt  }
0x6e: {  	_ =	shalt  }
0x6f: {  	_ =	shalt  }
0x70: {  	_ =	shalt  }
0x71: {  	_ =	shalt  }
0x72: {  	_ =	shalt  }
0x73: {  	_ =	shalt  }
0x74: {  	_ =	shalt  }
0x75: {  	_ =	shalt  }
0x76: {  	_ =	shalt  }
0x77: {  	_ =	shalt  }
0x78: {  	_ =	shalt  }
0x79: {  	_ =	shalt  }
0x7a: {  	_ =	shalt  }
0x7b: {  	_ =	shalt  }
0x7c: {  	_ =	shalt  }
0x7d: {  	_ =	shalt  }
0x7e: {  	_ =	shalt  }
0x7f: {  	_ =	shalt  }
0x80: {  	_ =	shalt  }
0x81: {  	_ =	shalt  }
0x82: {  	_ =	shalt  }
0x83: {  	_ =	shalt  }
0x84: {  	_ =	shalt  }
0x85: {  	_ =	shalt  }
0x86: {  	_ =	shalt  }
0x87: {  	_ =	shalt  }
.Lfunc_end0:
.L_simem_size_0:
called_computation.2_lowered:
.L_overlay_start_0:
0x88: {  	s2 =	sld [smem:$0x3FD9]  }
0x89: {  	s3 =	sld [smem:$0x3FFE];
	_ =	sdelay $0x1  }
0x8a: {  	s1 =	srdreg.scid  }
0x8b: {  	s0 =	sand.u32 $0x1, s1  }
0x8c: {  	s17 =	sshll.u32 s0, $0xA;
	s2 =	sadd.s32 s3, s2  }
0x8d: {  	s2 =	sadd.s32 s2, s17  }
0x8e: {  	[smem:$0x3FC4] =	sst s2  }
0x8f: {  	_ = 	snop  }
0x90: {  	s2 =	sld [smem:$0x3FD0];
	(tm) =	ssettm $0x1  }
0x91: {  	s18 =	sld [smem:$0x3FFB];
	_ =	sdelay $0x3  }
0x92: {  	_ =	strace s18  }
0x93: {  	s3 =	sld [smem:$0x3FFC];
	_ =	sdelay $0x3  }
0x94: {  	_ =	strace s3  }
0x95: {  	s3 =	sld [smem:$0x3FFD];
	_ =	sdelay $0x3  }
0x96: {  	_ =	strace s3  }
0x97: {  	_ =	strace $0x8FFFFFFF  }
0x98: {  	s19 =	sld [smem:$0x3FDB];
	_ =	sdelay $0x1  }
0x99: {  	s4 =	simm.s32 $_scs_section_size  }
0x9a: {  	s5 =	simm.s32 $_size__tile_overlayer_lowered;
	s6 =	simm.s32 $_tile_overlayer_lowered  }
0x9b: {  	s22 =	simm.s32 $0x1BFF;
	s21 =	sshll.u32 s6, $0x1;
	s3 =	sadd.s32 s4, s19  }
0x9c: {  	s7 =	simm.s32 $0x0;
	s20 =	sshll.u32 s5, $0x1;
	s5 =	sadd.s32 s21, s3  }
0x9d: {  	[timem:s7], [sflag:s22] =	dma.local [hbm:s5], s20  }
0x9e: {  	_ =	swait.ge [sflag:s22], s20  }
0x9f: {  	s4 =	ssub.s32 $0x0, s20;
	[sflag:s22] =	ssyncset.done $0x0  }
0xa0: {  	[sflag:s22] =	ssyncadd.s32 s4;
	_ =	sdelay $0x1  }
0xa1: {  	s23 =	simm.s32 $0x1B8B  }
0xa2: {  	_ =	swait.ge [sflag:s23], $0x1  }
0xa3: {  	[sflag:s23] =	ssyncset.done $0x0  }
0xa4: {  	s25 =	simm.s32 $0x1B8E;
	s24 =	sld [smem:$0x3FFE];
	[sflag:s23] =	ssyncadd.s32 $0xFFFFFFFF  }
0xa5: {  	s26 =	simm.s32 $execute0_lowered;
	[smem:$0x3FD2] =	sst s25  }
0xa6: {  	s5 =	sshll.u32 s26, $0x1;
	_ =	strace $0x8000004C;
	[dreg:$0x1] =	wrdreg $0xFFFFFFFF  }
0xa7: {  	s28 =	simm.s32 $_size_execute0_lowered;
	s3 =	sadd.s32 s3, s5;
	[dreg:$0x0] =	wrdreg $0x0  }
0xa8: {  	s5 =	sshll.u32 s28, $0x1;
	[dreg:$0x2] =	wrdreg s3  }
0xa9: {  	[dreg:$0x3] =	wrdreg s5  }
0xaa: {  	[dreg:$0x4] =	wrdreg $0xC0  }
0xab: {  	_ =	task [dreg:s7], $0x5FFFF  }
0xac: {  	[dreg:$0x1] =	wrdreg $0xFFFFFFFF  }
0xad: {  	[dreg:$0x0] =	wrdreg $0x60  }
0xae: {  	[dreg:$0x2] =	wrdreg s24  }
0xaf: {  	[dreg:$0x3] =	wrdreg s2  }
0xb0: {  	[dreg:$0x4] =	wrdreg $0xA8000  }
0xb1: {  	[dreg:$0x5] =	wrdreg $0x9  }
0xb2: {  	_ =	task.clear_ibuf [dreg:s7], $0x6FFFF;
	_ =	strace $0x9000004C  }
0xb3: {  	s29 =	simm.s32 $0x9;
	_ =	strace $0x8000004E  }
0xb4: {  	_ =	swait.ge [sflag:s29], $0x1  }
0xb5: {  	[sflag:s29] =	ssyncadd.s32 $0xFFFFFFFF  }
0xb6: {  	_ =	strace $0x9000004E  }
0xb7: {  	_ =	sfence  }
0xb8: {  	s30 =	sld [smem:$0x0];
	_ =	sdelay $0x2  }
0xb9: {  	s31 =	sshll.u32 s1, $0xD;
	s1 =	sshrl.u32 s1, $0x2  }
0xba: {  	s3 =	sand.u32 $0x4000, s31;
	s1 =	sadd.s32 s1, s30  }
0xbb: {  	s0 =	sor.u32 s3, s0;
	s1 =	sshll.u32 s1, $0x11  }
0xbc: {  	s0 =	sor.u32 s1, s0  }
0xbd: {  	s0 =	sadd.s32 $0x8F2B, s0  }
0xbe: {  	[sflag:s0] =	ssyncadd.remote.s32 $0x1  }
0xbf: {  	_ =	sfence.sel $0xFFFF  }
0xc0: {  	[dreg:$0x0] =	wrdreg $0xFFFFFFFF;
	(pc) =	sbr.abs _section_cstart, $3  }
0xc1: {  	[dreg:$0x1] =	wrdreg $0xFFFFFFFF  }
0xc2: {  	_ =	task.clear_ibuf [dreg:s7], $0x2FFFF;
	_ =	strace $0x9FFFFFFF  }
0xc3: {  	(tm) =	ssettm $0x7FFFFFFF  }
tec
execute0_lowered:
.L_overlay_start_1:
0x0: {  	(tag) =	ssettag $0x1  }
0x1: {  	s0 =	rddreg [dreg:$0x0]  }
0x2: {  	s2 =	rddreg [dreg:$0x1]  }
0x3: {  	s1 =	rddreg [dreg:$0x2]  }
0x4: {  	s3 =	srdreg.scid;
	s18 =	stileid.u32  }
0x5: {  	s6 =	sand.u32 $0x1, s3;
	s3 =	simm.s32 $0x0;
	s7 =	smul.u32 $0x14000, s18  }
0x6: {  	s4 =	sadd.s32 $0x35A00, s0;
	s14 =	smul.u32 $0x50000, s18;
	s9 =	sadd.s32 $0x2C00, s0  }
0x7: {  	s5 =	smul.u32 $0x140000, s6;
	[smem:$0x7FF] =	sst s3;
	s8 =	sshll.u32 s6, $0x4  }
0x8: {  	s6 =	ssub.s32 $0x2, s6;
	_ =	strace $0x8000004D;
	s13 =	sor.u32 s18, s8  }
0x9: {  	s15 =	sshrl.u32 s6, $0x1;
	s5 =	sadd.s32 s7, s5;
	s7 =	smul.u32 $0x2800, s13  }
0xa: {  	s8 =	sshrl.u32 s14, $0x2;
	s10 =	sshrl.u32 s5, $0x3;
	s5 =	sadd.s32 $0xCC00, s0  }
0xb: {  	s0 =	sadd.s32 s10, s0;
	s7 =	sshrl.u32 s7, $0x3;
	s10 =	ssub.s32 s6, s15  }
0xc: {  	s6 =	sadd.s32 s8, s1;
	s16 =	sadd.s32 $0x280, s7;
	s11 =	sadd.s32 s2, s7  }
0xd: {  	s7 =	sadd.s32 s9, s7;
	s0 =	sadd.s32 $0x5DA00, s0;
	s19 =	smax.u32 s10, $0x1  }
0xe: {  	s20 =	sadd.s32 $0x1000, s6;
	s21 =	sadd.s32 $0x2000, s6;
	[dreg:$0x4] =	wrdreg s11  }
0xf: {  	s22 =	sadd.s32 $0x3000, s6;
	s23 =	sadd.s32 $0x4000, s6;
	[dreg:$0x5] =	wrdreg s7  }
0x10: {  	s24 =	sadd.s32 $0x5000, s6;
	s25 =	sadd.s32 $0x6000, s6;
	[dreg:$0x8] =	wrdreg s0  }
0x11: {  	s26 =	sadd.s32 $0x7000, s6;
	s2 =	sadd.s32 s2, s16;
	[dreg:$0x9] =	wrdreg s19  }
0x12: {  	s12 =	sadd.s32 $0x8000, s6;
	s17 =	sadd.s32 s9, s16;
	[dreg:$0x6] =	wrdreg s2  }
0x13: {  	s13 =	sadd.s32 $0x9000, s6;
	s0 =	sshrl.u32 s20, $0x3;
	[dreg:$0x7] =	wrdreg s17  }
0x14: {  	s14 =	sadd.s32 $0xA000, s6;
	s7 =	sshrl.u32 s22, $0x3;
	[dreg:$0xa] =	wrdreg s0  }
0x15: {  	s15 =	sadd.s32 $0xB000, s6;
	s8 =	sshrl.u32 s23, $0x3;
	[dreg:$0xc] =	wrdreg s7  }
0x16: {  	s16 =	sadd.s32 $0xC000, s6;
	s9 =	sshrl.u32 s24, $0x3;
	[dreg:$0xd] =	wrdreg s8  }
0x17: {  	s10 =	sshrl.u32 s25, $0x3;
	s11 =	sshrl.u32 s26, $0x3;
	[dreg:$0xe] =	wrdreg s9  }
0x18: {  	s12 =	sshrl.u32 s12, $0x3;
	s13 =	sshrl.u32 s13, $0x3;
	[dreg:$0xf] =	wrdreg s10  }
0x19: {  	s14 =	sshrl.u32 s14, $0x3;
	s23 =	sshrl.u32 s15, $0x3;
	[dreg:$0x10] =	wrdreg s11  }
0x1a: {  	s19 =	sadd.s32 $0x10000, s6;
	s20 =	sadd.s32 $0x11000, s6;
	[dreg:$0x11] =	wrdreg s12  }
0x1b: {  	s22 =	sadd.s32 $0x13000, s6;
	s15 =	simm.s32 $0x2;
	[dreg:$0x12] =	wrdreg s13  }
0x1c: {  	s17 =	sadd.s32 $0xD000, s6;
	s2 =	sshrl.u32 s21, $0x3;
	[dreg:$0x13] =	wrdreg s14  }
0x1d: {  	s24 =	sshrl.u32 s16, $0x3;
	s16 =	sadd.s32 $0xE000, s6;
	s29 =	sshrl.u32 s19, $0x3  }
0x1e: {  	s30 =	sshrl.u32 s20, $0x3;
	s21 =	sadd.s32 $0x12000, s6;
	s0 =	sshrl.u32 s22, $0x3  }
0x1f: {  	s8 =	simm.s32 $0x4;
	s9 =	simm.s32 $0x1400;
	s10 =	simm.s32 $0x80  }
0x20: {  	s11 =	simm.s32 $0x2800;
	s12 =	simm.s32 $0x6800;
	s13 =	simm.s32 $0x3  }
0x21: {  	s14 =	simm.s32 $0x1;
	[dreg:$0xb] =	wrdreg s2;
	s25 =	sshrl.u32 s17, $0x3  }
0x22: {  	s26 =	sshrl.u32 s16, $0x3;
	s17 =	sadd.s32 $0xF000, s6;
	s31 =	sshrl.u32 s21, $0x3  }
0x23: {  	s2 =	sshll.u32 s18, $0x6;
	s16 =	simm.s32 $0x2700;
	s18 =	simm.s32 $0x0  }
0x24: {  	s28 =	sshrl.u32 s17, $0x3;
	s7 =	sor.u32 $0x1C03, s2;
	s17 =	simm.s32 $0x2780  }
.LBB2_1:
0x25: {  	s19 =	sshrl.u32 s6, $0x3  }
0x26: {  	[spmem:s19], [sflag:s7] =	dma.local [hbm:s5], $0x200  }
0x27: {  	s20 =	rddreg [dreg:$0xa]  }
0x28: {  	[spmem:s20], [sflag:s7] =	dma.local [hbm:s5], $0x200  }
0x29: {  	s20 =	rddreg [dreg:$0xb]  }
0x2a: {  	[spmem:s20], [sflag:s7] =	dma.local [hbm:s5], $0x200  }
0x2b: {  	s20 =	rddreg [dreg:$0xc]  }
0x2c: {  	[spmem:s20], [sflag:s7] =	dma.local [hbm:s5], $0x200  }
0x2d: {  	s20 =	rddreg [dreg:$0xd]  }
0x2e: {  	[spmem:s20], [sflag:s7] =	dma.local [hbm:s5], $0x200  }
0x2f: {  	s20 =	rddreg [dreg:$0xe]  }
0x30: {  	[spmem:s20], [sflag:s7] =	dma.local [hbm:s5], $0x200  }
0x31: {  	s20 =	rddreg [dreg:$0xf]  }
0x32: {  	[spmem:s20], [sflag:s7] =	dma.local [hbm:s5], $0x200  }
0x33: {  	s20 =	rddreg [dreg:$0x10]  }
0x34: {  	[spmem:s20], [sflag:s7] =	dma.local [hbm:s5], $0x200  }
0x35: {  	s20 =	rddreg [dreg:$0x11]  }
0x36: {  	[spmem:s20], [sflag:s7] =	dma.local [hbm:s5], $0x200  }
0x37: {  	s20 =	rddreg [dreg:$0x12]  }
0x38: {  	[spmem:s20], [sflag:s7] =	dma.local [hbm:s5], $0x200  }
0x39: {  	s20 =	rddreg [dreg:$0x13]  }
0x3a: {  	[spmem:s20], [sflag:s7] =	dma.local [hbm:s5], $0x200  }
0x3b: {  	[spmem:s23], [sflag:s7] =	dma.local [hbm:s5], $0x200  }
0x3c: {  	[spmem:s24], [sflag:s7] =	dma.local [hbm:s5], $0x200  }
0x3d: {  	[spmem:s25], [sflag:s7] =	dma.local [hbm:s5], $0x200  }
0x3e: {  	[spmem:s26], [sflag:s7] =	dma.local [hbm:s5], $0x200  }
0x3f: {  	[spmem:s28], [sflag:s7] =	dma.local [hbm:s5], $0x200  }
0x40: {  	[spmem:s29], [sflag:s7] =	dma.local [hbm:s5], $0x200  }
0x41: {  	[spmem:s30], [sflag:s7] =	dma.local [hbm:s5], $0x200  }
0x42: {  	[spmem:s31], [sflag:s7] =	dma.local [hbm:s5], $0x200  }
0x43: {  	[spmem:s0], [sflag:s7] =	dma.local [hbm:s5], $0x200  }
0x44: {  	s22 =	rddreg [dreg:$0x4]  }
0x45: {  	[tilespmem:s3], [sflag:$0x4] =	stream.linear.gather [hbm4b:s22+s3], $0x1400, $0x38;
	[tilespmem:$0x1E800] =	vst v63  }
0x46: {  	_ =	swait.ge [sflag:s8], $0x1400  }
0x47: {  	[sflag:s8] =	ssyncset.done $0x0  }
0x48: {  	s21 =	rddreg [dreg:$0x5];
	[sflag:s8] =	ssyncadd.s32 $0xFFFFEC00  }
0x49: {  	[tilespmem:s9], [sflag:$0x4] =	stream.linear.gather [hbm4b:s21+s3], $0x1400, $0x38;
	[tilespmem:$0x1E800] =	vst v63  }
0x4a: {  	_ =	swait.ge [sflag:s8], $0x1400  }
0x4b: {  	[sflag:s8] =	ssyncset.done $0x0  }
0x4c: {  	[sflag:s8] =	ssyncadd.s32 $0xFFFFEC00  }
0x4d: {  	[tilespmem:s11], [sflag:$0x1] =	stream.indirect.gather [hbm4b:s4+s10], $0x80, s3, s10, $0xb8;
	[tilespmem:$0x1E800] =	vst v63  }
0x4e: {  	_ = 	snop  }
0x4f: {  	[tilespmem:s12], [sflag:$0x2] =	stream.indirect.gather [hbm4b:s4+s10], $0x80, s10, s10, $0xb8;
	[tilespmem:$0x1E800] =	vst v63  }
0x50: {  	_ =	swait.ge [sflag:s13], $0x200  }
0x51: {  	[sflag:s13] =	ssyncset.done $0x0  }
0x52: {  	[sflag:s13] =	ssyncadd.s32 $0xFFFFFE00  }
0x53: {  	_ =	swait.ge [sflag:s13], $0x200  }
0x54: {  	[sflag:s13] =	ssyncset.done $0x0  }
0x55: {  	[sflag:s13] =	ssyncadd.s32 $0xFFFFFE00  }
0x56: {  	_ =	swait.ge [sflag:s13], $0x200  }
0x57: {  	[sflag:s13] =	ssyncset.done $0x0  }
0x58: {  	[sflag:s13] =	ssyncadd.s32 $0xFFFFFE00  }
0x59: {  	_ =	swait.ge [sflag:s13], $0x200  }
0x5a: {  	[sflag:s13] =	ssyncset.done $0x0  }
0x5b: {  	[sflag:s13] =	ssyncadd.s32 $0xFFFFFE00  }
0x5c: {  	_ =	swait.ge [sflag:s13], $0x200  }
0x5d: {  	[sflag:s13] =	ssyncset.done $0x0  }
0x5e: {  	[sflag:s13] =	ssyncadd.s32 $0xFFFFFE00  }
0x5f: {  	_ =	swait.ge [sflag:s13], $0x200  }
0x60: {  	[sflag:s13] =	ssyncset.done $0x0  }
0x61: {  	[sflag:s13] =	ssyncadd.s32 $0xFFFFFE00  }
0x62: {  	_ =	swait.ge [sflag:s13], $0x200  }
0x63: {  	[sflag:s13] =	ssyncset.done $0x0  }
0x64: {  	[sflag:s13] =	ssyncadd.s32 $0xFFFFFE00  }
0x65: {  	_ =	swait.ge [sflag:s13], $0x200  }
0x66: {  	[sflag:s13] =	ssyncset.done $0x0  }
0x67: {  	[sflag:s13] =	ssyncadd.s32 $0xFFFFFE00  }
0x68: {  	_ =	swait.ge [sflag:s13], $0x200  }
0x69: {  	[sflag:s13] =	ssyncset.done $0x0  }
0x6a: {  	[sflag:s13] =	ssyncadd.s32 $0xFFFFFE00  }
0x6b: {  	_ =	swait.ge [sflag:s13], $0x200  }
0x6c: {  	[sflag:s13] =	ssyncset.done $0x0  }
0x6d: {  	[sflag:s13] =	ssyncadd.s32 $0xFFFFFE00  }
0x6e: {  	_ =	swait.ge [sflag:s13], $0x200  }
0x6f: {  	[sflag:s13] =	ssyncset.done $0x0  }
0x70: {  	[sflag:s13] =	ssyncadd.s32 $0xFFFFFE00  }
0x71: {  	_ =	swait.ge [sflag:s13], $0x200  }
0x72: {  	[sflag:s13] =	ssyncset.done $0x0  }
0x73: {  	[sflag:s13] =	ssyncadd.s32 $0xFFFFFE00  }
0x74: {  	_ =	swait.ge [sflag:s13], $0x200  }
0x75: {  	[sflag:s13] =	ssyncset.done $0x0  }
0x76: {  	[sflag:s13] =	ssyncadd.s32 $0xFFFFFE00  }
0x77: {  	_ =	swait.ge [sflag:s13], $0x200  }
0x78: {  	[sflag:s13] =	ssyncset.done $0x0  }
0x79: {  	[sflag:s13] =	ssyncadd.s32 $0xFFFFFE00  }
0x7a: {  	_ =	swait.ge [sflag:s13], $0x200  }
0x7b: {  	[sflag:s13] =	ssyncset.done $0x0  }
0x7c: {  	[sflag:s13] =	ssyncadd.s32 $0xFFFFFE00  }
0x7d: {  	_ =	swait.ge [sflag:s13], $0x200  }
0x7e: {  	[sflag:s13] =	ssyncset.done $0x0  }
0x7f: {  	[sflag:s13] =	ssyncadd.s32 $0xFFFFFE00  }
0x80: {  	_ =	swait.ge [sflag:s13], $0x200  }
0x81: {  	[sflag:s13] =	ssyncset.done $0x0  }
0x82: {  	[sflag:s13] =	ssyncadd.s32 $0xFFFFFE00  }
0x83: {  	_ =	swait.ge [sflag:s13], $0x200  }
0x84: {  	[sflag:s13] =	ssyncset.done $0x0  }
0x85: {  	[sflag:s13] =	ssyncadd.s32 $0xFFFFFE00  }
0x86: {  	_ =	swait.ge [sflag:s13], $0x200  }
0x87: {  	[sflag:s13] =	ssyncset.done $0x0  }
0x88: {  	[sflag:s13] =	ssyncadd.s32 $0xFFFFFE00  }
0x89: {  	_ =	swait.ge [sflag:s13], $0x200  }
0x8a: {  	[sflag:s13] =	ssyncset.done $0x0  }
0x8b: {  	[sflag:s13] =	ssyncadd.s32 $0xFFFFFE00  }
0x8c: {  	[bflag:$0x0] =	sbarrier.arrive $0xFFFF  }
0x8d: {  	_ =	swait.ge [sflag:s14], $0x4000  }
0x8e: {  	[sflag:s14] =	ssyncset.done $0x0  }
0x8f: {  	s22 =	simm.s32 $0x1400;
	[sflag:s14] =	ssyncadd.s32 $0xFFFFC000  }
0x90: {  	[spmem:s1] =	stream.indirect.scatter.add.f32 [tilespmem:s11], [sflag:$0x4], $0x80, s22, s10, $0xb8;
	[tilespmem:$0x1E800] =	vst v63  }
0x91: {  	_ =	swait.ge [sflag:s8], $0x4000  }
0x92: {  	[sflag:s8] =	ssyncset.done $0x0  }
0x93: {  	s21 =	simm.s32 $0x100;
	[sflag:s8] =	ssyncadd.s32 $0xFFFFC000  }
0x94: {  	[tilespmem:s11], [sflag:$0x1] =	stream.indirect.gather [hbm4b:s4+s10], $0x80, s21, s10, $0xb8;
	[tilespmem:$0x1E800] =	vst v63  }
0x95: {  	_ =	swait.ge [sflag:s15], $0x4000  }
0x96: {  	[sflag:s15] =	ssyncset.done $0x0  }
0x97: {  	s22 =	simm.s32 $0x1480;
	[sflag:s15] =	ssyncadd.s32 $0xFFFFC000  }
0x98: {  	[spmem:s1] =	stream.indirect.scatter.add.f32 [tilespmem:s12], [sflag:$0x4], $0x80, s22, s10, $0xb8;
	[tilespmem:$0x1E800] =	vst v63  }
0x99: {  	_ =	swait.ge [sflag:s8], $0x4000  }
0x9a: {  	[sflag:s8] =	ssyncset.done $0x0  }
0x9b: {  	s20 =	simm.s32 $0x400;
	s21 =	simm.s32 $0x180;
	[sflag:s8] =	ssyncadd.s32 $0xFFFFC000  }
.LBB2_2:
0x9c: {  	[tilespmem:s12], [sflag:$0x2] =	stream.indirect.gather [hbm4b:s4+s10], $0x80, s21, s10, $0xb8;
	[tilespmem:$0x1E800] =	vst v63  }
0x9d: {  	s21 =	smov.u32 s20  }
0x9e: {  	p0 =	sne.s32 s20, $0x4800;
	s20 =	sadd.s32 $0x400, s20;
	_ =	swait.ge [sflag:s14], $0x4000  }
0x9f: {  	s21 =	sshra.s32 s21, $0x2;
	[sflag:s14] =	ssyncset.done $0x0  }
0xa0: {  	s22 =	sadd.s32 $0x1400, s21;
	[sflag:s14] =	ssyncadd.s32 $0xFFFFC000  }
0xa1: {  	[spmem:s1] =	stream.indirect.scatter.add.f32 [tilespmem:s11], [sflag:$0x4], $0x80, s22, s10, $0xb8;
	[tilespmem:$0x1E800] =	vst v63  }
0xa2: {  	_ =	swait.ge [sflag:s8], $0x4000  }
0xa3: {  	[sflag:s8] =	ssyncset.done $0x0  }
0xa4: {  	s22 =	sadd.s32 $0x100, s21;
	[sflag:s8] =	ssyncadd.s32 $0xFFFFC000  }
0xa5: {  	[tilespmem:s11], [sflag:$0x1] =	stream.indirect.gather [hbm4b:s4+s10], $0x80, s22, s10, $0xb8;
	[tilespmem:$0x1E800] =	vst v63  }
0xa6: {  	_ =	swait.ge [sflag:s15], $0x4000  }
0xa7: {  	[sflag:s15] =	ssyncset.done $0x0  }
.Ltmp0:
0xa8: {  	s22 =	sadd.s32 $0x1480, s21;
	[sflag:s15] =	ssyncadd.s32 $0xFFFFC000;
	(pc) =	sbr.rel @p0 .LBB2_2-.Ltmp0, $4  }
0xa9: {  	[spmem:s1] =	stream.indirect.scatter.add.f32 [tilespmem:s12], [sflag:$0x4], $0x80, s22, s10, $0xb8;
	[tilespmem:$0x1E800] =	vst v63  }
0xaa: {  	_ =	swait.ge [sflag:s8], $0x4000  }
0xab: {  	[sflag:s8] =	ssyncset.done $0x0  }
0xac: {  	s21 =	sadd.s32 $0x180, s21;
	[sflag:s8] =	ssyncadd.s32 $0xFFFFC000  }
0xad: {  	[tilespmem:s12], [sflag:$0x2] =	stream.indirect.gather [hbm4b:s4+s10], $0x80, s21, s10, $0xb8;
	[tilespmem:$0x1E800] =	vst v63  }
0xae: {  	_ =	swait.ge [sflag:s14], $0x4000  }
0xaf: {  	[sflag:s14] =	ssyncset.done $0x0  }
0xb0: {  	[sflag:s14] =	ssyncadd.s32 $0xFFFFC000  }
0xb1: {  	[spmem:s1] =	stream.indirect.scatter.add.f32 [tilespmem:s11], [sflag:$0x4], $0x80, s16, s10, $0xb8;
	[tilespmem:$0x1E800] =	vst v63  }
0xb2: {  	_ =	swait.ge [sflag:s8], $0x4000  }
0xb3: {  	[sflag:s8] =	ssyncset.done $0x0  }
0xb4: {  	[sflag:s8] =	ssyncadd.s32 $0xFFFFC000  }
0xb5: {  	_ =	swait.ge [sflag:s15], $0x4000  }
0xb6: {  	[sflag:s15] =	ssyncset.done $0x0  }
0xb7: {  	[sflag:s15] =	ssyncadd.s32 $0xFFFFC000  }
0xb8: {  	[spmem:s1] =	stream.indirect.scatter.add.f32 [tilespmem:s12], [sflag:$0x4], $0x80, s17, s10, $0xb8;
	[tilespmem:$0x1E800] =	vst v63  }
0xb9: {  	_ =	swait.ge [sflag:s8], $0x4000  }
0xba: {  	[sflag:s8] =	ssyncset.done $0x0  }
0xbb: {  	s20 =	simm.s32 $0x0;
	s22 =	rddreg [dreg:$0x6];
	[sflag:s8] =	ssyncadd.s32 $0xFFFFC000  }
0xbc: {  	[tilespmem:s20], [sflag:$0x4] =	stream.linear.gather [hbm4b:s22+s20], $0x1400, $0x38;
	[tilespmem:$0x1E800] =	vst v63  }
0xbd: {  	_ =	swait.ge [sflag:s8], $0x1400  }
0xbe: {  	[sflag:s8] =	ssyncset.done $0x0  }
0xbf: {  	s22 =	rddreg [dreg:$0x7];
	[sflag:s8] =	ssyncadd.s32 $0xFFFFEC00  }
0xc0: {  	[tilespmem:s9], [sflag:$0x4] =	stream.linear.gather [hbm4b:s22+s20], $0x1400, $0x38;
	[tilespmem:$0x1E800] =	vst v63  }
0xc1: {  	_ =	swait.ge [sflag:s8], $0x1400  }
0xc2: {  	[sflag:s8] =	ssyncset.done $0x0  }
0xc3: {  	[sflag:s8] =	ssyncadd.s32 $0xFFFFEC00  }
0xc4: {  	[tilespmem:s11], [sflag:$0x1] =	stream.indirect.gather [hbm4b:s4+s10], $0x80, s20, s10, $0xb8;
	[tilespmem:$0x1E800] =	vst v63  }
0xc5: {  	_ = 	snop  }
0xc6: {  	[tilespmem:s12], [sflag:$0x2] =	stream.indirect.gather [hbm4b:s4+s10], $0x80, s10, s10, $0xb8;
	[tilespmem:$0x1E800] =	vst v63  }
0xc7: {  	_ =	swait.ge [sflag:s14], $0x4000  }
0xc8: {  	[sflag:s14] =	ssyncset.done $0x0  }
0xc9: {  	s22 =	simm.s32 $0x1400;
	[sflag:s14] =	ssyncadd.s32 $0xFFFFC000  }
0xca: {  	[spmem:s1] =	stream.indirect.scatter.add.f32 [tilespmem:s11], [sflag:$0x4], $0x80, s22, s10, $0xb8;
	[tilespmem:$0x1E800] =	vst v63  }
0xcb: {  	_ =	swait.ge [sflag:s8], $0x4000  }
0xcc: {  	[sflag:s8] =	ssyncset.done $0x0  }
0xcd: {  	s21 =	simm.s32 $0x100;
	[sflag:s8] =	ssyncadd.s32 $0xFFFFC000  }
0xce: {  	[tilespmem:s11], [sflag:$0x1] =	stream.indirect.gather [hbm4b:s4+s10], $0x80, s21, s10, $0xb8;
	[tilespmem:$0x1E800] =	vst v63  }
0xcf: {  	_ =	swait.ge [sflag:s15], $0x4000  }
0xd0: {  	[sflag:s15] =	ssyncset.done $0x0  }
0xd1: {  	s22 =	simm.s32 $0x1480;
	[sflag:s15] =	ssyncadd.s32 $0xFFFFC000  }
0xd2: {  	[spmem:s1] =	stream.indirect.scatter.add.f32 [tilespmem:s12], [sflag:$0x4], $0x80, s22, s10, $0xb8;
	[tilespmem:$0x1E800] =	vst v63  }
0xd3: {  	_ =	swait.ge [sflag:s8], $0x4000  }
0xd4: {  	[sflag:s8] =	ssyncset.done $0x0  }
0xd5: {  	s20 =	simm.s32 $0x400;
	s21 =	simm.s32 $0x180;
	[sflag:s8] =	ssyncadd.s32 $0xFFFFC000  }
.LBB2_4:
0xd6: {  	[tilespmem:s12], [sflag:$0x2] =	stream.indirect.gather [hbm4b:s4+s10], $0x80, s21, s10, $0xb8;
	[tilespmem:$0x1E800] =	vst v63  }
0xd7: {  	s21 =	smov.u32 s20  }
0xd8: {  	p0 =	sne.s32 s20, $0x4800;
	s20 =	sadd.s32 $0x400, s20;
	_ =	swait.ge [sflag:s14], $0x4000  }
0xd9: {  	s21 =	sshra.s32 s21, $0x2;
	[sflag:s14] =	ssyncset.done $0x0  }
0xda: {  	s22 =	sadd.s32 $0x1400, s21;
	[sflag:s14] =	ssyncadd.s32 $0xFFFFC000  }
0xdb: {  	[spmem:s1] =	stream.indirect.scatter.add.f32 [tilespmem:s11], [sflag:$0x4], $0x80, s22, s10, $0xb8;
	[tilespmem:$0x1E800] =	vst v63  }
0xdc: {  	_ =	swait.ge [sflag:s8], $0x4000  }
0xdd: {  	[sflag:s8] =	ssyncset.done $0x0  }
0xde: {  	s22 =	sadd.s32 $0x100, s21;
	[sflag:s8] =	ssyncadd.s32 $0xFFFFC000  }
0xdf: {  	[tilespmem:s11], [sflag:$0x1] =	stream.indirect.gather [hbm4b:s4+s10], $0x80, s22, s10, $0xb8;
	[tilespmem:$0x1E800] =	vst v63  }
0xe0: {  	_ =	swait.ge [sflag:s15], $0x4000  }
0xe1: {  	[sflag:s15] =	ssyncset.done $0x0  }
.Ltmp1:
0xe2: {  	s22 =	sadd.s32 $0x1480, s21;
	[sflag:s15] =	ssyncadd.s32 $0xFFFFC000;
	(pc) =	sbr.rel @p0 .LBB2_4-.Ltmp1, $4  }
0xe3: {  	[spmem:s1] =	stream.indirect.scatter.add.f32 [tilespmem:s12], [sflag:$0x4], $0x80, s22, s10, $0xb8;
	[tilespmem:$0x1E800] =	vst v63  }
0xe4: {  	_ =	swait.ge [sflag:s8], $0x4000  }
0xe5: {  	[sflag:s8] =	ssyncset.done $0x0  }
0xe6: {  	s21 =	sadd.s32 $0x180, s21;
	[sflag:s8] =	ssyncadd.s32 $0xFFFFC000  }
0xe7: {  	[tilespmem:s12], [sflag:$0x2] =	stream.indirect.gather [hbm4b:s4+s10], $0x80, s21, s10, $0xb8;
	[tilespmem:$0x1E800] =	vst v63  }
0xe8: {  	_ =	swait.ge [sflag:s14], $0x4000  }
0xe9: {  	[sflag:s14] =	ssyncset.done $0x0  }
0xea: {  	[sflag:s14] =	ssyncadd.s32 $0xFFFFC000  }
0xeb: {  	[spmem:s1] =	stream.indirect.scatter.add.f32 [tilespmem:s11], [sflag:$0x4], $0x80, s16, s10, $0xb8;
	[tilespmem:$0x1E800] =	vst v63  }
0xec: {  	_ =	swait.ge [sflag:s8], $0x4000  }
0xed: {  	[sflag:s8] =	ssyncset.done $0x0  }
0xee: {  	[sflag:s8] =	ssyncadd.s32 $0xFFFFC000  }
0xef: {  	_ =	swait.ge [sflag:s15], $0x4000  }
0xf0: {  	[sflag:s15] =	ssyncset.done $0x0  }
0xf1: {  	[sflag:s15] =	ssyncadd.s32 $0xFFFFC000  }
0xf2: {  	[spmem:s1] =	stream.indirect.scatter.add.f32 [tilespmem:s12], [sflag:$0x4], $0x80, s17, s10, $0xb8;
	[tilespmem:$0x1E800] =	vst v63  }
0xf3: {  	_ =	swait.ge [sflag:s8], $0x4000  }
0xf4: {  	[sflag:s8] =	ssyncset.done $0x0  }
0xf5: {  	[sflag:s8] =	ssyncadd.s32 $0xFFFFC000  }
0xf6: {  	[bflag:$0x0] =	sbarrier.arrive $0xFFFF  }
0xf7: {  	s20 =	sor.u32 $0x1C04, s2;
	s22 =	rddreg [dreg:$0x8]  }
0xf8: {  	[hbm:s22], [sflag:s20] =	dma.local [spmem:s19], $0x2800  }
0xf9: {  	_ =	swait.ge [sflag:s8], $0x2800  }
0xfa: {  	s18 =	sadd.s32 $0x1, s18;
	s22 =	rddreg [dreg:$0x9]  }
0xfb: {  	p0 =	sne.s32 s18, s22  }
.Ltmp2:
0xfc: {  	_ = 	snop;
	(pc) =	sbr.rel @p0 .LBB2_1-.Ltmp2, $3  }
0xfd: {  	_ =	sdelay $0x1  }
0xfe: {  	[sflag:s8] =	ssyncset.done $0x0  }
0xff: {  	[sflag:s8] =	ssyncadd.s32 $0xFFFFD800  }
0x100: {  	_ =	sfence.sel $0x180000  }
0x101: {  	[bflag:$0x0] =	sbarrier.arrive $0xFFFF  }
0x102: {  	_ =	strace $0x9000004D  }
0x103: {  	s0 =	stileid.u32;
	[bflag:$0x2] =	sbarrier.arrive $0xFFFF  }
0x104: {  	p0 =	sne.s32 s0, $0x0;
	s0 =	rddreg [dreg:$0x3]  }
0x105: {  	s0 =	sadd.s32 @!p0 $0x100000, s0  }
0x106: {  	[sflag:s0] =	ssyncadd.tile.s32 @!p0 $0x1;
	_ =	shalt  }
.Lfunc_end2:
_tile_overlayer_lowered:
.L_overlay_start_2:
0x107: {  	(tag) =	ssettag $0x2  }
0x108: {  	s0 =	rddreg [dreg:$0x0];
	s2 =	stileid.u32  }
0x109: {  	s1 =	rddreg [dreg:$0x1];
	p0 =	sne.s32 s2, $0x0  }
0x10a: {  	s3 =	rddreg [dreg:$0x2];
	[bflag:$0x3] =	sbarrier.arrive $0xFFFF;
	s2 =	simm.s32 @!p0 $0x1C04  }
0x10b: {  	[timem:s3], [sflag:s2] =	dma.local @!p0 [hbm:s0], s1  }
0x10c: {  	s0 =	simm.s32 @!p0 $0x4  }
0x10d: {  	_ =	swait.ge @!p0 [sflag:s0], s1  }
0x10e: {  	s1 =	ssub.s32 @!p0 $0x0, s1;
	[sflag:s0] =	ssyncset.done @!p0 $0x0  }
0x10f: {  	[sflag:s0] =	ssyncadd.s32 @!p0 s1  }
0x110: {  	[bflag:$0x3] =	sbarrier.arrive $0xFFFF  }
0x111: {  	_ =	shalt  }

// kernel: kernel.9.cloned.1.call-start
scs
__scs_entry_jumppad:
0x0: {  	(pc) =	sbr.rel $0x88, $3  }
0x1: {  	(tag) =	ssettag $0x0;
	lr =	simm.s32 $0x1  }
0x2: {  	[smem:$0x3F9D] =	sst lr;
	_ =	strace $0xD0000000  }
0x3: {  	_ = 	snop  }
0x4: {  	_ = 	snop  }
0x5: {  	_ = 	snop  }
0x6: {  	_ = 	snop  }
0x7: {  	_ = 	snop  }
__scs_overlays_trampoline_lowered:
0x8: {  	[smem:$0x3FAC] =	sst s0  }
0x9: {  	[smem:$0x3FAD] =	sst s1  }
0xa: {  	[smem:$0x3FAE] =	sst s2  }
0xb: {  	[smem:$0x3FAF] =	sst s3  }
0xc: {  	[smem:$0x3FB0] =	sst s4  }
0xd: {  	[smem:$0x3FB1] =	sst s5  }
0xe: {  	[smem:$0x3FB2] =	sst s6  }
0xf: {  	[smem:$0x3FB3] =	sst s7  }
0x10: {  	[smem:$0x3FB4] =	sst s8  }
0x11: {  	[smem:$0x3FB5] =	sst s9;
	s0 =	simm.s32 @!p0 $0x0  }
0x12: {  	s1 =	sld [smem:$0x3F9B];
	s0 =	simm.s32 @p0 $0x1  }
0x13: {  	[smem:$0x3FB6] =	sst s0;
	s0 =	simm.s32 @!p1 $0x0  }
0x14: {  	s2 =	sld [smem:$0x3F9A];
	s0 =	simm.s32 @p1 $0x1  }
0x15: {  	[smem:$0x3FB7] =	sst s0;
	s0 =	simm.s32 @!p2 $0x0  }
0x16: {  	s3 =	sld [smem:$0x3FDB];
	s0 =	simm.s32 @p2 $0x1  }
0x17: {  	s4 =	simm.s32 $0x1BF5;
	[smem:$0x3FB9] =	sst s0  }
0x18: {  	s0 =	sld [smem:$0x3F9C];
	_ =	swait.ge [sflag:s4], $0x0  }
0x19: {  	s7 =	sld [smem:$0x3F9D]  }
0x1a: {  	s8 =	sadd.s32 $0xFFFFE003, lr  }
0x1b: {  	s9 =	sadd.s32 $0xFFFFFEF7, lr;
	s5 =	simm.s32 $0xFFFFFFFF;
	p2 =	slt.u32 s8, $0xFFFFF086  }
0x1c: {  	p1 =	slt.u32 s9, $0xF7A;
	s5 =	simm.s32 @!p2 $0x0  }
0x1d: {  	s5 =	simm.s32 @p1 $0x1;
	p0 =	seq.s32 s7, s2  }
0x1e: {  	s7 =	smul.u32 @!p0 $0xF7A, s2;
	p2 =	seq.s32 @!p0 s5, $0x0  }
0x1f: {  	s9 =	smul.u32 $0xF7A, s1;
	s8 =	simm.s32 @!p0 $0x1BF5;
	p2 =	por !p2, p0  }
0x20: {  	[sflag:s8] =	ssyncset.s32 @!p0 $0xFFFFF086;
	s6 =	sadd.s32 @!p0 s3, s7;
	s7 =	simm.s32 @!p0 $0x108  }
0x21: {  	s3 =	sadd.s32 s3, s9;
	s6 =	sadd.s32 @!p0 $0x88, s6;
	s7 =	simm.s32 @p2 $0x1082  }
0x22: {  	[simem:s7], [sflag:s8] =	dma.local @!p0 [hbm:s6], $0xF7A  }
0x23: {  	s9 =	sor.u32 $0xD0000000, s2;
	s6 =	simm.s32 $0x108;
	_ =	swait.ge @!p0 [sflag:s8], $0x0  }
0x24: {  	s3 =	sadd.s32 $0x88, s3;
	s6 =	simm.s32 @!p1 $0x1082;
	[sflag:s4] =	ssyncset.s32 $0xFFFFF086  }
0x25: {  	[simem:s6], [sflag:s4] =	dma.local [hbm:s3], $0xF7A  }
0x26: {  	[smem:$0x3F9D] =	sst s1;
	(tag) =	ssettag s2;
	_ =	strace s9  }
0x27: {  	s1 =	sld [smem:$0x3FAD]  }
0x28: {  	s2 =	sld [smem:$0x3FAE]  }
0x29: {  	s4 =	sld [smem:$0x3FB0]  }
0x2a: {  	p0 =	seq.s32 s5, $0x0;
	s5 =	sld [smem:$0x3FB1]  }
0x2b: {  	s6 =	sld [smem:$0x3FB2]  }
0x2c: {  	s7 =	sld [smem:$0x3FB3]  }
0x2d: {  	s3 =	simm.s32 $0x108;
	s8 =	sld [smem:$0x3FB4]  }
0x2e: {  	s3 =	simm.s32 @!p0 $0x1082;
	s9 =	sld [smem:$0x3FB5]  }
0x2f: {  	lr =	sadd.s32 s0, s3;
	s0 =	sld [smem:$0x3FAC]  }
0x30: {  	s3 =	sld [smem:$0x3FAF]  }
0x31: {  	[smem:$0x3FB8] =	sst s10  }
0x32: {  	s10 =	sld [smem:$0x3FB6];
	_ =	sdelay $0x3  }
0x33: {  	p0 =	seq.s32 s10, $0x1;
	s10 =	sld [smem:$0x3FB8];
	_ =	sdelay $0x3  }
0x34: {  	[smem:$0x3FB8] =	sst s10  }
0x35: {  	s10 =	sld [smem:$0x3FB7];
	_ =	sdelay $0x3  }
0x36: {  	p1 =	seq.s32 s10, $0x1;
	s10 =	sld [smem:$0x3FB8];
	_ =	sdelay $0x3  }
0x37: {  	[smem:$0x3FB8] =	sst s10  }
0x38: {  	s10 =	sld [smem:$0x3FB9]  }
0x39: {  	_ = 	snop;
	(pc) =	sbr.ind lr, $3  }
0x3a: {  	_ = 	snop  }
0x3b: {  	_ = 	snop  }
0x3c: {  	p2 =	seq.s32 s10, $0x1;
	s10 =	sld [smem:$0x3FB8]  }
0x3d: {  	_ =	shalt  }
0x3e: {  	_ =	shalt  }
0x3f: {  	_ =	shalt  }
0x40: {  	_ =	shalt  }
0x41: {  	_ =	shalt  }
0x42: {  	_ =	shalt  }
0x43: {  	_ =	shalt  }
0x44: {  	_ =	shalt  }
0x45: {  	_ =	shalt  }
0x46: {  	_ =	shalt  }
0x47: {  	_ =	shalt  }
0x48: {  	_ =	shalt  }
0x49: {  	_ =	shalt  }
0x4a: {  	_ =	shalt  }
0x4b: {  	_ =	shalt  }
0x4c: {  	_ =	shalt  }
0x4d: {  	_ =	shalt  }
0x4e: {  	_ =	shalt  }
0x4f: {  	_ =	shalt  }
0x50: {  	_ =	shalt  }
0x51: {  	_ =	shalt  }
0x52: {  	_ =	shalt  }
0x53: {  	_ =	shalt  }
0x54: {  	_ =	shalt  }
0x55: {  	_ =	shalt  }
0x56: {  	_ =	shalt  }
0x57: {  	_ =	shalt  }
0x58: {  	_ =	shalt  }
0x59: {  	_ =	shalt  }
0x5a: {  	_ =	shalt  }
0x5b: {  	_ =	shalt  }
0x5c: {  	_ =	shalt  }
0x5d: {  	_ =	shalt  }
0x5e: {  	_ =	shalt  }
0x5f: {  	_ =	shalt  }
0x60: {  	_ =	shalt  }
0x61: {  	_ =	shalt  }
0x62: {  	_ =	shalt  }
0x63: {  	_ =	shalt  }
0x64: {  	_ =	shalt  }
0x65: {  	_ =	shalt  }
0x66: {  	_ =	shalt  }
0x67: {  	_ =	shalt  }
0x68: {  	_ =	shalt  }
0x69: {  	_ =	shalt  }
0x6a: {  	_ =	shalt  }
0x6b: {  	_ =	shalt  }
0x6c: {  	_ =	shalt  }
0x6d: {  	_ =	shalt  }
0x6e: {  	_ =	shalt  }
0x6f: {  	_ =	shalt  }
0x70: {  	_ =	shalt  }
0x71: {  	_ =	shalt  }
0x72: {  	_ =	shalt  }
0x73: {  	_ =	shalt  }
0x74: {  	_ =	shalt  }
0x75: {  	_ =	shalt  }
0x76: {  	_ =	shalt  }
0x77: {  	_ =	shalt  }
0x78: {  	_ =	shalt  }
0x79: {  	_ =	shalt  }
0x7a: {  	_ =	shalt  }
0x7b: {  	_ =	shalt  }
0x7c: {  	_ =	shalt  }
0x7d: {  	_ =	shalt  }
0x7e: {  	_ =	shalt  }
0x7f: {  	_ =	shalt  }
0x80: {  	_ =	shalt  }
0x81: {  	_ =	shalt  }
0x82: {  	_ =	shalt  }
0x83: {  	_ =	shalt  }
0x84: {  	_ =	shalt  }
0x85: {  	_ =	shalt  }
0x86: {  	_ =	shalt  }
0x87: {  	_ =	shalt  }
.Lfunc_end0:
.L_simem_size_0:
called_computation_lowered:
.L_overlay_start_0:
0x88: {  	s2 =	sld [smem:$0x3FD9]  }
0x89: {  	s3 =	sld [smem:$0x3FFE];
	_ =	sdelay $0x1  }
0x8a: {  	s1 =	srdreg.scid  }
0x8b: {  	s0 =	sand.u32 $0x1, s1  }
0x8c: {  	s16 =	sshll.u32 s0, $0xA;
	s2 =	sadd.s32 s3, s2  }
0x8d: {  	s2 =	sadd.s32 s2, s16  }
0x8e: {  	[smem:$0x3FC4] =	sst s2  }
0x8f: {  	_ = 	snop  }
0x90: {  	(tm) =	ssettm $0x1  }
0x91: {  	s17 =	sld [smem:$0x3FFB];
	_ =	sdelay $0x3  }
0x92: {  	_ =	strace s17  }
0x93: {  	s2 =	sld [smem:$0x3FFC];
	_ =	sdelay $0x3  }
0x94: {  	_ =	strace s2  }
0x95: {  	s2 =	sld [smem:$0x3FFD];
	_ =	sdelay $0x3  }
0x96: {  	_ =	strace s2  }
0x97: {  	_ =	strace $0x8FFFFFFF  }
0x98: {  	s18 =	sld [smem:$0x3FDB];
	_ =	sdelay $0x1  }
0x99: {  	s19 =	simm.s32 $_scs_section_size  }
0x9a: {  	s4 =	simm.s32 $_size__tile_overlayer_lowered;
	s5 =	simm.s32 $_tile_overlayer_lowered  }
0x9b: {  	s22 =	simm.s32 $0x1BFF;
	s21 =	sshll.u32 s5, $0x1;
	s2 =	sadd.s32 s19, s18  }
0x9c: {  	s6 =	simm.s32 $0x0;
	s20 =	sshll.u32 s4, $0x1;
	s4 =	sadd.s32 s21, s2  }
0x9d: {  	[timem:s6], [sflag:s22] =	dma.local [hbm:s4], s20  }
0x9e: {  	_ =	swait.ge [sflag:s22], s20  }
0x9f: {  	s3 =	ssub.s32 $0x0, s20;
	[sflag:s22] =	ssyncset.done $0x0  }
0xa0: {  	[sflag:s22] =	ssyncadd.s32 s3;
	_ =	sdelay $0x1  }
0xa1: {  	s23 =	simm.s32 $0x1B8B  }
0xa2: {  	_ =	swait.ge [sflag:s23], $0x1  }
0xa3: {  	[sflag:s23] =	ssyncset.done $0x0  }
0xa4: {  	s25 =	simm.s32 $0x1B8E;
	s24 =	sld [smem:$0x3FFE];
	[sflag:s23] =	ssyncadd.s32 $0xFFFFFFFF  }
0xa5: {  	s26 =	simm.s32 $execute0_lowered;
	[smem:$0x3FD2] =	sst s25  }
0xa6: {  	s4 =	sshll.u32 s26, $0x1;
	_ =	strace $0x80000046;
	[dreg:$0x1] =	wrdreg $0xFFFFFFFF  }
0xa7: {  	s28 =	simm.s32 $_size_execute0_lowered;
	s2 =	sadd.s32 s2, s4;
	[dreg:$0x0] =	wrdreg $0x0  }
0xa8: {  	s4 =	sshll.u32 s28, $0x1;
	[dreg:$0x2] =	wrdreg s2  }
0xa9: {  	[dreg:$0x3] =	wrdreg s4  }
0xaa: {  	[dreg:$0x4] =	wrdreg $0xC0  }
0xab: {  	_ =	task [dreg:s6], $0x5FFFF  }
0xac: {  	[dreg:$0x1] =	wrdreg $0xFFFFFFFF  }
0xad: {  	[dreg:$0x0] =	wrdreg $0x60  }
0xae: {  	[dreg:$0x2] =	wrdreg s24  }
0xaf: {  	[dreg:$0x3] =	wrdreg $0x28800  }
0xb0: {  	[dreg:$0x4] =	wrdreg $0x9  }
0xb1: {  	_ =	task.clear_ibuf [dreg:s6], $0x5FFFF;
	_ =	strace $0x90000046  }
0xb2: {  	s29 =	simm.s32 $0x9;
	_ =	strace $0x80000048  }
0xb3: {  	_ =	swait.ge [sflag:s29], $0x1  }
0xb4: {  	[sflag:s29] =	ssyncadd.s32 $0xFFFFFFFF  }
0xb5: {  	_ =	strace $0x90000048  }
0xb6: {  	_ =	sfence  }
0xb7: {  	s30 =	sld [smem:$0x0];
	_ =	sdelay $0x2  }
0xb8: {  	s31 =	sshll.u32 s1, $0xD;
	s1 =	sshrl.u32 s1, $0x2  }
0xb9: {  	s3 =	sand.u32 $0x4000, s31;
	s1 =	sadd.s32 s1, s30  }
0xba: {  	s0 =	sor.u32 s3, s0;
	s1 =	sshll.u32 s1, $0x11  }
0xbb: {  	s0 =	sor.u32 s1, s0  }
0xbc: {  	s0 =	sadd.s32 $0x8F2B, s0  }
0xbd: {  	[sflag:s0] =	ssyncadd.remote.s32 $0x1  }
0xbe: {  	_ =	sfence.sel $0xFFFF  }
0xbf: {  	[dreg:$0x0] =	wrdreg $0xFFFFFFFF;
	(pc) =	sbr.abs _section_cstart, $3  }
0xc0: {  	[dreg:$0x1] =	wrdreg $0xFFFFFFFF  }
0xc1: {  	_ =	task.clear_ibuf [dreg:s6], $0x2FFFF;
	_ =	strace $0x9FFFFFFF  }
0xc2: {  	(tm) =	ssettm $0x7FFFFFFF  }
0xc3: {  	_ =	shalt  }
tec
execute0_lowered:
.L_overlay_start_1:
0x0: {  	(tag) =	ssettag $0x1  }
0x1: {  	s7 =	rddreg [dreg:$0x0]  }
0x2: {  	s0 =	srdreg.scid;
	s2 =	rddreg [dreg:$0x1]  }
0x3: {  	s3 =	simm.s32 $0x0;
	s12 =	simm.s32 $0x2800;
	s13 =	simm.s32 $0x80  }
0x4: {  	s14 =	simm.s32 $0x1;
	s15 =	simm.s32 $0x20;
	s16 =	simm.s32 $0x10  }
0x5: {  	s17 =	simm.s32 $0x0;
	s6 =	sand.u32 $0x1, s0;
	s0 =	stileid.u32  }
0x6: {  	[smem:$0x7FF] =	sst s3;
	s1 =	sshll.u32 s6, $0x4;
	s5 =	smul.u32 $0x500, s0  }
0x7: {  	s9 =	sshll.u32 s6, $0x7;
	s10 =	smul.u32 $0xA00, s0;
	s6 =	ssub.s32 $0x2, s6  }
0x8: {  	s31 =	sshll.u32 s0, $0x6;
	s4 =	sor.u32 s0, s1;
	s1 =	rddreg [dreg:$0x2]  }
0x9: {  	_ =	strace $0x80000047;
	s30 =	sshrl.u32 s6, $0x1;
	s4 =	smul.u32 $0x500, s4  }
0xa: {  	s9 =	sor.u32 s9, s5;
	s5 =	sadd.s32 $0xCC00, s7;
	s10 =	sshrl.u32 s10, $0x2  }
0xb: {  	s11 =	ssub.s32 s6, s30;
	s6 =	sor.u32 $0x1C02, s31;
	s9 =	sshrl.u32 s9, $0x3  }
0xc: {  	s10 =	sadd.s32 s10, s2;
	s8 =	sadd.s32 s4, s7;
	s4 =	sadd.s32 $0xCE00, s7  }
0xd: {  	s9 =	sadd.s32 s9, s7;
	s10 =	sshrl.u32 s10, $0x3;
	s7 =	sadd.s32 $0x2C00, s8  }
0xe: {  	s8 =	sadd.s32 $0xD000, s9;
	s9 =	smax.u32 s11, $0x1;
	s11 =	simm.s32 $0x2  }
.LBB2_1:
0xf: {  	[spmem:s10], [sflag:s6] =	dma.local [hbm:s5], $0x50  }
0x10: {  	_ =	swait.ge [sflag:s11], $0x50  }
0x11: {  	[sflag:s11] =	ssyncset.done $0x0  }
0x12: {  	[sflag:s11] =	ssyncadd.s32 $0xFFFFFFB0  }
0x13: {  	[tilespmem:s12], [sflag:$0x2] =	stream.linear.gather [hbm4b:s4+s3], $0x80, $0x38;
	[tilespmem:$0x2B00] =	vst v63  }
0x14: {  	_ =	swait.ge [sflag:s11], $0x80  }
0x15: {  	[sflag:s11] =	ssyncset.done $0x0  }
0x16: {  	[sflag:s11] =	ssyncadd.s32 $0xFFFFFF80  }
0x17: {  	[tilespmem:s3], [sflag:$0x2] =	stream.linear.gather [hbm4b:s7+s3], $0x2800, $0x38;
	[tilespmem:$0x2B00] =	vst v63  }
0x18: {  	_ =	swait.ge [sflag:s11], $0x2800  }
0x19: {  	[sflag:s11] =	ssyncset.done $0x0  }
0x1a: {  	[sflag:s11] =	ssyncadd.s32 $0xFFFFD800  }
0x1b: {  	s18 =	simm.s32 $0x0;
	[bflag:$0x0] =	sbarrier.arrive $0xFFFF  }
.LBB2_2:
0x1c: {  	p0 =	sne.s32 s18, $0x9E00  }
.Ltmp0:
0x1d: {  	_ = 	snop;
	(pc) =	sbr.rel @p0 .LBB2_2-.Ltmp0, $3  }
0x1e: {  	_ =	sdelay $0x1  }
0x1f: {  	s19 =	sshra.s32 s18, $0x2;
	s18 =	sadd.s32 $0x200, s18  }
0x20: {  	[spmem:s2] =	stream.indirect.scatter.add.f32 [tilespmem:s12], [sflag:$0x1], $0x1, s19, s13, $0xb8;
	[tilespmem:$0x2B00] =	vst v63  }
0x21: {  	_ =	swait.ge [sflag:s14], $0x80  }
0x22: {  	s18 =	simm.s32 $0x4F;
	[sflag:s14] =	ssyncset.done $0x0  }
.LBB2_4:
0x23: {  	p0 =	sne.s32 s18, $0x1;
	s18 =	sadd.s32 $0xFFFFFFFF, s18;
	[sflag:s14] =	ssyncadd.s32 $0xFFFFFF80  }
.Ltmp1:
0x24: {  	(pc) =	sbr.rel @p0 .LBB2_4-.Ltmp1, $3  }
0x25: {  	_ =	sdelay $0x1  }
0x26: {  	_ =	swait.ge [sflag:s14], $0x80  }
0x27: {  	[sflag:s14] =	ssyncset.done $0x0  }
0x28: {  	s17 =	sadd.s32 $0x1, s17  }
0x29: {  	[sflag:s14] =	ssyncadd.s32 $0xFFFFFF80;
	p0 =	sne.s32 s17, s9  }
.Ltmp2:
0x2a: {  	[bflag:$0x0] =	sbarrier.arrive $0xFFFF;
	(pc) =	sbr.rel @p0 .LBB2_1-.Ltmp2, $4  }
0x2b: {  	[hbm:s8@s15], [sflag:s6] =	dma.strided [spmem:s10@s16], $0x50, s14, $0x10   }
0x2c: {  	_ =	swait.ge [sflag:s11], $0x50  }
0x2d: {  	[sflag:s11] =	ssyncset.done $0x0  }
0x2e: {  	[sflag:s11] =	ssyncadd.s32 $0xFFFFFFB0  }
0x2f: {  	_ =	sfence.sel $0x180000  }
0x30: {  	[bflag:$0x0] =	sbarrier.arrive $0xFFFF  }
0x31: {  	p0 =	sne.s32 s0, $0x0;
	_ =	strace $0x90000047  }
0x32: {  	s0 =	sadd.s32 @!p0 $0x100000, s1;
	[bflag:$0x2] =	sbarrier.arrive $0xFFFF  }
0x33: {  	[sflag:s0] =	ssyncadd.tile.s32 @!p0 $0x1;
	_ =	shalt  }
.Lfunc_end2:
_tile_overlayer_lowered:
.L_overlay_start_2:
0x34: {  	(tag) =	ssettag $0x2  }
0x35: {  	s0 =	rddreg [dreg:$0x0];
	s2 =	stileid.u32  }
0x36: {  	s1 =	rddreg [dreg:$0x1];
	p0 =	sne.s32 s2, $0x0  }
0x37: {  	s3 =	rddreg [dreg:$0x2];
	[bflag:$0x3] =	sbarrier.arrive $0xFFFF;
	s2 =	simm.s32 @!p0 $0x1C02  }
0x38: {  	[timem:s3], [sflag:s2] =	dma.local @!p0 [hbm:s0], s1  }
0x39: {  	s0 =	simm.s32 @!p0 $0x2  }
0x3a: {  	_ =	swait.ge @!p0 [sflag:s0], s1  }
0x3b: {  	s1 =	ssub.s32 @!p0 $0x0, s1;
	[sflag:s0] =	ssyncset.done @!p0 $0x0  }
0x3c: {  	[sflag:s0] =	ssyncadd.s32 @!p0 s1  }
0x3d: {  	[bflag:$0x3] =	sbarrier.arrive $0xFFFF  }
0x3e: {  	_ =	shalt  }

</sc_bundles>
